<compile_context>
chip_gen: v7x
topology: tpu7x:2x2x1
jax: 0.10.2.dev20260603
libtpu: 0.0.44.dev20260713+nightly
codegen_flags: <defaults>
</compile_context>

<pallas_src>
import functools

import numpy as np
import jax
import jax.numpy as jnp
from jax import lax
from jax.experimental import pallas as pl
from jax.experimental.pallas import tpu as pltpu
from jax.experimental.pallas import tpu_sc as plsc

_MAX_LEN = 200
_EMB_DIM = 64
_NW = 32
_NBUF = 4
_LAG = 2
_BLKR = 16
_L0 = 104
_L1 = 96


def _make_pe_np():
    pos = np.expand_dims(np.arange(_MAX_LEN), 1)
    pe = pos / np.power(
        1000, 2 * np.expand_dims(np.arange(_EMB_DIM) // 2, 0) / _EMB_DIM
    )
    pe = pe.astype(np.float64)
    pe[:, 0::2] = np.sin(pe[:, 0::2])
    pe[:, 1::2] = np.cos(pe[:, 1::2])
    return pe.astype(np.float32)


_PE = _make_pe_np()
_HL = (_L0, _L1)
_HOFF = (0, _L0)


def _emb_sc(table2, xi, pe):
    n_rows = xi.shape[0]
    rows_per_w = n_rows // _NW
    n_chunks = rows_per_w * 2
    n_blks = rows_per_w // _BLKR
    rpb = _BLKR * 2 // _NBUF
    n_rounds = n_chunks // _NBUF
    mesh = plsc.VectorSubcoreMesh(core_axis_name="c", subcore_axis_name="s")

    @functools.partial(
        pl.kernel,
        mesh=mesh,
        out_type=jax.ShapeDtypeStruct((n_rows, _MAX_LEN, _EMB_DIM), jnp.float32),
        scratch_types=[
            pltpu.VMEM((2, _BLKR, _MAX_LEN), jnp.int32),
            pltpu.VMEM((2, _BLKR, 256), jnp.int32),
            pltpu.VMEM((_MAX_LEN, _EMB_DIM), jnp.float32),
            pltpu.VMEM((_NBUF, _L0, 2 * _EMB_DIM), jnp.float32),
            pltpu.VMEM((2, _L0, _EMB_DIM), jnp.float32),
            pltpu.SemaphoreType.DMA,
            pltpu.SemaphoreType.DMA((_NBUF,)),
            pltpu.SemaphoreType.DMA((2,)),
        ],
        compiler_params=pltpu.CompilerParams(needs_layout_passes=False),
    )
    def k(tab_h, xi_h, pe_h, out_h, idx_v, idx2_v, pe_v, rows_v,
          cbuf_v, sem_ix, sem_g, sem_o):
        cid = lax.axis_index("c")
        sid = lax.axis_index("s")
        wid = sid * 2 + cid
        base_row = wid * rows_per_w
        pltpu.sync_copy(pe_h, pe_v)

        def stage_idx(s_blk, buf, sync):
            src = xi_h.at[pl.ds(base_row + s_blk * _BLKR, _BLKR)]
            if sync:
                pltpu.sync_copy(src, idx_v.at[buf])
            else:
                pltpu.async_copy(src, idx_v.at[buf], sem_ix)

        def wait_idx(buf):
            pltpu.make_async_copy(
                xi_h.at[pl.ds(0, _BLKR)], idx_v.at[buf], sem_ix
            ).wait()

        def shift_idx(buf):
            def row_it(rr, carry):
                for h in range(2):
                    offs = (
                        (0, 16, 32, 48, 64, 80, 88)
                        if h == 0
                        else (104, 112, 128, 144, 160, 176, 184)
                    )
                    s0 = _HOFF[h]
                    d0 = h * 128
                    for so in offs:
                        idx2_v[buf, rr, pl.ds(d0 + so - s0, 16)] = idx_v[
                            buf, rr, pl.ds(so, 16)
                        ]
                return carry

            lax.fori_loop(0, _BLKR, row_it, 0)

        def start_gather(g, buf, rr, h):
            pltpu.async_copy(
                tab_h.at[idx2_v.at[buf, rr, pl.ds(h * 128, _HL[h])]],
                rows_v.at[g, pl.ds(0, _HL[h])],
                sem_g.at[g],
            )

        def wait_gather(g, h):
            pltpu.make_async_copy(
                tab_h.at[idx2_v.at[0, 0, pl.ds(0, _HL[h])]],
                rows_v.at[g, pl.ds(0, _HL[h])],
                sem_g.at[g],
            ).wait()

        def start_store(ss, row, h):
            pltpu.async_copy(
                cbuf_v.at[ss, pl.ds(0, _HL[h])],
                out_h.at[row, pl.ds(_HOFF[h], _HL[h])],
                sem_o.at[ss],
            )

        def wait_store(ss, h):
            pltpu.make_async_copy(
                cbuf_v.at[ss, pl.ds(0, _HL[h])],
                out_h.at[0, pl.ds(_HOFF[h], _HL[h])],
                sem_o.at[ss],
            ).wait()

        def compact_pe(g, ss, h):
            def row_it(i, carry):
                for j in range(4):
                    sl = pl.ds(16 * j, 16)
                    cbuf_v[ss, i, sl] = (
                        rows_v[g, i, sl] + pe_v[_HOFF[h] + i, sl]
                    )
                return carry

            lax.fori_loop(0, _HL[h], row_it, 0)

        stage_idx(0, 0, True)
        shift_idx(0)
        stage_idx(1, 1, False)

        for b in range(_NBUF):
            h = b % 2
            start_gather(b, 0, b // 2, h)
            if b >= _LAG:
                cd = b - _LAG
                wait_gather(cd % _NBUF, h)
                compact_pe(cd % _NBUF, h, h)
                start_store(h, base_row + cd // 2, h)

        def round_body(r, carry):
            s_blk = r // rpb
            buf = lax.rem(s_blk, 2)

            @pl.when(lax.rem(r, rpb) == 0)
            def _():
                wait_idx(buf)
                shift_idx(buf)

            for b in range(_NBUF):
                c = r * _NBUF + b
                h = b % 2
                row = 2 * r + b // 2
                rr = lax.rem(row, _BLKR)
                start_gather(b, buf, rr, h)
                cd_row = 2 * r + (b - 2) // 2
                sg = (b + _LAG) % _NBUF
                wait_gather(sg, h)
                wait_store(h, h)
                compact_pe(sg, h, h)
                start_store(h, base_row + cd_row, h)
                if b == _LAG - 1:
                    @pl.when((lax.rem(r, rpb) == 0) & (s_blk < n_blks - 1))
                    def _():
                        stage_idx(s_blk + 1, 1 - buf, False)
            return carry

        lax.fori_loop(1, n_rounds, round_body, 0)

        for e in range(_LAG):
            cd = n_chunks - _LAG + e
            h = cd % 2
            sg = cd % _NBUF
            wait_gather(sg, h)
            wait_store(h, h)
            compact_pe(sg, h, h)
            start_store(h, base_row + rows_per_w - 1, h)
        for h in range(2):
            wait_store(h, h)

    return k(table2, xi, pe)


def kernel(x, table):
    xi = x.astype(jnp.int32)
    table2 = jnp.pad(table, ((0, 0), (0, _EMB_DIM)))
    pe = jnp.asarray(_PE)
    return _emb_sc(table2, xi, pe)

# --- scband reference (transcript-rebuilt; emitter-appended) ---
"""Pipeline reference for scband-position-embedding-45784351375720 (READ-ONLY COPY).

The authoritative reference and input builder live on the scoring server;
editing this copy changes nothing except your own understanding.
"""

import jax, jax.numpy as jnp
import numpy as np

MAX_LEN = 200
EMB_DIM = 64
N_VOCAB = 1000000
BATCH = 16384


def make_pe(max_len, emb_dim):
    pos = np.expand_dims(np.arange(max_len), 1)
    pe = pos / np.power(1000, 2 * np.expand_dims(np.arange(emb_dim) // 2, 0) / emb_dim)
    pe = pe.astype(np.float64)
    pe[:, 0::2] = np.sin(pe[:, 0::2])
    pe[:, 1::2] = np.cos(pe[:, 1::2])
    pe = np.expand_dims(pe, 0)
    return jnp.asarray(pe, dtype=jnp.float32)


def setup_inputs(seed: int = 0) -> dict:
    key = jax.random.key(seed)
    k_idx, k_tab = jax.random.split(key)
    x = jax.random.randint(k_idx, (BATCH, MAX_LEN), 0, N_VOCAB, dtype=jnp.int64)
    table = jax.random.normal(k_tab, (N_VOCAB, EMB_DIM), dtype=jnp.float32) * 0.1
    return {"x": x, "table": table}


def reference(x, table):
    pe = make_pe(MAX_LEN, EMB_DIM)  # [1, max_len, emb_dim]
    x_embed = jnp.take(table, x.astype(jnp.int32), axis=0)  # [B, max_len, emb_dim]
    x_embed = x_embed + pe
    return x_embed

if __name__ == "__main__":
    import jax
    _d = setup_inputs()
    print(jax.jit(kernel)(*tuple(_d.values())))

</pallas_src>

<mosaic_0001>
#map = affine_map<(d0, d1) -> (0, 0)>
#map1 = affine_map<(d0, d1) -> (0, 0, 0)>
module attributes {stable_mosaic.version = 14 : i64} {
  func.func @k(%arg0: i32, %arg1: i32, %arg2: memref<1000000x128xf32, #tpu.memory_space<hbm>>, %arg3: memref<16384x200xi32, #tpu.memory_space<hbm>>, %arg4: memref<200x64xf32, #tpu.memory_space<hbm>>, %arg5: memref<16384x200x64xf32, #tpu.memory_space<hbm>>, %arg6: memref<2x16x200xi32, #tpu.memory_space<vmem>>, %arg7: memref<2x16x256xi32, #tpu.memory_space<vmem>>, %arg8: memref<200x64xf32, #tpu.memory_space<vmem>>, %arg9: memref<4x104x128xf32, #tpu.memory_space<vmem>>, %arg10: memref<2x104x64xf32, #tpu.memory_space<vmem>>, %arg11: memref<!tpu.dma_semaphore, #tpu.memory_space<semaphore_mem>>, %arg12: memref<4x!tpu.dma_semaphore, #tpu.memory_space<semaphore_mem>>, %arg13: memref<2x!tpu.dma_semaphore, #tpu.memory_space<semaphore_mem>>) attributes {dimension_semantics = [#tpu.dimension_semantics<core_parallel>, #tpu.dimension_semantics<subcore_parallel>], iteration_bounds = array<i64: 2, 16>, scalar_prefetch = 0 : i64, scratch_operands = 8 : i64, tpu.core_type = #tpu.core_type<sc_vector_subcore>, window_params = [{transform_indices = #map}, {transform_indices = #map}, {transform_indices = #map}, {transform_indices = #map1}]} {
    %mul3A = arith.constant 2 : i32
    %mul3A_0 = arith.muli %arg1, %mul3A : i32
    %add3A = arith.addi %mul3A_0, %arg0 : i32
    %mul3A_1 = arith.constant 512 : i32
    %mul3A_2 = arith.muli %add3A, %mul3A_1 : i32
    "tpu.region"() ({
      %run_scoped3A_356 = tpu.sem_alloc : memref<!tpu.dma_semaphore, #tpu.memory_space<semaphore_mem>>
      tpu.enqueue_dma source(%arg4 : memref<200x64xf32, #tpu.memory_space<hbm>>) target(%arg8 : memref<200x64xf32, #tpu.memory_space<vmem>>) target_semaphore(%run_scoped3A_356 : memref<!tpu.dma_semaphore, #tpu.memory_space<semaphore_mem>>)
      tpu.wait_dma2 semaphore(%run_scoped3A_356 : memref<!tpu.dma_semaphore, #tpu.memory_space<semaphore_mem>>) src(%arg4 : memref<200x64xf32, #tpu.memory_space<hbm>>) dst(%arg8 : memref<200x64xf32, #tpu.memory_space<vmem>>)
      tpu.yield
    }) : () -> ()
    %add3A_3 = arith.constant 0 : i32
    %add3A_4 = arith.addi %mul3A_2, %add3A_3 : i32
    %run_scoped3A = arith.constant 0 : i32
    "tpu.region"() ({
      %run_scoped3A_356 = tpu.sem_alloc : memref<!tpu.dma_semaphore, #tpu.memory_space<semaphore_mem>>
      %dma_start3A_357 = arith.constant 0 : i32
      %dma_start3A_358 = arith.constant 0 : i32
      %dma_start3A_359 = tpu.memref_slice %arg6[%run_scoped3A, %dma_start3A_357, %dma_start3A_358] : memref<2x16x200xi32, #tpu.memory_space<vmem>> -> memref<1x16x200xi32, #tpu.memory_space<vmem>>
      %dma_start3A_360 = tpu.memref_squeeze %dma_start3A_359 : memref<1x16x200xi32, #tpu.memory_space<vmem>> -> memref<16x200xi32, #tpu.memory_space<vmem>>
      %dma_start3A_361 = arith.constant 0 : i32
      %dma_start3A_362 = tpu.memref_slice %arg3[%add3A_4, %dma_start3A_361] : memref<16384x200xi32, #tpu.memory_space<hbm>> -> memref<16x200xi32, #tpu.memory_space<hbm>>
      %dma_start3A_363 = arith.constant 0 : i32
      %dma_start3A_364 = arith.constant 0 : i32
      %dma_start3A_365 = tpu.memref_slice %arg6[%run_scoped3A, %dma_start3A_363, %dma_start3A_364] : memref<2x16x200xi32, #tpu.memory_space<vmem>> -> memref<1x16x200xi32, #tpu.memory_space<vmem>>
      %dma_start3A_366 = tpu.memref_squeeze %dma_start3A_365 : memref<1x16x200xi32, #tpu.memory_space<vmem>> -> memref<16x200xi32, #tpu.memory_space<vmem>>
      %dma_start3A_367 = arith.constant 0 : i32
      %dma_start3A_368 = tpu.memref_slice %arg3[%add3A_4, %dma_start3A_367] : memref<16384x200xi32, #tpu.memory_space<hbm>> -> memref<16x200xi32, #tpu.memory_space<hbm>>
      tpu.enqueue_dma source(%dma_start3A_368 : memref<16x200xi32, #tpu.memory_space<hbm>>) target(%dma_start3A_366 : memref<16x200xi32, #tpu.memory_space<vmem>>) target_semaphore(%run_scoped3A_356 : memref<!tpu.dma_semaphore, #tpu.memory_space<semaphore_mem>>)
      %dma_wait3A_369 = arith.constant 0 : i32
      %dma_wait3A_370 = arith.constant 0 : i32
      %dma_wait3A_371 = tpu.memref_slice %arg6[%run_scoped3A, %dma_wait3A_369, %dma_wait3A_370] : memref<2x16x200xi32, #tpu.memory_space<vmem>> -> memref<1x16x200xi32, #tpu.memory_space<vmem>>
      %dma_wait3A_372 = tpu.memref_squeeze %dma_wait3A_371 : memref<1x16x200xi32, #tpu.memory_space<vmem>> -> memref<16x200xi32, #tpu.memory_space<vmem>>
      %dma_wait3A_373 = arith.constant 0 : i32
      %dma_wait3A_374 = tpu.memref_slice %arg3[%add3A_4, %dma_wait3A_373] : memref<16384x200xi32, #tpu.memory_space<hbm>> -> memref<16x200xi32, #tpu.memory_space<hbm>>
      %dma_wait3A_375 = arith.constant 0 : i32
      %dma_wait3A_376 = arith.constant 0 : i32
      %dma_wait3A_377 = tpu.memref_slice %arg6[%run_scoped3A, %dma_wait3A_375, %dma_wait3A_376] : memref<2x16x200xi32, #tpu.memory_space<vmem>> -> memref<1x16x200xi32, #tpu.memory_space<vmem>>
      %dma_wait3A_378 = tpu.memref_squeeze %dma_wait3A_377 : memref<1x16x200xi32, #tpu.memory_space<vmem>> -> memref<16x200xi32, #tpu.memory_space<vmem>>
      %dma_wait3A_379 = arith.constant 0 : i32
      %dma_wait3A_380 = tpu.memref_slice %arg3[%add3A_4, %dma_wait3A_379] : memref<16384x200xi32, #tpu.memory_space<hbm>> -> memref<16x200xi32, #tpu.memory_space<hbm>>
      tpu.wait_dma2 semaphore(%run_scoped3A_356 : memref<!tpu.dma_semaphore, #tpu.memory_space<semaphore_mem>>) src(%dma_wait3A_380 : memref<16x200xi32, #tpu.memory_space<hbm>>) dst(%dma_wait3A_378 : memref<16x200xi32, #tpu.memory_space<vmem>>)
      tpu.yield
    }) : () -> ()
    %scan3A = arith.constant 0 : i32
    %scan3A_5 = arith.constant 0 : i32
    %scan3A_6 = arith.constant 16 : i32
    %scan3A_7 = arith.addi %scan3A_5, %scan3A_6 : i32
    %scan3A_8 = arith.constant 1 : i32
    scf.for %scan3A_356 = %scan3A_5 to %scan3A_7 step %scan3A_8  : i32 {
      %get3A = arith.constant 0 : i32
      %get3A_357 = arith.index_cast %get3A : i32 to index
      %get3A_358 = arith.index_cast %scan3A_356 : i32 to index
      %get3A_359 = arith.constant 0 : index
      %get3A_360 = tpu.vector_load %arg6[%get3A_357, %get3A_358, %get3A_359] {strides = array<i32>} : memref<2x16x200xi32, #tpu.memory_space<vmem>>, vector<16xi32>,
      %swap3A = arith.constant 0 : i32
      %swap3A_361 = arith.index_cast %swap3A : i32 to index
      %swap3A_362 = arith.index_cast %scan3A_356 : i32 to index
      %swap3A_363 = arith.constant 0 : index
      %swap3A_364 = tpu.vector_load %arg7[%swap3A_361, %swap3A_362, %swap3A_363] {strides = array<i32>} : memref<2x16x256xi32, #tpu.memory_space<vmem>>, vector<16xi32>,
      tpu.vector_store %arg7[%swap3A_361, %swap3A_362, %swap3A_363], %get3A_360 {strides = array<i32>} : memref<2x16x256xi32, #tpu.memory_space<vmem>>, vector<16xi32>,
      %get3A_365 = arith.constant 0 : i32
      %get3A_366 = arith.index_cast %get3A_365 : i32 to index
      %get3A_367 = arith.index_cast %scan3A_356 : i32 to index
      %get3A_368 = arith.constant 16 : index
      %get3A_369 = tpu.vector_load %arg6[%get3A_366, %get3A_367, %get3A_368] {strides = array<i32>} : memref<2x16x200xi32, #tpu.memory_space<vmem>>, vector<16xi32>,
      %swap3A_370 = arith.constant 0 : i32
      %swap3A_371 = arith.index_cast %swap3A_370 : i32 to index
      %swap3A_372 = arith.index_cast %scan3A_356 : i32 to index
      %swap3A_373 = arith.constant 16 : index
      %swap3A_374 = tpu.vector_load %arg7[%swap3A_371, %swap3A_372, %swap3A_373] {strides = array<i32>} : memref<2x16x256xi32, #tpu.memory_space<vmem>>, vector<16xi32>,
      tpu.vector_store %arg7[%swap3A_371, %swap3A_372, %swap3A_373], %get3A_369 {strides = array<i32>} : memref<2x16x256xi32, #tpu.memory_space<vmem>>, vector<16xi32>,
      %get3A_375 = arith.constant 0 : i32
      %get3A_376 = arith.index_cast %get3A_375 : i32 to index
      %get3A_377 = arith.index_cast %scan3A_356 : i32 to index
      %get3A_378 = arith.constant 32 : index
      %get3A_379 = tpu.vector_load %arg6[%get3A_376, %get3A_377, %get3A_378] {strides = array<i32>} : memref<2x16x200xi32, #tpu.memory_space<vmem>>, vector<16xi32>,
      %swap3A_380 = arith.constant 0 : i32
      %swap3A_381 = arith.index_cast %swap3A_380 : i32 to index
      %swap3A_382 = arith.index_cast %scan3A_356 : i32 to index
      %swap3A_383 = arith.constant 32 : index
      %swap3A_384 = tpu.vector_load %arg7[%swap3A_381, %swap3A_382, %swap3A_383] {strides = array<i32>} : memref<2x16x256xi32, #tpu.memory_space<vmem>>, vector<16xi32>,
      tpu.vector_store %arg7[%swap3A_381, %swap3A_382, %swap3A_383], %get3A_379 {strides = array<i32>} : memref<2x16x256xi32, #tpu.memory_space<vmem>>, vector<16xi32>,
      %get3A_385 = arith.constant 0 : i32
      %get3A_386 = arith.index_cast %get3A_385 : i32 to index
      %get3A_387 = arith.index_cast %scan3A_356 : i32 to index
      %get3A_388 = arith.constant 48 : index
      %get3A_389 = tpu.vector_load %arg6[%get3A_386, %get3A_387, %get3A_388] {strides = array<i32>} : memref<2x16x200xi32, #tpu.memory_space<vmem>>, vector<16xi32>,
      %swap3A_390 = arith.constant 0 : i32
      %swap3A_391 = arith.index_cast %swap3A_390 : i32 to index
      %swap3A_392 = arith.index_cast %scan3A_356 : i32 to index
      %swap3A_393 = arith.constant 48 : index
      %swap3A_394 = tpu.vector_load %arg7[%swap3A_391, %swap3A_392, %swap3A_393] {strides = array<i32>} : memref<2x16x256xi32, #tpu.memory_space<vmem>>, vector<16xi32>,
      tpu.vector_store %arg7[%swap3A_391, %swap3A_392, %swap3A_393], %get3A_389 {strides = array<i32>} : memref<2x16x256xi32, #tpu.memory_space<vmem>>, vector<16xi32>,
      %get3A_395 = arith.constant 0 : i32
      %get3A_396 = arith.index_cast %get3A_395 : i32 to index
      %get3A_397 = arith.index_cast %scan3A_356 : i32 to index
      %get3A_398 = arith.constant 64 : index
      %get3A_399 = tpu.vector_load %arg6[%get3A_396, %get3A_397, %get3A_398] {strides = array<i32>} : memref<2x16x200xi32, #tpu.memory_space<vmem>>, vector<16xi32>,
      %swap3A_400 = arith.constant 0 : i32
      %swap3A_401 = arith.index_cast %swap3A_400 : i32 to index
      %swap3A_402 = arith.index_cast %scan3A_356 : i32 to index
      %swap3A_403 = arith.constant 64 : index
      %swap3A_404 = tpu.vector_load %arg7[%swap3A_401, %swap3A_402, %swap3A_403] {strides = array<i32>} : memref<2x16x256xi32, #tpu.memory_space<vmem>>, vector<16xi32>,
      tpu.vector_store %arg7[%swap3A_401, %swap3A_402, %swap3A_403], %get3A_399 {strides = array<i32>} : memref<2x16x256xi32, #tpu.memory_space<vmem>>, vector<16xi32>,
      %get3A_405 = arith.constant 0 : i32
      %get3A_406 = arith.index_cast %get3A_405 : i32 to index
      %get3A_407 = arith.index_cast %scan3A_356 : i32 to index
      %get3A_408 = arith.constant 80 : index
      %get3A_409 = tpu.vector_load %arg6[%get3A_406, %get3A_407, %get3A_408] {strides = array<i32>} : memref<2x16x200xi32, #tpu.memory_space<vmem>>, vector<16xi32>,
      %swap3A_410 = arith.constant 0 : i32
      %swap3A_411 = arith.index_cast %swap3A_410 : i32 to index
      %swap3A_412 = arith.index_cast %scan3A_356 : i32 to index
      %swap3A_413 = arith.constant 80 : index
      %swap3A_414 = tpu.vector_load %arg7[%swap3A_411, %swap3A_412, %swap3A_413] {strides = array<i32>} : memref<2x16x256xi32, #tpu.memory_space<vmem>>, vector<16xi32>,
      tpu.vector_store %arg7[%swap3A_411, %swap3A_412, %swap3A_413], %get3A_409 {strides = array<i32>} : memref<2x16x256xi32, #tpu.memory_space<vmem>>, vector<16xi32>,
      %get3A_415 = arith.constant 0 : i32
      %get3A_416 = arith.index_cast %get3A_415 : i32 to index
      %get3A_417 = arith.index_cast %scan3A_356 : i32 to index
      %get3A_418 = arith.constant 88 : index
      %get3A_419 = tpu.vector_load %arg6[%get3A_416, %get3A_417, %get3A_418] {strides = array<i32>} : memref<2x16x200xi32, #tpu.memory_space<vmem>>, vector<16xi32>,
      %swap3A_420 = arith.constant 0 : i32
      %swap3A_421 = arith.index_cast %swap3A_420 : i32 to index
      %swap3A_422 = arith.index_cast %scan3A_356 : i32 to index
      %swap3A_423 = arith.constant 88 : index
      %swap3A_424 = tpu.vector_load %arg7[%swap3A_421, %swap3A_422, %swap3A_423] {strides = array<i32>} : memref<2x16x256xi32, #tpu.memory_space<vmem>>, vector<16xi32>,
      tpu.vector_store %arg7[%swap3A_421, %swap3A_422, %swap3A_423], %get3A_419 {strides = array<i32>} : memref<2x16x256xi32, #tpu.memory_space<vmem>>, vector<16xi32>,
      %get3A_425 = arith.constant 0 : i32
      %get3A_426 = arith.index_cast %get3A_425 : i32 to index
      %get3A_427 = arith.index_cast %scan3A_356 : i32 to index
      %get3A_428 = arith.constant 104 : index
      %get3A_429 = tpu.vector_load %arg6[%get3A_426, %get3A_427, %get3A_428] {strides = array<i32>} : memref<2x16x200xi32, #tpu.memory_space<vmem>>, vector<16xi32>,
      %swap3A_430 = arith.constant 0 : i32
      %swap3A_431 = arith.index_cast %swap3A_430 : i32 to index
      %swap3A_432 = arith.index_cast %scan3A_356 : i32 to index
      %swap3A_433 = arith.constant 128 : index
      %swap3A_434 = tpu.vector_load %arg7[%swap3A_431, %swap3A_432, %swap3A_433] {strides = array<i32>} : memref<2x16x256xi32, #tpu.memory_space<vmem>>, vector<16xi32>,
      tpu.vector_store %arg7[%swap3A_431, %swap3A_432, %swap3A_433], %get3A_429 {strides = array<i32>} : memref<2x16x256xi32, #tpu.memory_space<vmem>>, vector<16xi32>,
      %get3A_435 = arith.constant 0 : i32
      %get3A_436 = arith.index_cast %get3A_435 : i32 to index
      %get3A_437 = arith.index_cast %scan3A_356 : i32 to index
      %get3A_438 = arith.constant 112 : index
      %get3A_439 = tpu.vector_load %arg6[%get3A_436, %get3A_437, %get3A_438] {strides = array<i32>} : memref<2x16x200xi32, #tpu.memory_space<vmem>>, vector<16xi32>,
      %swap3A_440 = arith.constant 0 : i32
      %swap3A_441 = arith.index_cast %swap3A_440 : i32 to index
      %swap3A_442 = arith.index_cast %scan3A_356 : i32 to index
      %swap3A_443 = arith.constant 136 : index
      %swap3A_444 = tpu.vector_load %arg7[%swap3A_441, %swap3A_442, %swap3A_443] {strides = array<i32>} : memref<2x16x256xi32, #tpu.memory_space<vmem>>, vector<16xi32>,
      tpu.vector_store %arg7[%swap3A_441, %swap3A_442, %swap3A_443], %get3A_439 {strides = array<i32>} : memref<2x16x256xi32, #tpu.memory_space<vmem>>, vector<16xi32>,
      %get3A_445 = arith.constant 0 : i32
      %get3A_446 = arith.index_cast %get3A_445 : i32 to index
      %get3A_447 = arith.index_cast %scan3A_356 : i32 to index
      %get3A_448 = arith.constant 128 : index
      %get3A_449 = tpu.vector_load %arg6[%get3A_446, %get3A_447, %get3A_448] {strides = array<i32>} : memref<2x16x200xi32, #tpu.memory_space<vmem>>, vector<16xi32>,
      %swap3A_450 = arith.constant 0 : i32
      %swap3A_451 = arith.index_cast %swap3A_450 : i32 to index
      %swap3A_452 = arith.index_cast %scan3A_356 : i32 to index
      %swap3A_453 = arith.constant 152 : index
      %swap3A_454 = tpu.vector_load %arg7[%swap3A_451, %swap3A_452, %swap3A_453] {strides = array<i32>} : memref<2x16x256xi32, #tpu.memory_space<vmem>>, vector<16xi32>,
      tpu.vector_store %arg7[%swap3A_451, %swap3A_452, %swap3A_453], %get3A_449 {strides = array<i32>} : memref<2x16x256xi32, #tpu.memory_space<vmem>>, vector<16xi32>,
      %get3A_455 = arith.constant 0 : i32
      %get3A_456 = arith.index_cast %get3A_455 : i32 to index
      %get3A_457 = arith.index_cast %scan3A_356 : i32 to index
      %get3A_458 = arith.constant 144 : index
      %get3A_459 = tpu.vector_load %arg6[%get3A_456, %get3A_457, %get3A_458] {strides = array<i32>} : memref<2x16x200xi32, #tpu.memory_space<vmem>>, vector<16xi32>,
      %swap3A_460 = arith.constant 0 : i32
      %swap3A_461 = arith.index_cast %swap3A_460 : i32 to index
      %swap3A_462 = arith.index_cast %scan3A_356 : i32 to index
      %swap3A_463 = arith.constant 168 : index
      %swap3A_464 = tpu.vector_load %arg7[%swap3A_461, %swap3A_462, %swap3A_463] {strides = array<i32>} : memref<2x16x256xi32, #tpu.memory_space<vmem>>, vector<16xi32>,
      tpu.vector_store %arg7[%swap3A_461, %swap3A_462, %swap3A_463], %get3A_459 {strides = array<i32>} : memref<2x16x256xi32, #tpu.memory_space<vmem>>, vector<16xi32>,
      %get3A_465 = arith.constant 0 : i32
      %get3A_466 = arith.index_cast %get3A_465 : i32 to index
      %get3A_467 = arith.index_cast %scan3A_356 : i32 to index
      %get3A_468 = arith.constant 160 : index
      %get3A_469 = tpu.vector_load %arg6[%get3A_466, %get3A_467, %get3A_468] {strides = array<i32>} : memref<2x16x200xi32, #tpu.memory_space<vmem>>, vector<16xi32>,
      %swap3A_470 = arith.constant 0 : i32
      %swap3A_471 = arith.index_cast %swap3A_470 : i32 to index
      %swap3A_472 = arith.index_cast %scan3A_356 : i32 to index
      %swap3A_473 = arith.constant 184 : index
      %swap3A_474 = tpu.vector_load %arg7[%swap3A_471, %swap3A_472, %swap3A_473] {strides = array<i32>} : memref<2x16x256xi32, #tpu.memory_space<vmem>>, vector<16xi32>,
      tpu.vector_store %arg7[%swap3A_471, %swap3A_472, %swap3A_473], %get3A_469 {strides = array<i32>} : memref<2x16x256xi32, #tpu.memory_space<vmem>>, vector<16xi32>,
      %get3A_475 = arith.constant 0 : i32
      %get3A_476 = arith.index_cast %get3A_475 : i32 to index
      %get3A_477 = arith.index_cast %scan3A_356 : i32 to index
      %get3A_478 = arith.constant 176 : index
      %get3A_479 = tpu.vector_load %arg6[%get3A_476, %get3A_477, %get3A_478] {strides = array<i32>} : memref<2x16x200xi32, #tpu.memory_space<vmem>>, vector<16xi32>,
      %swap3A_480 = arith.constant 0 : i32
      %swap3A_481 = arith.index_cast %swap3A_480 : i32 to index
      %swap3A_482 = arith.index_cast %scan3A_356 : i32 to index
      %swap3A_483 = arith.constant 200 : index
      %swap3A_484 = tpu.vector_load %arg7[%swap3A_481, %swap3A_482, %swap3A_483] {strides = array<i32>} : memref<2x16x256xi32, #tpu.memory_space<vmem>>, vector<16xi32>,
      tpu.vector_store %arg7[%swap3A_481, %swap3A_482, %swap3A_483], %get3A_479 {strides = array<i32>} : memref<2x16x256xi32, #tpu.memory_space<vmem>>, vector<16xi32>,
      %get3A_485 = arith.constant 0 : i32
      %get3A_486 = arith.index_cast %get3A_485 : i32 to index
      %get3A_487 = arith.index_cast %scan3A_356 : i32 to index
      %get3A_488 = arith.constant 184 : index
      %get3A_489 = tpu.vector_load %arg6[%get3A_486, %get3A_487, %get3A_488] {strides = array<i32>} : memref<2x16x200xi32, #tpu.memory_space<vmem>>, vector<16xi32>,
      %swap3A_490 = arith.constant 0 : i32
      %swap3A_491 = arith.index_cast %swap3A_490 : i32 to index
      %swap3A_492 = arith.index_cast %scan3A_356 : i32 to index
      %swap3A_493 = arith.constant 208 : index
      %swap3A_494 = tpu.vector_load %arg7[%swap3A_491, %swap3A_492, %swap3A_493] {strides = array<i32>} : memref<2x16x256xi32, #tpu.memory_space<vmem>>, vector<16xi32>,
      tpu.vector_store %arg7[%swap3A_491, %swap3A_492, %swap3A_493], %get3A_489 {strides = array<i32>} : memref<2x16x256xi32, #tpu.memory_space<vmem>>, vector<16xi32>,
    }
    %scan3A_9 = arith.constant 16 : i32
    %add3A_10 = arith.constant 16 : i32
    %add3A_11 = arith.addi %mul3A_2, %add3A_10 : i32
    %dma_start3A = arith.constant 1 : i32
    %dma_start3A_12 = arith.constant 0 : i32
    %dma_start3A_13 = arith.constant 0 : i32
    %dma_start3A_14 = tpu.memref_slice %arg6[%dma_start3A, %dma_start3A_12, %dma_start3A_13] : memref<2x16x200xi32, #tpu.memory_space<vmem>> -> memref<1x16x200xi32, #tpu.memory_space<vmem>>
    %dma_start3A_15 = tpu.memref_squeeze %dma_start3A_14 : memref<1x16x200xi32, #tpu.memory_space<vmem>> -> memref<16x200xi32, #tpu.memory_space<vmem>>
    %dma_start3A_16 = arith.constant 0 : i32
    %dma_start3A_17 = tpu.memref_slice %arg3[%add3A_11, %dma_start3A_16] : memref<16384x200xi32, #tpu.memory_space<hbm>> -> memref<16x200xi32, #tpu.memory_space<hbm>>
    %dma_start3A_18 = arith.constant 0 : i32
    %dma_start3A_19 = arith.constant 0 : i32
    %dma_start3A_20 = tpu.memref_slice %arg6[%dma_start3A, %dma_start3A_18, %dma_start3A_19] : memref<2x16x200xi32, #tpu.memory_space<vmem>> -> memref<1x16x200xi32, #tpu.memory_space<vmem>>
    %dma_start3A_21 = tpu.memref_squeeze %dma_start3A_20 : memref<1x16x200xi32, #tpu.memory_space<vmem>> -> memref<16x200xi32, #tpu.memory_space<vmem>>
    %dma_start3A_22 = arith.constant 0 : i32
    %dma_start3A_23 = tpu.memref_slice %arg3[%add3A_11, %dma_start3A_22] : memref<16384x200xi32, #tpu.memory_space<hbm>> -> memref<16x200xi32, #tpu.memory_space<hbm>>
    tpu.enqueue_dma source(%dma_start3A_23 : memref<16x200xi32, #tpu.memory_space<hbm>>) target(%dma_start3A_21 : memref<16x200xi32, #tpu.memory_space<vmem>>) target_semaphore(%arg11 : memref<!tpu.dma_semaphore, #tpu.memory_space<semaphore_mem>>)
    %dma_start3A_24 = arith.constant 0 : i32
    %dma_start3A_25 = arith.constant 0 : i32
    %dma_start3A_26 = arith.constant 0 : i32
    %dma_start3A_27 = arith.constant 0 : i32
    %dma_start3A_28 = arith.constant 0 : i32
    %dma_start3A_29 = arith.constant 0 : i32
    %dma_start3A_30 = tpu.memref_slice %arg9[%dma_start3A_26, %dma_start3A_28, %dma_start3A_29] : memref<4x104x128xf32, #tpu.memory_space<vmem>> -> memref<1x104x128xf32, #tpu.memory_space<vmem>>
    %dma_start3A_31 = tpu.memref_squeeze %dma_start3A_30 : memref<1x104x128xf32, #tpu.memory_space<vmem>> -> memref<104x128xf32, #tpu.memory_space<vmem>>
    %dma_start3A_32 = arith.constant 0 : i32
    %dma_start3A_33 = tpu.memref_slice %arg7[%dma_start3A_24, %dma_start3A_25, %dma_start3A_32] : memref<2x16x256xi32, #tpu.memory_space<vmem>> -> memref<1x1x104xi32, #tpu.memory_space<vmem>>
    %dma_start3A_34 = tpu.memref_squeeze %dma_start3A_33 : memref<1x1x104xi32, #tpu.memory_space<vmem>> -> memref<104xi32, #tpu.memory_space<vmem>>
    %dma_start3A_35 = arith.constant 0 : i32
    %dma_start3A_36 = arith.constant 0 : i32
    %dma_start3A_37 = tpu.memref_slice %arg2[%dma_start3A_35, %dma_start3A_36] : memref<1000000x128xf32, #tpu.memory_space<hbm>> -> memref<1000000x128xf32, #tpu.memory_space<hbm>>
    %dma_start3A_38 = tpu.memref_slice %arg12[%dma_start3A_27] : memref<4x!tpu.dma_semaphore, #tpu.memory_space<semaphore_mem>> -> memref<1x!tpu.dma_semaphore, #tpu.memory_space<semaphore_mem>>
    %dma_start3A_39 = tpu.memref_squeeze %dma_start3A_38 : memref<1x!tpu.dma_semaphore, #tpu.memory_space<semaphore_mem>> -> memref<!tpu.dma_semaphore, #tpu.memory_space<semaphore_mem>>
    tpu.enqueue_indirect_dma source(%dma_start3A_37 : memref<1000000x128xf32, #tpu.memory_space<hbm>>) target(%dma_start3A_31 : memref<104x128xf32, #tpu.memory_space<vmem>>) offsets(%dma_start3A_34 : memref<104xi32, #tpu.memory_space<vmem>>) semaphore(%dma_start3A_39 : memref<!tpu.dma_semaphore, #tpu.memory_space<semaphore_mem>>)
    %dma_start3A_40 = arith.constant 0 : i32
    %dma_start3A_41 = arith.constant 0 : i32
    %dma_start3A_42 = arith.constant 1 : i32
    %dma_start3A_43 = arith.constant 1 : i32
    %dma_start3A_44 = arith.constant 0 : i32
    %dma_start3A_45 = arith.constant 0 : i32
    %dma_start3A_46 = tpu.memref_slice %arg9[%dma_start3A_42, %dma_start3A_44, %dma_start3A_45] : memref<4x104x128xf32, #tpu.memory_space<vmem>> -> memref<1x96x128xf32, #tpu.memory_space<vmem>>
    %dma_start3A_47 = tpu.memref_squeeze %dma_start3A_46 : memref<1x96x128xf32, #tpu.memory_space<vmem>> -> memref<96x128xf32, #tpu.memory_space<vmem>>
    %dma_start3A_48 = arith.constant 128 : i32
    %dma_start3A_49 = tpu.memref_slice %arg7[%dma_start3A_40, %dma_start3A_41, %dma_start3A_48] : memref<2x16x256xi32, #tpu.memory_space<vmem>> -> memref<1x1x96xi32, #tpu.memory_space<vmem>>
    %dma_start3A_50 = tpu.memref_squeeze %dma_start3A_49 : memref<1x1x96xi32, #tpu.memory_space<vmem>> -> memref<96xi32, #tpu.memory_space<vmem>>
    %dma_start3A_51 = arith.constant 0 : i32
    %dma_start3A_52 = arith.constant 0 : i32
    %dma_start3A_53 = tpu.memref_slice %arg2[%dma_start3A_51, %dma_start3A_52] : memref<1000000x128xf32, #tpu.memory_space<hbm>> -> memref<1000000x128xf32, #tpu.memory_space<hbm>>
    %dma_start3A_54 = tpu.memref_slice %arg12[%dma_start3A_43] : memref<4x!tpu.dma_semaphore, #tpu.memory_space<semaphore_mem>> -> memref<1x!tpu.dma_semaphore, #tpu.memory_space<semaphore_mem>>
    %dma_start3A_55 = tpu.memref_squeeze %dma_start3A_54 : memref<1x!tpu.dma_semaphore, #tpu.memory_space<semaphore_mem>> -> memref<!tpu.dma_semaphore, #tpu.memory_space<semaphore_mem>>
    tpu.enqueue_indirect_dma source(%dma_start3A_53 : memref<1000000x128xf32, #tpu.memory_space<hbm>>) target(%dma_start3A_47 : memref<96x128xf32, #tpu.memory_space<vmem>>) offsets(%dma_start3A_50 : memref<96xi32, #tpu.memory_space<vmem>>) semaphore(%dma_start3A_55 : memref<!tpu.dma_semaphore, #tpu.memory_space<semaphore_mem>>)
    %dma_start3A_56 = arith.constant 0 : i32
    %dma_start3A_57 = arith.constant 1 : i32
    %dma_start3A_58 = arith.constant 2 : i32
    %dma_start3A_59 = arith.constant 2 : i32
    %dma_start3A_60 = arith.constant 0 : i32
    %dma_start3A_61 = arith.constant 0 : i32
    %dma_start3A_62 = tpu.memref_slice %arg9[%dma_start3A_58, %dma_start3A_60, %dma_start3A_61] : memref<4x104x128xf32, #tpu.memory_space<vmem>> -> memref<1x104x128xf32, #tpu.memory_space<vmem>>
    %dma_start3A_63 = tpu.memref_squeeze %dma_start3A_62 : memref<1x104x128xf32, #tpu.memory_space<vmem>> -> memref<104x128xf32, #tpu.memory_space<vmem>>
    %dma_start3A_64 = arith.constant 0 : i32
    %dma_start3A_65 = tpu.memref_slice %arg7[%dma_start3A_56, %dma_start3A_57, %dma_start3A_64] : memref<2x16x256xi32, #tpu.memory_space<vmem>> -> memref<1x1x104xi32, #tpu.memory_space<vmem>>
    %dma_start3A_66 = tpu.memref_squeeze %dma_start3A_65 : memref<1x1x104xi32, #tpu.memory_space<vmem>> -> memref<104xi32, #tpu.memory_space<vmem>>
    %dma_start3A_67 = arith.constant 0 : i32
    %dma_start3A_68 = arith.constant 0 : i32
    %dma_start3A_69 = tpu.memref_slice %arg2[%dma_start3A_67, %dma_start3A_68] : memref<1000000x128xf32, #tpu.memory_space<hbm>> -> memref<1000000x128xf32, #tpu.memory_space<hbm>>
    %dma_start3A_70 = tpu.memref_slice %arg12[%dma_start3A_59] : memref<4x!tpu.dma_semaphore, #tpu.memory_space<semaphore_mem>> -> memref<1x!tpu.dma_semaphore, #tpu.memory_space<semaphore_mem>>
    %dma_start3A_71 = tpu.memref_squeeze %dma_start3A_70 : memref<1x!tpu.dma_semaphore, #tpu.memory_space<semaphore_mem>> -> memref<!tpu.dma_semaphore, #tpu.memory_space<semaphore_mem>>
    tpu.enqueue_indirect_dma source(%dma_start3A_69 : memref<1000000x128xf32, #tpu.memory_space<hbm>>) target(%dma_start3A_63 : memref<104x128xf32, #tpu.memory_space<vmem>>) offsets(%dma_start3A_66 : memref<104xi32, #tpu.memory_space<vmem>>) semaphore(%dma_start3A_71 : memref<!tpu.dma_semaphore, #tpu.memory_space<semaphore_mem>>)
    %dma_wait3A = arith.constant 0 : i32
    %dma_wait3A_72 = arith.constant 0 : i32
    %dma_wait3A_73 = arith.constant 0 : i32
    %dma_wait3A_74 = arith.constant 0 : i32
    %dma_wait3A_75 = arith.constant 0 : i32
    %dma_wait3A_76 = arith.constant 0 : i32
    %dma_wait3A_77 = tpu.memref_slice %arg9[%dma_wait3A_73, %dma_wait3A_75, %dma_wait3A_76] : memref<4x104x128xf32, #tpu.memory_space<vmem>> -> memref<1x104x128xf32, #tpu.memory_space<vmem>>
    %dma_wait3A_78 = tpu.memref_squeeze %dma_wait3A_77 : memref<1x104x128xf32, #tpu.memory_space<vmem>> -> memref<104x128xf32, #tpu.memory_space<vmem>>
    %dma_wait3A_79 = arith.constant 0 : i32
    %dma_wait3A_80 = tpu.memref_slice %arg7[%dma_wait3A, %dma_wait3A_72, %dma_wait3A_79] : memref<2x16x256xi32, #tpu.memory_space<vmem>> -> memref<1x1x104xi32, #tpu.memory_space<vmem>>
    %dma_wait3A_81 = tpu.memref_squeeze %dma_wait3A_80 : memref<1x1x104xi32, #tpu.memory_space<vmem>> -> memref<104xi32, #tpu.memory_space<vmem>>
    %dma_wait3A_82 = arith.constant 0 : i32
    %dma_wait3A_83 = arith.constant 0 : i32
    %dma_wait3A_84 = tpu.memref_slice %arg2[%dma_wait3A_82, %dma_wait3A_83] : memref<1000000x128xf32, #tpu.memory_space<hbm>> -> memref<1000000x128xf32, #tpu.memory_space<hbm>>
    %dma_wait3A_85 = tpu.memref_slice %arg12[%dma_wait3A_74] : memref<4x!tpu.dma_semaphore, #tpu.memory_space<semaphore_mem>> -> memref<1x!tpu.dma_semaphore, #tpu.memory_space<semaphore_mem>>
    %dma_wait3A_86 = tpu.memref_squeeze %dma_wait3A_85 : memref<1x!tpu.dma_semaphore, #tpu.memory_space<semaphore_mem>> -> memref<!tpu.dma_semaphore, #tpu.memory_space<semaphore_mem>>
    tpu.wait_indirect_dma semaphore(%dma_wait3A_86 : memref<!tpu.dma_semaphore, #tpu.memory_space<semaphore_mem>>) src(%dma_wait3A_84 : memref<1000000x128xf32, #tpu.memory_space<hbm>>) dst(%dma_wait3A_78 : memref<104x128xf32, #tpu.memory_space<vmem>>)
    %scan3A_87 = arith.constant 0 : i32
    %scan3A_88 = arith.constant 0 : i32
    %scan3A_89 = arith.constant 104 : i32
    %scan3A_90 = arith.addi %scan3A_88, %scan3A_89 : i32
    %scan3A_91 = arith.constant 1 : i32
    scf.for %scan3A_356 = %scan3A_88 to %scan3A_90 step %scan3A_91  : i32 {
      %get3A = arith.constant 0 : i32
      %get3A_357 = arith.index_cast %get3A : i32 to index
      %get3A_358 = arith.index_cast %scan3A_356 : i32 to index
      %get3A_359 = arith.constant 0 : index
      %get3A_360 = tpu.vector_load %arg9[%get3A_357, %get3A_358, %get3A_359] {strides = array<i32>} : memref<4x104x128xf32, #tpu.memory_space<vmem>>, vector<16xf32>,
      %add3A_361 = arith.constant 0 : i32
      %add3A_362 = arith.addi %add3A_361, %scan3A_356 : i32
      %get3A_363 = arith.index_cast %add3A_362 : i32 to index
      %get3A_364 = arith.constant 0 : index
      %get3A_365 = tpu.vector_load %arg8[%get3A_363, %get3A_364] {strides = array<i32>} : memref<200x64xf32, #tpu.memory_space<vmem>>, vector<16xf32>,
      %add3A_366 = arith.addf %get3A_360, %get3A_365 : vector<16xf32>
      %swap3A = arith.constant 0 : i32
      %swap3A_367 = arith.index_cast %swap3A : i32 to index
      %swap3A_368 = arith.index_cast %scan3A_356 : i32 to index
      %swap3A_369 = arith.constant 0 : index
      %swap3A_370 = tpu.vector_load %arg10[%swap3A_367, %swap3A_368, %swap3A_369] {strides = array<i32>} : memref<2x104x64xf32, #tpu.memory_space<vmem>>, vector<16xf32>,
      tpu.vector_store %arg10[%swap3A_367, %swap3A_368, %swap3A_369], %add3A_366 {strides = array<i32>} : memref<2x104x64xf32, #tpu.memory_space<vmem>>, vector<16xf32>,
      %get3A_371 = arith.constant 0 : i32
      %get3A_372 = arith.index_cast %get3A_371 : i32 to index
      %get3A_373 = arith.index_cast %scan3A_356 : i32 to index
      %get3A_374 = arith.constant 16 : index
      %get3A_375 = tpu.vector_load %arg9[%get3A_372, %get3A_373, %get3A_374] {strides = array<i32>} : memref<4x104x128xf32, #tpu.memory_space<vmem>>, vector<16xf32>,
      %add3A_376 = arith.constant 0 : i32
      %add3A_377 = arith.addi %add3A_376, %scan3A_356 : i32
      %get3A_378 = arith.index_cast %add3A_377 : i32 to index
      %get3A_379 = arith.constant 16 : index
      %get3A_380 = tpu.vector_load %arg8[%get3A_378, %get3A_379] {strides = array<i32>} : memref<200x64xf32, #tpu.memory_space<vmem>>, vector<16xf32>,
      %add3A_381 = arith.addf %get3A_375, %get3A_380 : vector<16xf32>
      %swap3A_382 = arith.constant 0 : i32
      %swap3A_383 = arith.index_cast %swap3A_382 : i32 to index
      %swap3A_384 = arith.index_cast %scan3A_356 : i32 to index
      %swap3A_385 = arith.constant 16 : index
      %swap3A_386 = tpu.vector_load %arg10[%swap3A_383, %swap3A_384, %swap3A_385] {strides = array<i32>} : memref<2x104x64xf32, #tpu.memory_space<vmem>>, vector<16xf32>,
      tpu.vector_store %arg10[%swap3A_383, %swap3A_384, %swap3A_385], %add3A_381 {strides = array<i32>} : memref<2x104x64xf32, #tpu.memory_space<vmem>>, vector<16xf32>,
      %get3A_387 = arith.constant 0 : i32
      %get3A_388 = arith.index_cast %get3A_387 : i32 to index
      %get3A_389 = arith.index_cast %scan3A_356 : i32 to index
      %get3A_390 = arith.constant 32 : index
      %get3A_391 = tpu.vector_load %arg9[%get3A_388, %get3A_389, %get3A_390] {strides = array<i32>} : memref<4x104x128xf32, #tpu.memory_space<vmem>>, vector<16xf32>,
      %add3A_392 = arith.constant 0 : i32
      %add3A_393 = arith.addi %add3A_392, %scan3A_356 : i32
      %get3A_394 = arith.index_cast %add3A_393 : i32 to index
      %get3A_395 = arith.constant 32 : index
      %get3A_396 = tpu.vector_load %arg8[%get3A_394, %get3A_395] {strides = array<i32>} : memref<200x64xf32, #tpu.memory_space<vmem>>, vector<16xf32>,
      %add3A_397 = arith.addf %get3A_391, %get3A_396 : vector<16xf32>
      %swap3A_398 = arith.constant 0 : i32
      %swap3A_399 = arith.index_cast %swap3A_398 : i32 to index
      %swap3A_400 = arith.index_cast %scan3A_356 : i32 to index
      %swap3A_401 = arith.constant 32 : index
      %swap3A_402 = tpu.vector_load %arg10[%swap3A_399, %swap3A_400, %swap3A_401] {strides = array<i32>} : memref<2x104x64xf32, #tpu.memory_space<vmem>>, vector<16xf32>,
      tpu.vector_store %arg10[%swap3A_399, %swap3A_400, %swap3A_401], %add3A_397 {strides = array<i32>} : memref<2x104x64xf32, #tpu.memory_space<vmem>>, vector<16xf32>,
      %get3A_403 = arith.constant 0 : i32
      %get3A_404 = arith.index_cast %get3A_403 : i32 to index
      %get3A_405 = arith.index_cast %scan3A_356 : i32 to index
      %get3A_406 = arith.constant 48 : index
      %get3A_407 = tpu.vector_load %arg9[%get3A_404, %get3A_405, %get3A_406] {strides = array<i32>} : memref<4x104x128xf32, #tpu.memory_space<vmem>>, vector<16xf32>,
      %add3A_408 = arith.constant 0 : i32
      %add3A_409 = arith.addi %add3A_408, %scan3A_356 : i32
      %get3A_410 = arith.index_cast %add3A_409 : i32 to index
      %get3A_411 = arith.constant 48 : index
      %get3A_412 = tpu.vector_load %arg8[%get3A_410, %get3A_411] {strides = array<i32>} : memref<200x64xf32, #tpu.memory_space<vmem>>, vector<16xf32>,
      %add3A_413 = arith.addf %get3A_407, %get3A_412 : vector<16xf32>
      %swap3A_414 = arith.constant 0 : i32
      %swap3A_415 = arith.index_cast %swap3A_414 : i32 to index
      %swap3A_416 = arith.index_cast %scan3A_356 : i32 to index
      %swap3A_417 = arith.constant 48 : index
      %swap3A_418 = tpu.vector_load %arg10[%swap3A_415, %swap3A_416, %swap3A_417] {strides = array<i32>} : memref<2x104x64xf32, #tpu.memory_space<vmem>>, vector<16xf32>,
      tpu.vector_store %arg10[%swap3A_415, %swap3A_416, %swap3A_417], %add3A_413 {strides = array<i32>} : memref<2x104x64xf32, #tpu.memory_space<vmem>>, vector<16xf32>,
    }
    %scan3A_92 = arith.constant 104 : i32
    %add3A_93 = arith.constant 0 : i32
    %add3A_94 = arith.addi %mul3A_2, %add3A_93 : i32
    %dma_start3A_95 = arith.constant 0 : i32
    %dma_start3A_96 = arith.constant 0 : i32
    %dma_start3A_97 = arith.constant 0 : i32
    %dma_start3A_98 = arith.constant 0 : i32
    %dma_start3A_99 = tpu.memref_slice %arg10[%dma_start3A_95, %dma_start3A_97, %dma_start3A_98] : memref<2x104x64xf32, #tpu.memory_space<vmem>> -> memref<1x104x64xf32, #tpu.memory_space<vmem>>
    %dma_start3A_100 = tpu.memref_squeeze %dma_start3A_99 : memref<1x104x64xf32, #tpu.memory_space<vmem>> -> memref<104x64xf32, #tpu.memory_space<vmem>>
    %dma_start3A_101 = arith.constant 0 : i32
    %dma_start3A_102 = arith.constant 0 : i32
    %dma_start3A_103 = tpu.memref_slice %arg5[%add3A_94, %dma_start3A_101, %dma_start3A_102] : memref<16384x200x64xf32, #tpu.memory_space<hbm>> -> memref<1x104x64xf32, #tpu.memory_space<hbm>>
    %dma_start3A_104 = tpu.memref_squeeze %dma_start3A_103 : memref<1x104x64xf32, #tpu.memory_space<hbm>> -> memref<104x64xf32, #tpu.memory_space<hbm>>
    %dma_start3A_105 = tpu.memref_slice %arg13[%dma_start3A_96] : memref<2x!tpu.dma_semaphore, #tpu.memory_space<semaphore_mem>> -> memref<1x!tpu.dma_semaphore, #tpu.memory_space<semaphore_mem>>
    %dma_start3A_106 = tpu.memref_squeeze %dma_start3A_105 : memref<1x!tpu.dma_semaphore, #tpu.memory_space<semaphore_mem>> -> memref<!tpu.dma_semaphore, #tpu.memory_space<semaphore_mem>>
    %dma_start3A_107 = arith.constant 0 : i32
    %dma_start3A_108 = arith.constant 0 : i32
    %dma_start3A_109 = tpu.memref_slice %arg5[%add3A_94, %dma_start3A_107, %dma_start3A_108] : memref<16384x200x64xf32, #tpu.memory_space<hbm>> -> memref<1x104x64xf32, #tpu.memory_space<hbm>>
    %dma_start3A_110 = tpu.memref_squeeze %dma_start3A_109 : memref<1x104x64xf32, #tpu.memory_space<hbm>> -> memref<104x64xf32, #tpu.memory_space<hbm>>
    %dma_start3A_111 = arith.constant 0 : i32
    %dma_start3A_112 = arith.constant 0 : i32
    %dma_start3A_113 = tpu.memref_slice %arg10[%dma_start3A_95, %dma_start3A_111, %dma_start3A_112] : memref<2x104x64xf32, #tpu.memory_space<vmem>> -> memref<1x104x64xf32, #tpu.memory_space<vmem>>
    %dma_start3A_114 = tpu.memref_squeeze %dma_start3A_113 : memref<1x104x64xf32, #tpu.memory_space<vmem>> -> memref<104x64xf32, #tpu.memory_space<vmem>>
    tpu.enqueue_dma source(%dma_start3A_114 : memref<104x64xf32, #tpu.memory_space<vmem>>) target(%dma_start3A_110 : memref<104x64xf32, #tpu.memory_space<hbm>>) target_semaphore(%dma_start3A_106 : memref<!tpu.dma_semaphore, #tpu.memory_space<semaphore_mem>>)
    %dma_start3A_115 = arith.constant 0 : i32
    %dma_start3A_116 = arith.constant 1 : i32
    %dma_start3A_117 = arith.constant 3 : i32
    %dma_start3A_118 = arith.constant 3 : i32
    %dma_start3A_119 = arith.constant 0 : i32
    %dma_start3A_120 = arith.constant 0 : i32
    %dma_start3A_121 = tpu.memref_slice %arg9[%dma_start3A_117, %dma_start3A_119, %dma_start3A_120] : memref<4x104x128xf32, #tpu.memory_space<vmem>> -> memref<1x96x128xf32, #tpu.memory_space<vmem>>
    %dma_start3A_122 = tpu.memref_squeeze %dma_start3A_121 : memref<1x96x128xf32, #tpu.memory_space<vmem>> -> memref<96x128xf32, #tpu.memory_space<vmem>>
    %dma_start3A_123 = arith.constant 128 : i32
    %dma_start3A_124 = tpu.memref_slice %arg7[%dma_start3A_115, %dma_start3A_116, %dma_start3A_123] : memref<2x16x256xi32, #tpu.memory_space<vmem>> -> memref<1x1x96xi32, #tpu.memory_space<vmem>>
    %dma_start3A_125 = tpu.memref_squeeze %dma_start3A_124 : memref<1x1x96xi32, #tpu.memory_space<vmem>> -> memref<96xi32, #tpu.memory_space<vmem>>
    %dma_start3A_126 = arith.constant 0 : i32
    %dma_start3A_127 = arith.constant 0 : i32
    %dma_start3A_128 = tpu.memref_slice %arg2[%dma_start3A_126, %dma_start3A_127] : memref<1000000x128xf32, #tpu.memory_space<hbm>> -> memref<1000000x128xf32, #tpu.memory_space<hbm>>
    %dma_start3A_129 = tpu.memref_slice %arg12[%dma_start3A_118] : memref<4x!tpu.dma_semaphore, #tpu.memory_space<semaphore_mem>> -> memref<1x!tpu.dma_semaphore, #tpu.memory_space<semaphore_mem>>
    %dma_start3A_130 = tpu.memref_squeeze %dma_start3A_129 : memref<1x!tpu.dma_semaphore, #tpu.memory_space<semaphore_mem>> -> memref<!tpu.dma_semaphore, #tpu.memory_space<semaphore_mem>>
    tpu.enqueue_indirect_dma source(%dma_start3A_128 : memref<1000000x128xf32, #tpu.memory_space<hbm>>) target(%dma_start3A_122 : memref<96x128xf32, #tpu.memory_space<vmem>>) offsets(%dma_start3A_125 : memref<96xi32, #tpu.memory_space<vmem>>) semaphore(%dma_start3A_130 : memref<!tpu.dma_semaphore, #tpu.memory_space<semaphore_mem>>)
    %dma_wait3A_131 = arith.constant 0 : i32
    %dma_wait3A_132 = arith.constant 0 : i32
    %dma_wait3A_133 = arith.constant 1 : i32
    %dma_wait3A_134 = arith.constant 1 : i32
    %dma_wait3A_135 = arith.constant 0 : i32
    %dma_wait3A_136 = arith.constant 0 : i32
    %dma_wait3A_137 = tpu.memref_slice %arg9[%dma_wait3A_133, %dma_wait3A_135, %dma_wait3A_136] : memref<4x104x128xf32, #tpu.memory_space<vmem>> -> memref<1x96x128xf32, #tpu.memory_space<vmem>>
    %dma_wait3A_138 = tpu.memref_squeeze %dma_wait3A_137 : memref<1x96x128xf32, #tpu.memory_space<vmem>> -> memref<96x128xf32, #tpu.memory_space<vmem>>
    %dma_wait3A_139 = arith.constant 0 : i32
    %dma_wait3A_140 = tpu.memref_slice %arg7[%dma_wait3A_131, %dma_wait3A_132, %dma_wait3A_139] : memref<2x16x256xi32, #tpu.memory_space<vmem>> -> memref<1x1x96xi32, #tpu.memory_space<vmem>>
    %dma_wait3A_141 = tpu.memref_squeeze %dma_wait3A_140 : memref<1x1x96xi32, #tpu.memory_space<vmem>> -> memref<96xi32, #tpu.memory_space<vmem>>
    %dma_wait3A_142 = arith.constant 0 : i32
    %dma_wait3A_143 = arith.constant 0 : i32
    %dma_wait3A_144 = tpu.memref_slice %arg2[%dma_wait3A_142, %dma_wait3A_143] : memref<1000000x128xf32, #tpu.memory_space<hbm>> -> memref<1000000x128xf32, #tpu.memory_space<hbm>>
    %dma_wait3A_145 = tpu.memref_slice %arg12[%dma_wait3A_134] : memref<4x!tpu.dma_semaphore, #tpu.memory_space<semaphore_mem>> -> memref<1x!tpu.dma_semaphore, #tpu.memory_space<semaphore_mem>>
    %dma_wait3A_146 = tpu.memref_squeeze %dma_wait3A_145 : memref<1x!tpu.dma_semaphore, #tpu.memory_space<semaphore_mem>> -> memref<!tpu.dma_semaphore, #tpu.memory_space<semaphore_mem>>
    tpu.wait_indirect_dma semaphore(%dma_wait3A_146 : memref<!tpu.dma_semaphore, #tpu.memory_space<semaphore_mem>>) src(%dma_wait3A_144 : memref<1000000x128xf32, #tpu.memory_space<hbm>>) dst(%dma_wait3A_138 : memref<96x128xf32, #tpu.memory_space<vmem>>)
    %scan3A_147 = arith.constant 0 : i32
    %scan3A_148 = arith.constant 0 : i32
    %scan3A_149 = arith.constant 96 : i32
    %scan3A_150 = arith.addi %scan3A_148, %scan3A_149 : i32
    %scan3A_151 = arith.constant 1 : i32
    scf.for %scan3A_356 = %scan3A_148 to %scan3A_150 step %scan3A_151  : i32 {
      %get3A = arith.constant 1 : i32
      %get3A_357 = arith.index_cast %get3A : i32 to index
      %get3A_358 = arith.index_cast %scan3A_356 : i32 to index
      %get3A_359 = arith.constant 0 : index
      %get3A_360 = tpu.vector_load %arg9[%get3A_357, %get3A_358, %get3A_359] {strides = array<i32>} : memref<4x104x128xf32, #tpu.memory_space<vmem>>, vector<16xf32>,
      %add3A_361 = arith.constant 104 : i32
      %add3A_362 = arith.addi %add3A_361, %scan3A_356 : i32
      %get3A_363 = arith.index_cast %add3A_362 : i32 to index
      %get3A_364 = arith.constant 0 : index
      %get3A_365 = tpu.vector_load %arg8[%get3A_363, %get3A_364] {strides = array<i32>} : memref<200x64xf32, #tpu.memory_space<vmem>>, vector<16xf32>,
      %add3A_366 = arith.addf %get3A_360, %get3A_365 : vector<16xf32>
      %swap3A = arith.constant 1 : i32
      %swap3A_367 = arith.index_cast %swap3A : i32 to index
      %swap3A_368 = arith.index_cast %scan3A_356 : i32 to index
      %swap3A_369 = arith.constant 0 : index
      %swap3A_370 = tpu.vector_load %arg10[%swap3A_367, %swap3A_368, %swap3A_369] {strides = array<i32>} : memref<2x104x64xf32, #tpu.memory_space<vmem>>, vector<16xf32>,
      tpu.vector_store %arg10[%swap3A_367, %swap3A_368, %swap3A_369], %add3A_366 {strides = array<i32>} : memref<2x104x64xf32, #tpu.memory_space<vmem>>, vector<16xf32>,
      %get3A_371 = arith.constant 1 : i32
      %get3A_372 = arith.index_cast %get3A_371 : i32 to index
      %get3A_373 = arith.index_cast %scan3A_356 : i32 to index
      %get3A_374 = arith.constant 16 : index
      %get3A_375 = tpu.vector_load %arg9[%get3A_372, %get3A_373, %get3A_374] {strides = array<i32>} : memref<4x104x128xf32, #tpu.memory_space<vmem>>, vector<16xf32>,
      %add3A_376 = arith.constant 104 : i32
      %add3A_377 = arith.addi %add3A_376, %scan3A_356 : i32
      %get3A_378 = arith.index_cast %add3A_377 : i32 to index
      %get3A_379 = arith.constant 16 : index
      %get3A_380 = tpu.vector_load %arg8[%get3A_378, %get3A_379] {strides = array<i32>} : memref<200x64xf32, #tpu.memory_space<vmem>>, vector<16xf32>,
      %add3A_381 = arith.addf %get3A_375, %get3A_380 : vector<16xf32>
      %swap3A_382 = arith.constant 1 : i32
      %swap3A_383 = arith.index_cast %swap3A_382 : i32 to index
      %swap3A_384 = arith.index_cast %scan3A_356 : i32 to index
      %swap3A_385 = arith.constant 16 : index
      %swap3A_386 = tpu.vector_load %arg10[%swap3A_383, %swap3A_384, %swap3A_385] {strides = array<i32>} : memref<2x104x64xf32, #tpu.memory_space<vmem>>, vector<16xf32>,
      tpu.vector_store %arg10[%swap3A_383, %swap3A_384, %swap3A_385], %add3A_381 {strides = array<i32>} : memref<2x104x64xf32, #tpu.memory_space<vmem>>, vector<16xf32>,
      %get3A_387 = arith.constant 1 : i32
      %get3A_388 = arith.index_cast %get3A_387 : i32 to index
      %get3A_389 = arith.index_cast %scan3A_356 : i32 to index
      %get3A_390 = arith.constant 32 : index
      %get3A_391 = tpu.vector_load %arg9[%get3A_388, %get3A_389, %get3A_390] {strides = array<i32>} : memref<4x104x128xf32, #tpu.memory_space<vmem>>, vector<16xf32>,
      %add3A_392 = arith.constant 104 : i32
      %add3A_393 = arith.addi %add3A_392, %scan3A_356 : i32
      %get3A_394 = arith.index_cast %add3A_393 : i32 to index
      %get3A_395 = arith.constant 32 : index
      %get3A_396 = tpu.vector_load %arg8[%get3A_394, %get3A_395] {strides = array<i32>} : memref<200x64xf32, #tpu.memory_space<vmem>>, vector<16xf32>,
      %add3A_397 = arith.addf %get3A_391, %get3A_396 : vector<16xf32>
      %swap3A_398 = arith.constant 1 : i32
      %swap3A_399 = arith.index_cast %swap3A_398 : i32 to index
      %swap3A_400 = arith.index_cast %scan3A_356 : i32 to index
      %swap3A_401 = arith.constant 32 : index
      %swap3A_402 = tpu.vector_load %arg10[%swap3A_399, %swap3A_400, %swap3A_401] {strides = array<i32>} : memref<2x104x64xf32, #tpu.memory_space<vmem>>, vector<16xf32>,
      tpu.vector_store %arg10[%swap3A_399, %swap3A_400, %swap3A_401], %add3A_397 {strides = array<i32>} : memref<2x104x64xf32, #tpu.memory_space<vmem>>, vector<16xf32>,
      %get3A_403 = arith.constant 1 : i32
      %get3A_404 = arith.index_cast %get3A_403 : i32 to index
      %get3A_405 = arith.index_cast %scan3A_356 : i32 to index
      %get3A_406 = arith.constant 48 : index
      %get3A_407 = tpu.vector_load %arg9[%get3A_404, %get3A_405, %get3A_406] {strides = array<i32>} : memref<4x104x128xf32, #tpu.memory_space<vmem>>, vector<16xf32>,
      %add3A_408 = arith.constant 104 : i32
      %add3A_409 = arith.addi %add3A_408, %scan3A_356 : i32
      %get3A_410 = arith.index_cast %add3A_409 : i32 to index
      %get3A_411 = arith.constant 48 : index
      %get3A_412 = tpu.vector_load %arg8[%get3A_410, %get3A_411] {strides = array<i32>} : memref<200x64xf32, #tpu.memory_space<vmem>>, vector<16xf32>,
      %add3A_413 = arith.addf %get3A_407, %get3A_412 : vector<16xf32>
      %swap3A_414 = arith.constant 1 : i32
      %swap3A_415 = arith.index_cast %swap3A_414 : i32 to index
      %swap3A_416 = arith.index_cast %scan3A_356 : i32 to index
      %swap3A_417 = arith.constant 48 : index
      %swap3A_418 = tpu.vector_load %arg10[%swap3A_415, %swap3A_416, %swap3A_417] {strides = array<i32>} : memref<2x104x64xf32, #tpu.memory_space<vmem>>, vector<16xf32>,
      tpu.vector_store %arg10[%swap3A_415, %swap3A_416, %swap3A_417], %add3A_413 {strides = array<i32>} : memref<2x104x64xf32, #tpu.memory_space<vmem>>, vector<16xf32>,
    }
    %scan3A_152 = arith.constant 96 : i32
    %add3A_153 = arith.constant 0 : i32
    %add3A_154 = arith.addi %mul3A_2, %add3A_153 : i32
    %dma_start3A_155 = arith.constant 1 : i32
    %dma_start3A_156 = arith.constant 1 : i32
    %dma_start3A_157 = arith.constant 0 : i32
    %dma_start3A_158 = arith.constant 0 : i32
    %dma_start3A_159 = tpu.memref_slice %arg10[%dma_start3A_155, %dma_start3A_157, %dma_start3A_158] : memref<2x104x64xf32, #tpu.memory_space<vmem>> -> memref<1x96x64xf32, #tpu.memory_space<vmem>>
    %dma_start3A_160 = tpu.memref_squeeze %dma_start3A_159 : memref<1x96x64xf32, #tpu.memory_space<vmem>> -> memref<96x64xf32, #tpu.memory_space<vmem>>
    %dma_start3A_161 = arith.constant 104 : i32
    %dma_start3A_162 = arith.constant 0 : i32
    %dma_start3A_163 = tpu.memref_slice %arg5[%add3A_154, %dma_start3A_161, %dma_start3A_162] : memref<16384x200x64xf32, #tpu.memory_space<hbm>> -> memref<1x96x64xf32, #tpu.memory_space<hbm>>
    %dma_start3A_164 = tpu.memref_squeeze %dma_start3A_163 : memref<1x96x64xf32, #tpu.memory_space<hbm>> -> memref<96x64xf32, #tpu.memory_space<hbm>>
    %dma_start3A_165 = tpu.memref_slice %arg13[%dma_start3A_156] : memref<2x!tpu.dma_semaphore, #tpu.memory_space<semaphore_mem>> -> memref<1x!tpu.dma_semaphore, #tpu.memory_space<semaphore_mem>>
    %dma_start3A_166 = tpu.memref_squeeze %dma_start3A_165 : memref<1x!tpu.dma_semaphore, #tpu.memory_space<semaphore_mem>> -> memref<!tpu.dma_semaphore, #tpu.memory_space<semaphore_mem>>
    %dma_start3A_167 = arith.constant 104 : i32
    %dma_start3A_168 = arith.constant 0 : i32
    %dma_start3A_169 = tpu.memref_slice %arg5[%add3A_154, %dma_start3A_167, %dma_start3A_168] : memref<16384x200x64xf32, #tpu.memory_space<hbm>> -> memref<1x96x64xf32, #tpu.memory_space<hbm>>
    %dma_start3A_170 = tpu.memref_squeeze %dma_start3A_169 : memref<1x96x64xf32, #tpu.memory_space<hbm>> -> memref<96x64xf32, #tpu.memory_space<hbm>>
    %dma_start3A_171 = arith.constant 0 : i32
    %dma_start3A_172 = arith.constant 0 : i32
    %dma_start3A_173 = tpu.memref_slice %arg10[%dma_start3A_155, %dma_start3A_171, %dma_start3A_172] : memref<2x104x64xf32, #tpu.memory_space<vmem>> -> memref<1x96x64xf32, #tpu.memory_space<vmem>>
    %dma_start3A_174 = tpu.memref_squeeze %dma_start3A_173 : memref<1x96x64xf32, #tpu.memory_space<vmem>> -> memref<96x64xf32, #tpu.memory_space<vmem>>
    tpu.enqueue_dma source(%dma_start3A_174 : memref<96x64xf32, #tpu.memory_space<vmem>>) target(%dma_start3A_170 : memref<96x64xf32, #tpu.memory_space<hbm>>) target_semaphore(%dma_start3A_166 : memref<!tpu.dma_semaphore, #tpu.memory_space<semaphore_mem>>)
    %scan3A_175 = arith.constant 0 : i32
    %scan3A_176 = arith.constant 1 : i32
    %scan3A_177 = arith.constant 255 : i32
    %scan3A_178 = arith.addi %scan3A_176, %scan3A_177 : i32
    %scan3A_179 = arith.constant 1 : i32
    scf.for %scan3A_356 = %scan3A_176 to %scan3A_178 step %scan3A_179  : i32 {
      %jit3A = arith.constant 8 : i32
      %div3A = arith.divsi %scan3A_356, %jit3A : i32
      %sign3A = arith.constant 0 : i32
      %sign3A_357 = arith.cmpi sgt, %scan3A_356, %sign3A : i32
      %sign3A_358 = arith.extui %sign3A_357 : i1 to i32
      %sign3A_359 = arith.constant 0 : i32
      %sign3A_360 = arith.cmpi slt, %scan3A_356, %sign3A_359 : i32
      %sign3A_361 = arith.extui %sign3A_360 : i1 to i32
      %sign3A_362 = arith.subi %sign3A_358, %sign3A_361 : i32
      %sign3A_363 = arith.constant 0 : i32
      %sign3A_364 = arith.cmpi sgt, %jit3A, %sign3A_363 : i32
      %sign3A_365 = arith.extui %sign3A_364 : i1 to i32
      %sign3A_366 = arith.constant 0 : i32
      %sign3A_367 = arith.cmpi slt, %jit3A, %sign3A_366 : i32
      %sign3A_368 = arith.extui %sign3A_367 : i1 to i32
      %sign3A_369 = arith.subi %sign3A_365, %sign3A_368 : i32
      %ne3A = arith.cmpi ne, %sign3A_362, %sign3A_369 : i32
      %rem3A = arith.remsi %scan3A_356, %jit3A : i32
      %ne3A_370 = arith.constant 0 : i32
      %ne3A_371 = arith.cmpi ne, %rem3A, %ne3A_370 : i32
      %and3A = arith.andi %ne3A, %ne3A_371 : i1
      %sub3A_372 = arith.constant 1 : i32
      %sub3A_373 = arith.subi %div3A, %sub3A_372 : i32
      %select_n3A = arith.select %and3A, %sub3A_373, %div3A : i32
      %rem3A_374 = arith.constant 2 : i32
      %rem3A_375 = arith.remsi %select_n3A, %rem3A_374 : i32
      %rem3A_376 = arith.constant 8 : i32
      %rem3A_377 = arith.remsi %scan3A_356, %rem3A_376 : i32
      %eq3A = arith.constant 0 : i32
      %eq3A_378 = arith.cmpi eq, %rem3A_377, %eq3A : i32
      %convert_element_type3A = arith.extui %eq3A_378 : i1 to i32
      %cond3A = arith.constant 0 : i32
      %cond3A_379 = arith.cmpi ne, %convert_element_type3A, %cond3A : i32
      scf.if %cond3A_379 {
        %dma_wait3A_757 = arith.constant 0 : i32
        %dma_wait3A_758 = arith.constant 0 : i32
        %dma_wait3A_759 = tpu.memref_slice %arg6[%rem3A_375, %dma_wait3A_757, %dma_wait3A_758] : memref<2x16x200xi32, #tpu.memory_space<vmem>> -> memref<1x16x200xi32, #tpu.memory_space<vmem>>
        %dma_wait3A_760 = tpu.memref_squeeze %dma_wait3A_759 : memref<1x16x200xi32, #tpu.memory_space<vmem>> -> memref<16x200xi32, #tpu.memory_space<vmem>>
        %dma_wait3A_761 = arith.constant 0 : i32
        %dma_wait3A_762 = arith.constant 0 : i32
        %dma_wait3A_763 = tpu.memref_slice %arg3[%dma_wait3A_761, %dma_wait3A_762] : memref<16384x200xi32, #tpu.memory_space<hbm>> -> memref<16x200xi32, #tpu.memory_space<hbm>>
        %dma_wait3A_764 = arith.constant 0 : i32
        %dma_wait3A_765 = arith.constant 0 : i32
        %dma_wait3A_766 = tpu.memref_slice %arg6[%rem3A_375, %dma_wait3A_764, %dma_wait3A_765] : memref<2x16x200xi32, #tpu.memory_space<vmem>> -> memref<1x16x200xi32, #tpu.memory_space<vmem>>
        %dma_wait3A_767 = tpu.memref_squeeze %dma_wait3A_766 : memref<1x16x200xi32, #tpu.memory_space<vmem>> -> memref<16x200xi32, #tpu.memory_space<vmem>>
        %dma_wait3A_768 = arith.constant 0 : i32
        %dma_wait3A_769 = arith.constant 0 : i32
        %dma_wait3A_770 = tpu.memref_slice %arg3[%dma_wait3A_768, %dma_wait3A_769] : memref<16384x200xi32, #tpu.memory_space<hbm>> -> memref<16x200xi32, #tpu.memory_space<hbm>>
        tpu.wait_dma2 semaphore(%arg11 : memref<!tpu.dma_semaphore, #tpu.memory_space<semaphore_mem>>) src(%dma_wait3A_770 : memref<16x200xi32, #tpu.memory_space<hbm>>) dst(%dma_wait3A_767 : memref<16x200xi32, #tpu.memory_space<vmem>>)
        %scan3A_771 = arith.constant 0 : i32
        %scan3A_772 = arith.constant 0 : i32
        %scan3A_773 = arith.constant 16 : i32
        %scan3A_774 = arith.addi %scan3A_772, %scan3A_773 : i32
        %scan3A_775 = arith.constant 1 : i32
        scf.for %scan3A_777 = %scan3A_772 to %scan3A_774 step %scan3A_775  : i32 {
          %get3A = arith.index_cast %rem3A_375 : i32 to index
          %get3A_778 = arith.index_cast %scan3A_777 : i32 to index
          %get3A_779 = arith.constant 0 : index
          %get3A_780 = tpu.vector_load %arg6[%get3A, %get3A_778, %get3A_779] {strides = array<i32>} : memref<2x16x200xi32, #tpu.memory_space<vmem>>, vector<16xi32>,
          %swap3A = arith.index_cast %rem3A_375 : i32 to index
          %swap3A_781 = arith.index_cast %scan3A_777 : i32 to index
          %swap3A_782 = arith.constant 0 : index
          %swap3A_783 = tpu.vector_load %arg7[%swap3A, %swap3A_781, %swap3A_782] {strides = array<i32>} : memref<2x16x256xi32, #tpu.memory_space<vmem>>, vector<16xi32>,
          tpu.vector_store %arg7[%swap3A, %swap3A_781, %swap3A_782], %get3A_780 {strides = array<i32>} : memref<2x16x256xi32, #tpu.memory_space<vmem>>, vector<16xi32>,
          %get3A_784 = arith.index_cast %rem3A_375 : i32 to index
          %get3A_785 = arith.index_cast %scan3A_777 : i32 to index
          %get3A_786 = arith.constant 16 : index
          %get3A_787 = tpu.vector_load %arg6[%get3A_784, %get3A_785, %get3A_786] {strides = array<i32>} : memref<2x16x200xi32, #tpu.memory_space<vmem>>, vector<16xi32>,
          %swap3A_788 = arith.index_cast %rem3A_375 : i32 to index
          %swap3A_789 = arith.index_cast %scan3A_777 : i32 to index
          %swap3A_790 = arith.constant 16 : index
          %swap3A_791 = tpu.vector_load %arg7[%swap3A_788, %swap3A_789, %swap3A_790] {strides = array<i32>} : memref<2x16x256xi32, #tpu.memory_space<vmem>>, vector<16xi32>,
          tpu.vector_store %arg7[%swap3A_788, %swap3A_789, %swap3A_790], %get3A_787 {strides = array<i32>} : memref<2x16x256xi32, #tpu.memory_space<vmem>>, vector<16xi32>,
          %get3A_792 = arith.index_cast %rem3A_375 : i32 to index
          %get3A_793 = arith.index_cast %scan3A_777 : i32 to index
          %get3A_794 = arith.constant 32 : index
          %get3A_795 = tpu.vector_load %arg6[%get3A_792, %get3A_793, %get3A_794] {strides = array<i32>} : memref<2x16x200xi32, #tpu.memory_space<vmem>>, vector<16xi32>,
          %swap3A_796 = arith.index_cast %rem3A_375 : i32 to index
          %swap3A_797 = arith.index_cast %scan3A_777 : i32 to index
          %swap3A_798 = arith.constant 32 : index
          %swap3A_799 = tpu.vector_load %arg7[%swap3A_796, %swap3A_797, %swap3A_798] {strides = array<i32>} : memref<2x16x256xi32, #tpu.memory_space<vmem>>, vector<16xi32>,
          tpu.vector_store %arg7[%swap3A_796, %swap3A_797, %swap3A_798], %get3A_795 {strides = array<i32>} : memref<2x16x256xi32, #tpu.memory_space<vmem>>, vector<16xi32>,
          %get3A_800 = arith.index_cast %rem3A_375 : i32 to index
          %get3A_801 = arith.index_cast %scan3A_777 : i32 to index
          %get3A_802 = arith.constant 48 : index
          %get3A_803 = tpu.vector_load %arg6[%get3A_800, %get3A_801, %get3A_802] {strides = array<i32>} : memref<2x16x200xi32, #tpu.memory_space<vmem>>, vector<16xi32>,
          %swap3A_804 = arith.index_cast %rem3A_375 : i32 to index
          %swap3A_805 = arith.index_cast %scan3A_777 : i32 to index
          %swap3A_806 = arith.constant 48 : index
          %swap3A_807 = tpu.vector_load %arg7[%swap3A_804, %swap3A_805, %swap3A_806] {strides = array<i32>} : memref<2x16x256xi32, #tpu.memory_space<vmem>>, vector<16xi32>,
          tpu.vector_store %arg7[%swap3A_804, %swap3A_805, %swap3A_806], %get3A_803 {strides = array<i32>} : memref<2x16x256xi32, #tpu.memory_space<vmem>>, vector<16xi32>,
          %get3A_808 = arith.index_cast %rem3A_375 : i32 to index
          %get3A_809 = arith.index_cast %scan3A_777 : i32 to index
          %get3A_810 = arith.constant 64 : index
          %get3A_811 = tpu.vector_load %arg6[%get3A_808, %get3A_809, %get3A_810] {strides = array<i32>} : memref<2x16x200xi32, #tpu.memory_space<vmem>>, vector<16xi32>,
          %swap3A_812 = arith.index_cast %rem3A_375 : i32 to index
          %swap3A_813 = arith.index_cast %scan3A_777 : i32 to index
          %swap3A_814 = arith.constant 64 : index
          %swap3A_815 = tpu.vector_load %arg7[%swap3A_812, %swap3A_813, %swap3A_814] {strides = array<i32>} : memref<2x16x256xi32, #tpu.memory_space<vmem>>, vector<16xi32>,
          tpu.vector_store %arg7[%swap3A_812, %swap3A_813, %swap3A_814], %get3A_811 {strides = array<i32>} : memref<2x16x256xi32, #tpu.memory_space<vmem>>, vector<16xi32>,
          %get3A_816 = arith.index_cast %rem3A_375 : i32 to index
          %get3A_817 = arith.index_cast %scan3A_777 : i32 to index
          %get3A_818 = arith.constant 80 : index
          %get3A_819 = tpu.vector_load %arg6[%get3A_816, %get3A_817, %get3A_818] {strides = array<i32>} : memref<2x16x200xi32, #tpu.memory_space<vmem>>, vector<16xi32>,
          %swap3A_820 = arith.index_cast %rem3A_375 : i32 to index
          %swap3A_821 = arith.index_cast %scan3A_777 : i32 to index
          %swap3A_822 = arith.constant 80 : index
          %swap3A_823 = tpu.vector_load %arg7[%swap3A_820, %swap3A_821, %swap3A_822] {strides = array<i32>} : memref<2x16x256xi32, #tpu.memory_space<vmem>>, vector<16xi32>,
          tpu.vector_store %arg7[%swap3A_820, %swap3A_821, %swap3A_822], %get3A_819 {strides = array<i32>} : memref<2x16x256xi32, #tpu.memory_space<vmem>>, vector<16xi32>,
          %get3A_824 = arith.index_cast %rem3A_375 : i32 to index
          %get3A_825 = arith.index_cast %scan3A_777 : i32 to index
          %get3A_826 = arith.constant 88 : index
          %get3A_827 = tpu.vector_load %arg6[%get3A_824, %get3A_825, %get3A_826] {strides = array<i32>} : memref<2x16x200xi32, #tpu.memory_space<vmem>>, vector<16xi32>,
          %swap3A_828 = arith.index_cast %rem3A_375 : i32 to index
          %swap3A_829 = arith.index_cast %scan3A_777 : i32 to index
          %swap3A_830 = arith.constant 88 : index
          %swap3A_831 = tpu.vector_load %arg7[%swap3A_828, %swap3A_829, %swap3A_830] {strides = array<i32>} : memref<2x16x256xi32, #tpu.memory_space<vmem>>, vector<16xi32>,
          tpu.vector_store %arg7[%swap3A_828, %swap3A_829, %swap3A_830], %get3A_827 {strides = array<i32>} : memref<2x16x256xi32, #tpu.memory_space<vmem>>, vector<16xi32>,
          %get3A_832 = arith.index_cast %rem3A_375 : i32 to index
          %get3A_833 = arith.index_cast %scan3A_777 : i32 to index
          %get3A_834 = arith.constant 104 : index
          %get3A_835 = tpu.vector_load %arg6[%get3A_832, %get3A_833, %get3A_834] {strides = array<i32>} : memref<2x16x200xi32, #tpu.memory_space<vmem>>, vector<16xi32>,
          %swap3A_836 = arith.index_cast %rem3A_375 : i32 to index
          %swap3A_837 = arith.index_cast %scan3A_777 : i32 to index
          %swap3A_838 = arith.constant 128 : index
          %swap3A_839 = tpu.vector_load %arg7[%swap3A_836, %swap3A_837, %swap3A_838] {strides = array<i32>} : memref<2x16x256xi32, #tpu.memory_space<vmem>>, vector<16xi32>,
          tpu.vector_store %arg7[%swap3A_836, %swap3A_837, %swap3A_838], %get3A_835 {strides = array<i32>} : memref<2x16x256xi32, #tpu.memory_space<vmem>>, vector<16xi32>,
          %get3A_840 = arith.index_cast %rem3A_375 : i32 to index
          %get3A_841 = arith.index_cast %scan3A_777 : i32 to index
          %get3A_842 = arith.constant 112 : index
          %get3A_843 = tpu.vector_load %arg6[%get3A_840, %get3A_841, %get3A_842] {strides = array<i32>} : memref<2x16x200xi32, #tpu.memory_space<vmem>>, vector<16xi32>,
          %swap3A_844 = arith.index_cast %rem3A_375 : i32 to index
          %swap3A_845 = arith.index_cast %scan3A_777 : i32 to index
          %swap3A_846 = arith.constant 136 : index
          %swap3A_847 = tpu.vector_load %arg7[%swap3A_844, %swap3A_845, %swap3A_846] {strides = array<i32>} : memref<2x16x256xi32, #tpu.memory_space<vmem>>, vector<16xi32>,
          tpu.vector_store %arg7[%swap3A_844, %swap3A_845, %swap3A_846], %get3A_843 {strides = array<i32>} : memref<2x16x256xi32, #tpu.memory_space<vmem>>, vector<16xi32>,
          %get3A_848 = arith.index_cast %rem3A_375 : i32 to index
          %get3A_849 = arith.index_cast %scan3A_777 : i32 to index
          %get3A_850 = arith.constant 128 : index
          %get3A_851 = tpu.vector_load %arg6[%get3A_848, %get3A_849, %get3A_850] {strides = array<i32>} : memref<2x16x200xi32, #tpu.memory_space<vmem>>, vector<16xi32>,
          %swap3A_852 = arith.index_cast %rem3A_375 : i32 to index
          %swap3A_853 = arith.index_cast %scan3A_777 : i32 to index
          %swap3A_854 = arith.constant 152 : index
          %swap3A_855 = tpu.vector_load %arg7[%swap3A_852, %swap3A_853, %swap3A_854] {strides = array<i32>} : memref<2x16x256xi32, #tpu.memory_space<vmem>>, vector<16xi32>,
          tpu.vector_store %arg7[%swap3A_852, %swap3A_853, %swap3A_854], %get3A_851 {strides = array<i32>} : memref<2x16x256xi32, #tpu.memory_space<vmem>>, vector<16xi32>,
          %get3A_856 = arith.index_cast %rem3A_375 : i32 to index
          %get3A_857 = arith.index_cast %scan3A_777 : i32 to index
          %get3A_858 = arith.constant 144 : index
          %get3A_859 = tpu.vector_load %arg6[%get3A_856, %get3A_857, %get3A_858] {strides = array<i32>} : memref<2x16x200xi32, #tpu.memory_space<vmem>>, vector<16xi32>,
          %swap3A_860 = arith.index_cast %rem3A_375 : i32 to index
          %swap3A_861 = arith.index_cast %scan3A_777 : i32 to index
          %swap3A_862 = arith.constant 168 : index
          %swap3A_863 = tpu.vector_load %arg7[%swap3A_860, %swap3A_861, %swap3A_862] {strides = array<i32>} : memref<2x16x256xi32, #tpu.memory_space<vmem>>, vector<16xi32>,
          tpu.vector_store %arg7[%swap3A_860, %swap3A_861, %swap3A_862], %get3A_859 {strides = array<i32>} : memref<2x16x256xi32, #tpu.memory_space<vmem>>, vector<16xi32>,
          %get3A_864 = arith.index_cast %rem3A_375 : i32 to index
          %get3A_865 = arith.index_cast %scan3A_777 : i32 to index
          %get3A_866 = arith.constant 160 : index
          %get3A_867 = tpu.vector_load %arg6[%get3A_864, %get3A_865, %get3A_866] {strides = array<i32>} : memref<2x16x200xi32, #tpu.memory_space<vmem>>, vector<16xi32>,
          %swap3A_868 = arith.index_cast %rem3A_375 : i32 to index
          %swap3A_869 = arith.index_cast %scan3A_777 : i32 to index
          %swap3A_870 = arith.constant 184 : index
          %swap3A_871 = tpu.vector_load %arg7[%swap3A_868, %swap3A_869, %swap3A_870] {strides = array<i32>} : memref<2x16x256xi32, #tpu.memory_space<vmem>>, vector<16xi32>,
          tpu.vector_store %arg7[%swap3A_868, %swap3A_869, %swap3A_870], %get3A_867 {strides = array<i32>} : memref<2x16x256xi32, #tpu.memory_space<vmem>>, vector<16xi32>,
          %get3A_872 = arith.index_cast %rem3A_375 : i32 to index
          %get3A_873 = arith.index_cast %scan3A_777 : i32 to index
          %get3A_874 = arith.constant 176 : index
          %get3A_875 = tpu.vector_load %arg6[%get3A_872, %get3A_873, %get3A_874] {strides = array<i32>} : memref<2x16x200xi32, #tpu.memory_space<vmem>>, vector<16xi32>,
          %swap3A_876 = arith.index_cast %rem3A_375 : i32 to index
          %swap3A_877 = arith.index_cast %scan3A_777 : i32 to index
          %swap3A_878 = arith.constant 200 : index
          %swap3A_879 = tpu.vector_load %arg7[%swap3A_876, %swap3A_877, %swap3A_878] {strides = array<i32>} : memref<2x16x256xi32, #tpu.memory_space<vmem>>, vector<16xi32>,
          tpu.vector_store %arg7[%swap3A_876, %swap3A_877, %swap3A_878], %get3A_875 {strides = array<i32>} : memref<2x16x256xi32, #tpu.memory_space<vmem>>, vector<16xi32>,
          %get3A_880 = arith.index_cast %rem3A_375 : i32 to index
          %get3A_881 = arith.index_cast %scan3A_777 : i32 to index
          %get3A_882 = arith.constant 184 : index
          %get3A_883 = tpu.vector_load %arg6[%get3A_880, %get3A_881, %get3A_882] {strides = array<i32>} : memref<2x16x200xi32, #tpu.memory_space<vmem>>, vector<16xi32>,
          %swap3A_884 = arith.index_cast %rem3A_375 : i32 to index
          %swap3A_885 = arith.index_cast %scan3A_777 : i32 to index
          %swap3A_886 = arith.constant 208 : index
          %swap3A_887 = tpu.vector_load %arg7[%swap3A_884, %swap3A_885, %swap3A_886] {strides = array<i32>} : memref<2x16x256xi32, #tpu.memory_space<vmem>>, vector<16xi32>,
          tpu.vector_store %arg7[%swap3A_884, %swap3A_885, %swap3A_886], %get3A_883 {strides = array<i32>} : memref<2x16x256xi32, #tpu.memory_space<vmem>>, vector<16xi32>,
        }
        %scan3A_776 = arith.constant 16 : i32
      } else {
      }
      %mul3A_380 = arith.constant 4 : i32
      %mul3A_381 = arith.muli %scan3A_356, %mul3A_380 : i32
      %add3A_382 = arith.constant 0 : i32
      %add3A_383 = arith.addi %mul3A_381, %add3A_382 : i32
      %mul3A_384 = arith.constant 2 : i32
      %mul3A_385 = arith.muli %mul3A_384, %scan3A_356 : i32
      %add3A_386 = arith.constant 0 : i32
      %add3A_387 = arith.addi %mul3A_385, %add3A_386 : i32
      %rem3A_388 = arith.constant 16 : i32
      %rem3A_389 = arith.remsi %add3A_387, %rem3A_388 : i32
      %dma_start3A_390 = arith.constant 0 : i32
      %dma_start3A_391 = arith.constant 0 : i32
      %dma_start3A_392 = arith.constant 0 : i32
      %dma_start3A_393 = arith.constant 0 : i32
      %dma_start3A_394 = tpu.memref_slice %arg9[%dma_start3A_390, %dma_start3A_392, %dma_start3A_393] : memref<4x104x128xf32, #tpu.memory_space<vmem>> -> memref<1x104x128xf32, #tpu.memory_space<vmem>>
      %dma_start3A_395 = tpu.memref_squeeze %dma_start3A_394 : memref<1x104x128xf32, #tpu.memory_space<vmem>> -> memref<104x128xf32, #tpu.memory_space<vmem>>
      %dma_start3A_396 = arith.constant 0 : i32
      %dma_start3A_397 = tpu.memref_slice %arg7[%rem3A_375, %rem3A_389, %dma_start3A_396] : memref<2x16x256xi32, #tpu.memory_space<vmem>> -> memref<1x1x104xi32, #tpu.memory_space<vmem>>
      %dma_start3A_398 = tpu.memref_squeeze %dma_start3A_397 : memref<1x1x104xi32, #tpu.memory_space<vmem>> -> memref<104xi32, #tpu.memory_space<vmem>>
      %dma_start3A_399 = arith.constant 0 : i32
      %dma_start3A_400 = arith.constant 0 : i32
      %dma_start3A_401 = tpu.memref_slice %arg2[%dma_start3A_399, %dma_start3A_400] : memref<1000000x128xf32, #tpu.memory_space<hbm>> -> memref<1000000x128xf32, #tpu.memory_space<hbm>>
      %dma_start3A_402 = tpu.memref_slice %arg12[%dma_start3A_391] : memref<4x!tpu.dma_semaphore, #tpu.memory_space<semaphore_mem>> -> memref<1x!tpu.dma_semaphore, #tpu.memory_space<semaphore_mem>>
      %dma_start3A_403 = tpu.memref_squeeze %dma_start3A_402 : memref<1x!tpu.dma_semaphore, #tpu.memory_space<semaphore_mem>> -> memref<!tpu.dma_semaphore, #tpu.memory_space<semaphore_mem>>
      tpu.enqueue_indirect_dma source(%dma_start3A_401 : memref<1000000x128xf32, #tpu.memory_space<hbm>>) target(%dma_start3A_395 : memref<104x128xf32, #tpu.memory_space<vmem>>) offsets(%dma_start3A_398 : memref<104xi32, #tpu.memory_space<vmem>>) semaphore(%dma_start3A_403 : memref<!tpu.dma_semaphore, #tpu.memory_space<semaphore_mem>>)
      %mul3A_404 = arith.constant 2 : i32
      %mul3A_405 = arith.muli %mul3A_404, %scan3A_356 : i32
      %add3A_406 = arith.constant -1 : i32
      %add3A_407 = arith.addi %mul3A_405, %add3A_406 : i32
      %dma_wait3A_408 = arith.constant 0 : i32
      %dma_wait3A_409 = arith.constant 0 : i32
      %dma_wait3A_410 = arith.constant 2 : i32
      %dma_wait3A_411 = arith.constant 2 : i32
      %dma_wait3A_412 = arith.constant 0 : i32
      %dma_wait3A_413 = arith.constant 0 : i32
      %dma_wait3A_414 = tpu.memref_slice %arg9[%dma_wait3A_410, %dma_wait3A_412, %dma_wait3A_413] : memref<4x104x128xf32, #tpu.memory_space<vmem>> -> memref<1x104x128xf32, #tpu.memory_space<vmem>>
      %dma_wait3A_415 = tpu.memref_squeeze %dma_wait3A_414 : memref<1x104x128xf32, #tpu.memory_space<vmem>> -> memref<104x128xf32, #tpu.memory_space<vmem>>
      %dma_wait3A_416 = arith.constant 0 : i32
      %dma_wait3A_417 = tpu.memref_slice %arg7[%dma_wait3A_408, %dma_wait3A_409, %dma_wait3A_416] : memref<2x16x256xi32, #tpu.memory_space<vmem>> -> memref<1x1x104xi32, #tpu.memory_space<vmem>>
      %dma_wait3A_418 = tpu.memref_squeeze %dma_wait3A_417 : memref<1x1x104xi32, #tpu.memory_space<vmem>> -> memref<104xi32, #tpu.memory_space<vmem>>
      %dma_wait3A_419 = arith.constant 0 : i32
      %dma_wait3A_420 = arith.constant 0 : i32
      %dma_wait3A_421 = tpu.memref_slice %arg2[%dma_wait3A_419, %dma_wait3A_420] : memref<1000000x128xf32, #tpu.memory_space<hbm>> -> memref<1000000x128xf32, #tpu.memory_space<hbm>>
      %dma_wait3A_422 = tpu.memref_slice %arg12[%dma_wait3A_411] : memref<4x!tpu.dma_semaphore, #tpu.memory_space<semaphore_mem>> -> memref<1x!tpu.dma_semaphore, #tpu.memory_space<semaphore_mem>>
      %dma_wait3A_423 = tpu.memref_squeeze %dma_wait3A_422 : memref<1x!tpu.dma_semaphore, #tpu.memory_space<semaphore_mem>> -> memref<!tpu.dma_semaphore, #tpu.memory_space<semaphore_mem>>
      tpu.wait_indirect_dma semaphore(%dma_wait3A_423 : memref<!tpu.dma_semaphore, #tpu.memory_space<semaphore_mem>>) src(%dma_wait3A_421 : memref<1000000x128xf32, #tpu.memory_space<hbm>>) dst(%dma_wait3A_415 : memref<104x128xf32, #tpu.memory_space<vmem>>)
      %dma_wait3A_424 = arith.constant 0 : i32
      %dma_wait3A_425 = arith.constant 0 : i32
      %dma_wait3A_426 = arith.constant 0 : i32
      %dma_wait3A_427 = arith.constant 0 : i32
      %dma_wait3A_428 = arith.constant 0 : i32
      %dma_wait3A_429 = tpu.memref_slice %arg10[%dma_wait3A_424, %dma_wait3A_427, %dma_wait3A_428] : memref<2x104x64xf32, #tpu.memory_space<vmem>> -> memref<1x104x64xf32, #tpu.memory_space<vmem>>
      %dma_wait3A_430 = tpu.memref_squeeze %dma_wait3A_429 : memref<1x104x64xf32, #tpu.memory_space<vmem>> -> memref<104x64xf32, #tpu.memory_space<vmem>>
      %dma_wait3A_431 = arith.constant 0 : i32
      %dma_wait3A_432 = arith.constant 0 : i32
      %dma_wait3A_433 = tpu.memref_slice %arg5[%dma_wait3A_425, %dma_wait3A_431, %dma_wait3A_432] : memref<16384x200x64xf32, #tpu.memory_space<hbm>> -> memref<1x104x64xf32, #tpu.memory_space<hbm>>
      %dma_wait3A_434 = tpu.memref_squeeze %dma_wait3A_433 : memref<1x104x64xf32, #tpu.memory_space<hbm>> -> memref<104x64xf32, #tpu.memory_space<hbm>>
      %dma_wait3A_435 = tpu.memref_slice %arg13[%dma_wait3A_426] : memref<2x!tpu.dma_semaphore, #tpu.memory_space<semaphore_mem>> -> memref<1x!tpu.dma_semaphore, #tpu.memory_space<semaphore_mem>>
      %dma_wait3A_436 = tpu.memref_squeeze %dma_wait3A_435 : memref<1x!tpu.dma_semaphore, #tpu.memory_space<semaphore_mem>> -> memref<!tpu.dma_semaphore, #tpu.memory_space<semaphore_mem>>
      %dma_wait3A_437 = arith.constant 0 : i32
      %dma_wait3A_438 = arith.constant 0 : i32
      %dma_wait3A_439 = tpu.memref_slice %arg5[%dma_wait3A_425, %dma_wait3A_437, %dma_wait3A_438] : memref<16384x200x64xf32, #tpu.memory_space<hbm>> -> memref<1x104x64xf32, #tpu.memory_space<hbm>>
      %dma_wait3A_440 = tpu.memref_squeeze %dma_wait3A_439 : memref<1x104x64xf32, #tpu.memory_space<hbm>> -> memref<104x64xf32, #tpu.memory_space<hbm>>
      %dma_wait3A_441 = arith.constant 0 : i32
      %dma_wait3A_442 = arith.constant 0 : i32
      %dma_wait3A_443 = tpu.memref_slice %arg10[%dma_wait3A_424, %dma_wait3A_441, %dma_wait3A_442] : memref<2x104x64xf32, #tpu.memory_space<vmem>> -> memref<1x104x64xf32, #tpu.memory_space<vmem>>
      %dma_wait3A_444 = tpu.memref_squeeze %dma_wait3A_443 : memref<1x104x64xf32, #tpu.memory_space<vmem>> -> memref<104x64xf32, #tpu.memory_space<vmem>>
      tpu.wait_dma2 semaphore(%dma_wait3A_436 : memref<!tpu.dma_semaphore, #tpu.memory_space<semaphore_mem>>) src(%dma_wait3A_444 : memref<104x64xf32, #tpu.memory_space<vmem>>) dst(%dma_wait3A_440 : memref<104x64xf32, #tpu.memory_space<hbm>>)
      %scan3A_445 = arith.constant 0 : i32
      %scan3A_446 = arith.constant 0 : i32
      %scan3A_447 = arith.constant 104 : i32
      %scan3A_448 = arith.addi %scan3A_446, %scan3A_447 : i32
      %scan3A_449 = arith.constant 1 : i32
      scf.for %scan3A_757 = %scan3A_446 to %scan3A_448 step %scan3A_449  : i32 {
        %get3A = arith.constant 2 : i32
        %get3A_758 = arith.index_cast %get3A : i32 to index
        %get3A_759 = arith.index_cast %scan3A_757 : i32 to index
        %get3A_760 = arith.constant 0 : index
        %get3A_761 = tpu.vector_load %arg9[%get3A_758, %get3A_759, %get3A_760] {strides = array<i32>} : memref<4x104x128xf32, #tpu.memory_space<vmem>>, vector<16xf32>,
        %add3A_762 = arith.constant 0 : i32
        %add3A_763 = arith.addi %add3A_762, %scan3A_757 : i32
        %get3A_764 = arith.index_cast %add3A_763 : i32 to index
        %get3A_765 = arith.constant 0 : index
        %get3A_766 = tpu.vector_load %arg8[%get3A_764, %get3A_765] {strides = array<i32>} : memref<200x64xf32, #tpu.memory_space<vmem>>, vector<16xf32>,
        %add3A_767 = arith.addf %get3A_761, %get3A_766 : vector<16xf32>
        %swap3A = arith.constant 0 : i32
        %swap3A_768 = arith.index_cast %swap3A : i32 to index
        %swap3A_769 = arith.index_cast %scan3A_757 : i32 to index
        %swap3A_770 = arith.constant 0 : index
        %swap3A_771 = tpu.vector_load %arg10[%swap3A_768, %swap3A_769, %swap3A_770] {strides = array<i32>} : memref<2x104x64xf32, #tpu.memory_space<vmem>>, vector<16xf32>,
        tpu.vector_store %arg10[%swap3A_768, %swap3A_769, %swap3A_770], %add3A_767 {strides = array<i32>} : memref<2x104x64xf32, #tpu.memory_space<vmem>>, vector<16xf32>,
        %get3A_772 = arith.constant 2 : i32
        %get3A_773 = arith.index_cast %get3A_772 : i32 to index
        %get3A_774 = arith.index_cast %scan3A_757 : i32 to index
        %get3A_775 = arith.constant 16 : index
        %get3A_776 = tpu.vector_load %arg9[%get3A_773, %get3A_774, %get3A_775] {strides = array<i32>} : memref<4x104x128xf32, #tpu.memory_space<vmem>>, vector<16xf32>,
        %add3A_777 = arith.constant 0 : i32
        %add3A_778 = arith.addi %add3A_777, %scan3A_757 : i32
        %get3A_779 = arith.index_cast %add3A_778 : i32 to index
        %get3A_780 = arith.constant 16 : index
        %get3A_781 = tpu.vector_load %arg8[%get3A_779, %get3A_780] {strides = array<i32>} : memref<200x64xf32, #tpu.memory_space<vmem>>, vector<16xf32>,
        %add3A_782 = arith.addf %get3A_776, %get3A_781 : vector<16xf32>
        %swap3A_783 = arith.constant 0 : i32
        %swap3A_784 = arith.index_cast %swap3A_783 : i32 to index
        %swap3A_785 = arith.index_cast %scan3A_757 : i32 to index
        %swap3A_786 = arith.constant 16 : index
        %swap3A_787 = tpu.vector_load %arg10[%swap3A_784, %swap3A_785, %swap3A_786] {strides = array<i32>} : memref<2x104x64xf32, #tpu.memory_space<vmem>>, vector<16xf32>,
        tpu.vector_store %arg10[%swap3A_784, %swap3A_785, %swap3A_786], %add3A_782 {strides = array<i32>} : memref<2x104x64xf32, #tpu.memory_space<vmem>>, vector<16xf32>,
        %get3A_788 = arith.constant 2 : i32
        %get3A_789 = arith.index_cast %get3A_788 : i32 to index
        %get3A_790 = arith.index_cast %scan3A_757 : i32 to index
        %get3A_791 = arith.constant 32 : index
        %get3A_792 = tpu.vector_load %arg9[%get3A_789, %get3A_790, %get3A_791] {strides = array<i32>} : memref<4x104x128xf32, #tpu.memory_space<vmem>>, vector<16xf32>,
        %add3A_793 = arith.constant 0 : i32
        %add3A_794 = arith.addi %add3A_793, %scan3A_757 : i32
        %get3A_795 = arith.index_cast %add3A_794 : i32 to index
        %get3A_796 = arith.constant 32 : index
        %get3A_797 = tpu.vector_load %arg8[%get3A_795, %get3A_796] {strides = array<i32>} : memref<200x64xf32, #tpu.memory_space<vmem>>, vector<16xf32>,
        %add3A_798 = arith.addf %get3A_792, %get3A_797 : vector<16xf32>
        %swap3A_799 = arith.constant 0 : i32
        %swap3A_800 = arith.index_cast %swap3A_799 : i32 to index
        %swap3A_801 = arith.index_cast %scan3A_757 : i32 to index
        %swap3A_802 = arith.constant 32 : index
        %swap3A_803 = tpu.vector_load %arg10[%swap3A_800, %swap3A_801, %swap3A_802] {strides = array<i32>} : memref<2x104x64xf32, #tpu.memory_space<vmem>>, vector<16xf32>,
        tpu.vector_store %arg10[%swap3A_800, %swap3A_801, %swap3A_802], %add3A_798 {strides = array<i32>} : memref<2x104x64xf32, #tpu.memory_space<vmem>>, vector<16xf32>,
        %get3A_804 = arith.constant 2 : i32
        %get3A_805 = arith.index_cast %get3A_804 : i32 to index
        %get3A_806 = arith.index_cast %scan3A_757 : i32 to index
        %get3A_807 = arith.constant 48 : index
        %get3A_808 = tpu.vector_load %arg9[%get3A_805, %get3A_806, %get3A_807] {strides = array<i32>} : memref<4x104x128xf32, #tpu.memory_space<vmem>>, vector<16xf32>,
        %add3A_809 = arith.constant 0 : i32
        %add3A_810 = arith.addi %add3A_809, %scan3A_757 : i32
        %get3A_811 = arith.index_cast %add3A_810 : i32 to index
        %get3A_812 = arith.constant 48 : index
        %get3A_813 = tpu.vector_load %arg8[%get3A_811, %get3A_812] {strides = array<i32>} : memref<200x64xf32, #tpu.memory_space<vmem>>, vector<16xf32>,
        %add3A_814 = arith.addf %get3A_808, %get3A_813 : vector<16xf32>
        %swap3A_815 = arith.constant 0 : i32
        %swap3A_816 = arith.index_cast %swap3A_815 : i32 to index
        %swap3A_817 = arith.index_cast %scan3A_757 : i32 to index
        %swap3A_818 = arith.constant 48 : index
        %swap3A_819 = tpu.vector_load %arg10[%swap3A_816, %swap3A_817, %swap3A_818] {strides = array<i32>} : memref<2x104x64xf32, #tpu.memory_space<vmem>>, vector<16xf32>,
        tpu.vector_store %arg10[%swap3A_816, %swap3A_817, %swap3A_818], %add3A_814 {strides = array<i32>} : memref<2x104x64xf32, #tpu.memory_space<vmem>>, vector<16xf32>,
      }
      %scan3A_450 = arith.constant 104 : i32
      %add3A_451 = arith.addi %mul3A_2, %add3A_407 : i32
      %dma_start3A_452 = arith.constant 0 : i32
      %dma_start3A_453 = arith.constant 0 : i32
      %dma_start3A_454 = arith.constant 0 : i32
      %dma_start3A_455 = arith.constant 0 : i32
      %dma_start3A_456 = tpu.memref_slice %arg10[%dma_start3A_452, %dma_start3A_454, %dma_start3A_455] : memref<2x104x64xf32, #tpu.memory_space<vmem>> -> memref<1x104x64xf32, #tpu.memory_space<vmem>>
      %dma_start3A_457 = tpu.memref_squeeze %dma_start3A_456 : memref<1x104x64xf32, #tpu.memory_space<vmem>> -> memref<104x64xf32, #tpu.memory_space<vmem>>
      %dma_start3A_458 = arith.constant 0 : i32
      %dma_start3A_459 = arith.constant 0 : i32
      %dma_start3A_460 = tpu.memref_slice %arg5[%add3A_451, %dma_start3A_458, %dma_start3A_459] : memref<16384x200x64xf32, #tpu.memory_space<hbm>> -> memref<1x104x64xf32, #tpu.memory_space<hbm>>
      %dma_start3A_461 = tpu.memref_squeeze %dma_start3A_460 : memref<1x104x64xf32, #tpu.memory_space<hbm>> -> memref<104x64xf32, #tpu.memory_space<hbm>>
      %dma_start3A_462 = tpu.memref_slice %arg13[%dma_start3A_453] : memref<2x!tpu.dma_semaphore, #tpu.memory_space<semaphore_mem>> -> memref<1x!tpu.dma_semaphore, #tpu.memory_space<semaphore_mem>>
      %dma_start3A_463 = tpu.memref_squeeze %dma_start3A_462 : memref<1x!tpu.dma_semaphore, #tpu.memory_space<semaphore_mem>> -> memref<!tpu.dma_semaphore, #tpu.memory_space<semaphore_mem>>
      %dma_start3A_464 = arith.constant 0 : i32
      %dma_start3A_465 = arith.constant 0 : i32
      %dma_start3A_466 = tpu.memref_slice %arg5[%add3A_451, %dma_start3A_464, %dma_start3A_465] : memref<16384x200x64xf32, #tpu.memory_space<hbm>> -> memref<1x104x64xf32, #tpu.memory_space<hbm>>
      %dma_start3A_467 = tpu.memref_squeeze %dma_start3A_466 : memref<1x104x64xf32, #tpu.memory_space<hbm>> -> memref<104x64xf32, #tpu.memory_space<hbm>>
      %dma_start3A_468 = arith.constant 0 : i32
      %dma_start3A_469 = arith.constant 0 : i32
      %dma_start3A_470 = tpu.memref_slice %arg10[%dma_start3A_452, %dma_start3A_468, %dma_start3A_469] : memref<2x104x64xf32, #tpu.memory_space<vmem>> -> memref<1x104x64xf32, #tpu.memory_space<vmem>>
      %dma_start3A_471 = tpu.memref_squeeze %dma_start3A_470 : memref<1x104x64xf32, #tpu.memory_space<vmem>> -> memref<104x64xf32, #tpu.memory_space<vmem>>
      tpu.enqueue_dma source(%dma_start3A_471 : memref<104x64xf32, #tpu.memory_space<vmem>>) target(%dma_start3A_467 : memref<104x64xf32, #tpu.memory_space<hbm>>) target_semaphore(%dma_start3A_463 : memref<!tpu.dma_semaphore, #tpu.memory_space<semaphore_mem>>)
      %mul3A_472 = arith.constant 4 : i32
      %mul3A_473 = arith.muli %scan3A_356, %mul3A_472 : i32
      %add3A_474 = arith.constant 1 : i32
      %add3A_475 = arith.addi %mul3A_473, %add3A_474 : i32
      %mul3A_476 = arith.constant 2 : i32
      %mul3A_477 = arith.muli %mul3A_476, %scan3A_356 : i32
      %add3A_478 = arith.constant 0 : i32
      %add3A_479 = arith.addi %mul3A_477, %add3A_478 : i32
      %rem3A_480 = arith.constant 16 : i32
      %rem3A_481 = arith.remsi %add3A_479, %rem3A_480 : i32
      %dma_start3A_482 = arith.constant 1 : i32
      %dma_start3A_483 = arith.constant 1 : i32
      %dma_start3A_484 = arith.constant 0 : i32
      %dma_start3A_485 = arith.constant 0 : i32
      %dma_start3A_486 = tpu.memref_slice %arg9[%dma_start3A_482, %dma_start3A_484, %dma_start3A_485] : memref<4x104x128xf32, #tpu.memory_space<vmem>> -> memref<1x96x128xf32, #tpu.memory_space<vmem>>
      %dma_start3A_487 = tpu.memref_squeeze %dma_start3A_486 : memref<1x96x128xf32, #tpu.memory_space<vmem>> -> memref<96x128xf32, #tpu.memory_space<vmem>>
      %dma_start3A_488 = arith.constant 128 : i32
      %dma_start3A_489 = tpu.memref_slice %arg7[%rem3A_375, %rem3A_481, %dma_start3A_488] : memref<2x16x256xi32, #tpu.memory_space<vmem>> -> memref<1x1x96xi32, #tpu.memory_space<vmem>>
      %dma_start3A_490 = tpu.memref_squeeze %dma_start3A_489 : memref<1x1x96xi32, #tpu.memory_space<vmem>> -> memref<96xi32, #tpu.memory_space<vmem>>
      %dma_start3A_491 = arith.constant 0 : i32
      %dma_start3A_492 = arith.constant 0 : i32
      %dma_start3A_493 = tpu.memref_slice %arg2[%dma_start3A_491, %dma_start3A_492] : memref<1000000x128xf32, #tpu.memory_space<hbm>> -> memref<1000000x128xf32, #tpu.memory_space<hbm>>
      %dma_start3A_494 = tpu.memref_slice %arg12[%dma_start3A_483] : memref<4x!tpu.dma_semaphore, #tpu.memory_space<semaphore_mem>> -> memref<1x!tpu.dma_semaphore, #tpu.memory_space<semaphore_mem>>
      %dma_start3A_495 = tpu.memref_squeeze %dma_start3A_494 : memref<1x!tpu.dma_semaphore, #tpu.memory_space<semaphore_mem>> -> memref<!tpu.dma_semaphore, #tpu.memory_space<semaphore_mem>>
      tpu.enqueue_indirect_dma source(%dma_start3A_493 : memref<1000000x128xf32, #tpu.memory_space<hbm>>) target(%dma_start3A_487 : memref<96x128xf32, #tpu.memory_space<vmem>>) offsets(%dma_start3A_490 : memref<96xi32, #tpu.memory_space<vmem>>) semaphore(%dma_start3A_495 : memref<!tpu.dma_semaphore, #tpu.memory_space<semaphore_mem>>)
      %mul3A_496 = arith.constant 2 : i32
      %mul3A_497 = arith.muli %mul3A_496, %scan3A_356 : i32
      %add3A_498 = arith.constant -1 : i32
      %add3A_499 = arith.addi %mul3A_497, %add3A_498 : i32
      %dma_wait3A_500 = arith.constant 0 : i32
      %dma_wait3A_501 = arith.constant 0 : i32
      %dma_wait3A_502 = arith.constant 3 : i32
      %dma_wait3A_503 = arith.constant 3 : i32
      %dma_wait3A_504 = arith.constant 0 : i32
      %dma_wait3A_505 = arith.constant 0 : i32
      %dma_wait3A_506 = tpu.memref_slice %arg9[%dma_wait3A_502, %dma_wait3A_504, %dma_wait3A_505] : memref<4x104x128xf32, #tpu.memory_space<vmem>> -> memref<1x96x128xf32, #tpu.memory_space<vmem>>
      %dma_wait3A_507 = tpu.memref_squeeze %dma_wait3A_506 : memref<1x96x128xf32, #tpu.memory_space<vmem>> -> memref<96x128xf32, #tpu.memory_space<vmem>>
      %dma_wait3A_508 = arith.constant 0 : i32
      %dma_wait3A_509 = tpu.memref_slice %arg7[%dma_wait3A_500, %dma_wait3A_501, %dma_wait3A_508] : memref<2x16x256xi32, #tpu.memory_space<vmem>> -> memref<1x1x96xi32, #tpu.memory_space<vmem>>
      %dma_wait3A_510 = tpu.memref_squeeze %dma_wait3A_509 : memref<1x1x96xi32, #tpu.memory_space<vmem>> -> memref<96xi32, #tpu.memory_space<vmem>>
      %dma_wait3A_511 = arith.constant 0 : i32
      %dma_wait3A_512 = arith.constant 0 : i32
      %dma_wait3A_513 = tpu.memref_slice %arg2[%dma_wait3A_511, %dma_wait3A_512] : memref<1000000x128xf32, #tpu.memory_space<hbm>> -> memref<1000000x128xf32, #tpu.memory_space<hbm>>
      %dma_wait3A_514 = tpu.memref_slice %arg12[%dma_wait3A_503] : memref<4x!tpu.dma_semaphore, #tpu.memory_space<semaphore_mem>> -> memref<1x!tpu.dma_semaphore, #tpu.memory_space<semaphore_mem>>
      %dma_wait3A_515 = tpu.memref_squeeze %dma_wait3A_514 : memref<1x!tpu.dma_semaphore, #tpu.memory_space<semaphore_mem>> -> memref<!tpu.dma_semaphore, #tpu.memory_space<semaphore_mem>>
      tpu.wait_indirect_dma semaphore(%dma_wait3A_515 : memref<!tpu.dma_semaphore, #tpu.memory_space<semaphore_mem>>) src(%dma_wait3A_513 : memref<1000000x128xf32, #tpu.memory_space<hbm>>) dst(%dma_wait3A_507 : memref<96x128xf32, #tpu.memory_space<vmem>>)
      %dma_wait3A_516 = arith.constant 1 : i32
      %dma_wait3A_517 = arith.constant 0 : i32
      %dma_wait3A_518 = arith.constant 1 : i32
      %dma_wait3A_519 = arith.constant 0 : i32
      %dma_wait3A_520 = arith.constant 0 : i32
      %dma_wait3A_521 = tpu.memref_slice %arg10[%dma_wait3A_516, %dma_wait3A_519, %dma_wait3A_520] : memref<2x104x64xf32, #tpu.memory_space<vmem>> -> memref<1x96x64xf32, #tpu.memory_space<vmem>>
      %dma_wait3A_522 = tpu.memref_squeeze %dma_wait3A_521 : memref<1x96x64xf32, #tpu.memory_space<vmem>> -> memref<96x64xf32, #tpu.memory_space<vmem>>
      %dma_wait3A_523 = arith.constant 104 : i32
      %dma_wait3A_524 = arith.constant 0 : i32
      %dma_wait3A_525 = tpu.memref_slice %arg5[%dma_wait3A_517, %dma_wait3A_523, %dma_wait3A_524] : memref<16384x200x64xf32, #tpu.memory_space<hbm>> -> memref<1x96x64xf32, #tpu.memory_space<hbm>>
      %dma_wait3A_526 = tpu.memref_squeeze %dma_wait3A_525 : memref<1x96x64xf32, #tpu.memory_space<hbm>> -> memref<96x64xf32, #tpu.memory_space<hbm>>
      %dma_wait3A_527 = tpu.memref_slice %arg13[%dma_wait3A_518] : memref<2x!tpu.dma_semaphore, #tpu.memory_space<semaphore_mem>> -> memref<1x!tpu.dma_semaphore, #tpu.memory_space<semaphore_mem>>
      %dma_wait3A_528 = tpu.memref_squeeze %dma_wait3A_527 : memref<1x!tpu.dma_semaphore, #tpu.memory_space<semaphore_mem>> -> memref<!tpu.dma_semaphore, #tpu.memory_space<semaphore_mem>>
      %dma_wait3A_529 = arith.constant 104 : i32
      %dma_wait3A_530 = arith.constant 0 : i32
      %dma_wait3A_531 = tpu.memref_slice %arg5[%dma_wait3A_517, %dma_wait3A_529, %dma_wait3A_530] : memref<16384x200x64xf32, #tpu.memory_space<hbm>> -> memref<1x96x64xf32, #tpu.memory_space<hbm>>
      %dma_wait3A_532 = tpu.memref_squeeze %dma_wait3A_531 : memref<1x96x64xf32, #tpu.memory_space<hbm>> -> memref<96x64xf32, #tpu.memory_space<hbm>>
      %dma_wait3A_533 = arith.constant 0 : i32
      %dma_wait3A_534 = arith.constant 0 : i32
      %dma_wait3A_535 = tpu.memref_slice %arg10[%dma_wait3A_516, %dma_wait3A_533, %dma_wait3A_534] : memref<2x104x64xf32, #tpu.memory_space<vmem>> -> memref<1x96x64xf32, #tpu.memory_space<vmem>>
      %dma_wait3A_536 = tpu.memref_squeeze %dma_wait3A_535 : memref<1x96x64xf32, #tpu.memory_space<vmem>> -> memref<96x64xf32, #tpu.memory_space<vmem>>
      tpu.wait_dma2 semaphore(%dma_wait3A_528 : memref<!tpu.dma_semaphore, #tpu.memory_space<semaphore_mem>>) src(%dma_wait3A_536 : memref<96x64xf32, #tpu.memory_space<vmem>>) dst(%dma_wait3A_532 : memref<96x64xf32, #tpu.memory_space<hbm>>)
      %scan3A_537 = arith.constant 0 : i32
      %scan3A_538 = arith.constant 0 : i32
      %scan3A_539 = arith.constant 96 : i32
      %scan3A_540 = arith.addi %scan3A_538, %scan3A_539 : i32
      %scan3A_541 = arith.constant 1 : i32
      scf.for %scan3A_757 = %scan3A_538 to %scan3A_540 step %scan3A_541  : i32 {
        %get3A = arith.constant 3 : i32
        %get3A_758 = arith.index_cast %get3A : i32 to index
        %get3A_759 = arith.index_cast %scan3A_757 : i32 to index
        %get3A_760 = arith.constant 0 : index
        %get3A_761 = tpu.vector_load %arg9[%get3A_758, %get3A_759, %get3A_760] {strides = array<i32>} : memref<4x104x128xf32, #tpu.memory_space<vmem>>, vector<16xf32>,
        %add3A_762 = arith.constant 104 : i32
        %add3A_763 = arith.addi %add3A_762, %scan3A_757 : i32
        %get3A_764 = arith.index_cast %add3A_763 : i32 to index
        %get3A_765 = arith.constant 0 : index
        %get3A_766 = tpu.vector_load %arg8[%get3A_764, %get3A_765] {strides = array<i32>} : memref<200x64xf32, #tpu.memory_space<vmem>>, vector<16xf32>,
        %add3A_767 = arith.addf %get3A_761, %get3A_766 : vector<16xf32>
        %swap3A = arith.constant 1 : i32
        %swap3A_768 = arith.index_cast %swap3A : i32 to index
        %swap3A_769 = arith.index_cast %scan3A_757 : i32 to index
        %swap3A_770 = arith.constant 0 : index
        %swap3A_771 = tpu.vector_load %arg10[%swap3A_768, %swap3A_769, %swap3A_770] {strides = array<i32>} : memref<2x104x64xf32, #tpu.memory_space<vmem>>, vector<16xf32>,
        tpu.vector_store %arg10[%swap3A_768, %swap3A_769, %swap3A_770], %add3A_767 {strides = array<i32>} : memref<2x104x64xf32, #tpu.memory_space<vmem>>, vector<16xf32>,
        %get3A_772 = arith.constant 3 : i32
        %get3A_773 = arith.index_cast %get3A_772 : i32 to index
        %get3A_774 = arith.index_cast %scan3A_757 : i32 to index
        %get3A_775 = arith.constant 16 : index
        %get3A_776 = tpu.vector_load %arg9[%get3A_773, %get3A_774, %get3A_775] {strides = array<i32>} : memref<4x104x128xf32, #tpu.memory_space<vmem>>, vector<16xf32>,
        %add3A_777 = arith.constant 104 : i32
        %add3A_778 = arith.addi %add3A_777, %scan3A_757 : i32
        %get3A_779 = arith.index_cast %add3A_778 : i32 to index
        %get3A_780 = arith.constant 16 : index
        %get3A_781 = tpu.vector_load %arg8[%get3A_779, %get3A_780] {strides = array<i32>} : memref<200x64xf32, #tpu.memory_space<vmem>>, vector<16xf32>,
        %add3A_782 = arith.addf %get3A_776, %get3A_781 : vector<16xf32>
        %swap3A_783 = arith.constant 1 : i32
        %swap3A_784 = arith.index_cast %swap3A_783 : i32 to index
        %swap3A_785 = arith.index_cast %scan3A_757 : i32 to index
        %swap3A_786 = arith.constant 16 : index
        %swap3A_787 = tpu.vector_load %arg10[%swap3A_784, %swap3A_785, %swap3A_786] {strides = array<i32>} : memref<2x104x64xf32, #tpu.memory_space<vmem>>, vector<16xf32>,
        tpu.vector_store %arg10[%swap3A_784, %swap3A_785, %swap3A_786], %add3A_782 {strides = array<i32>} : memref<2x104x64xf32, #tpu.memory_space<vmem>>, vector<16xf32>,
        %get3A_788 = arith.constant 3 : i32
        %get3A_789 = arith.index_cast %get3A_788 : i32 to index
        %get3A_790 = arith.index_cast %scan3A_757 : i32 to index
        %get3A_791 = arith.constant 32 : index
        %get3A_792 = tpu.vector_load %arg9[%get3A_789, %get3A_790, %get3A_791] {strides = array<i32>} : memref<4x104x128xf32, #tpu.memory_space<vmem>>, vector<16xf32>,
        %add3A_793 = arith.constant 104 : i32
        %add3A_794 = arith.addi %add3A_793, %scan3A_757 : i32
        %get3A_795 = arith.index_cast %add3A_794 : i32 to index
        %get3A_796 = arith.constant 32 : index
        %get3A_797 = tpu.vector_load %arg8[%get3A_795, %get3A_796] {strides = array<i32>} : memref<200x64xf32, #tpu.memory_space<vmem>>, vector<16xf32>,
        %add3A_798 = arith.addf %get3A_792, %get3A_797 : vector<16xf32>
        %swap3A_799 = arith.constant 1 : i32
        %swap3A_800 = arith.index_cast %swap3A_799 : i32 to index
        %swap3A_801 = arith.index_cast %scan3A_757 : i32 to index
        %swap3A_802 = arith.constant 32 : index
        %swap3A_803 = tpu.vector_load %arg10[%swap3A_800, %swap3A_801, %swap3A_802] {strides = array<i32>} : memref<2x104x64xf32, #tpu.memory_space<vmem>>, vector<16xf32>,
        tpu.vector_store %arg10[%swap3A_800, %swap3A_801, %swap3A_802], %add3A_798 {strides = array<i32>} : memref<2x104x64xf32, #tpu.memory_space<vmem>>, vector<16xf32>,
        %get3A_804 = arith.constant 3 : i32
        %get3A_805 = arith.index_cast %get3A_804 : i32 to index
        %get3A_806 = arith.index_cast %scan3A_757 : i32 to index
        %get3A_807 = arith.constant 48 : index
        %get3A_808 = tpu.vector_load %arg9[%get3A_805, %get3A_806, %get3A_807] {strides = array<i32>} : memref<4x104x128xf32, #tpu.memory_space<vmem>>, vector<16xf32>,
        %add3A_809 = arith.constant 104 : i32
        %add3A_810 = arith.addi %add3A_809, %scan3A_757 : i32
        %get3A_811 = arith.index_cast %add3A_810 : i32 to index
        %get3A_812 = arith.constant 48 : index
        %get3A_813 = tpu.vector_load %arg8[%get3A_811, %get3A_812] {strides = array<i32>} : memref<200x64xf32, #tpu.memory_space<vmem>>, vector<16xf32>,
        %add3A_814 = arith.addf %get3A_808, %get3A_813 : vector<16xf32>
        %swap3A_815 = arith.constant 1 : i32
        %swap3A_816 = arith.index_cast %swap3A_815 : i32 to index
        %swap3A_817 = arith.index_cast %scan3A_757 : i32 to index
        %swap3A_818 = arith.constant 48 : index
        %swap3A_819 = tpu.vector_load %arg10[%swap3A_816, %swap3A_817, %swap3A_818] {strides = array<i32>} : memref<2x104x64xf32, #tpu.memory_space<vmem>>, vector<16xf32>,
        tpu.vector_store %arg10[%swap3A_816, %swap3A_817, %swap3A_818], %add3A_814 {strides = array<i32>} : memref<2x104x64xf32, #tpu.memory_space<vmem>>, vector<16xf32>,
      }
      %scan3A_542 = arith.constant 96 : i32
      %add3A_543 = arith.addi %mul3A_2, %add3A_499 : i32
      %dma_start3A_544 = arith.constant 1 : i32
      %dma_start3A_545 = arith.constant 1 : i32
      %dma_start3A_546 = arith.constant 0 : i32
      %dma_start3A_547 = arith.constant 0 : i32
      %dma_start3A_548 = tpu.memref_slice %arg10[%dma_start3A_544, %dma_start3A_546, %dma_start3A_547] : memref<2x104x64xf32, #tpu.memory_space<vmem>> -> memref<1x96x64xf32, #tpu.memory_space<vmem>>
      %dma_start3A_549 = tpu.memref_squeeze %dma_start3A_548 : memref<1x96x64xf32, #tpu.memory_space<vmem>> -> memref<96x64xf32, #tpu.memory_space<vmem>>
      %dma_start3A_550 = arith.constant 104 : i32
      %dma_start3A_551 = arith.constant 0 : i32
      %dma_start3A_552 = tpu.memref_slice %arg5[%add3A_543, %dma_start3A_550, %dma_start3A_551] : memref<16384x200x64xf32, #tpu.memory_space<hbm>> -> memref<1x96x64xf32, #tpu.memory_space<hbm>>
      %dma_start3A_553 = tpu.memref_squeeze %dma_start3A_552 : memref<1x96x64xf32, #tpu.memory_space<hbm>> -> memref<96x64xf32, #tpu.memory_space<hbm>>
      %dma_start3A_554 = tpu.memref_slice %arg13[%dma_start3A_545] : memref<2x!tpu.dma_semaphore, #tpu.memory_space<semaphore_mem>> -> memref<1x!tpu.dma_semaphore, #tpu.memory_space<semaphore_mem>>
      %dma_start3A_555 = tpu.memref_squeeze %dma_start3A_554 : memref<1x!tpu.dma_semaphore, #tpu.memory_space<semaphore_mem>> -> memref<!tpu.dma_semaphore, #tpu.memory_space<semaphore_mem>>
      %dma_start3A_556 = arith.constant 104 : i32
      %dma_start3A_557 = arith.constant 0 : i32
      %dma_start3A_558 = tpu.memref_slice %arg5[%add3A_543, %dma_start3A_556, %dma_start3A_557] : memref<16384x200x64xf32, #tpu.memory_space<hbm>> -> memref<1x96x64xf32, #tpu.memory_space<hbm>>
      %dma_start3A_559 = tpu.memref_squeeze %dma_start3A_558 : memref<1x96x64xf32, #tpu.memory_space<hbm>> -> memref<96x64xf32, #tpu.memory_space<hbm>>
      %dma_start3A_560 = arith.constant 0 : i32
      %dma_start3A_561 = arith.constant 0 : i32
      %dma_start3A_562 = tpu.memref_slice %arg10[%dma_start3A_544, %dma_start3A_560, %dma_start3A_561] : memref<2x104x64xf32, #tpu.memory_space<vmem>> -> memref<1x96x64xf32, #tpu.memory_space<vmem>>
      %dma_start3A_563 = tpu.memref_squeeze %dma_start3A_562 : memref<1x96x64xf32, #tpu.memory_space<vmem>> -> memref<96x64xf32, #tpu.memory_space<vmem>>
      tpu.enqueue_dma source(%dma_start3A_563 : memref<96x64xf32, #tpu.memory_space<vmem>>) target(%dma_start3A_559 : memref<96x64xf32, #tpu.memory_space<hbm>>) target_semaphore(%dma_start3A_555 : memref<!tpu.dma_semaphore, #tpu.memory_space<semaphore_mem>>)
      %rem3A_564 = arith.constant 8 : i32
      %rem3A_565 = arith.remsi %scan3A_356, %rem3A_564 : i32
      %eq3A_566 = arith.constant 0 : i32
      %eq3A_567 = arith.cmpi eq, %rem3A_565, %eq3A_566 : i32
      %lt3A = arith.constant 31 : i32
      %lt3A_568 = arith.cmpi slt, %select_n3A, %lt3A : i32
      %and3A_569 = arith.andi %eq3A_567, %lt3A_568 : i1
      %convert_element_type3A_570 = arith.extui %and3A_569 : i1 to i32
      %cond3A_571 = arith.constant 0 : i32
      %cond3A_572 = arith.cmpi ne, %convert_element_type3A_570, %cond3A_571 : i32
      scf.if %cond3A_572 {
        %add3A_757 = arith.constant 1 : i32
        %add3A_758 = arith.addi %select_n3A, %add3A_757 : i32
        %sub3A_759 = arith.constant 1 : i32
        %sub3A_760 = arith.subi %sub3A_759, %rem3A_375 : i32
        %mul3A_761 = arith.constant 16 : i32
        %mul3A_762 = arith.muli %add3A_758, %mul3A_761 : i32
        %add3A_763 = arith.addi %mul3A_2, %mul3A_762 : i32
        %dma_start3A_764 = arith.constant 0 : i32
        %dma_start3A_765 = arith.constant 0 : i32
        %dma_start3A_766 = tpu.memref_slice %arg6[%sub3A_760, %dma_start3A_764, %dma_start3A_765] : memref<2x16x200xi32, #tpu.memory_space<vmem>> -> memref<1x16x200xi32, #tpu.memory_space<vmem>>
        %dma_start3A_767 = tpu.memref_squeeze %dma_start3A_766 : memref<1x16x200xi32, #tpu.memory_space<vmem>> -> memref<16x200xi32, #tpu.memory_space<vmem>>
        %dma_start3A_768 = arith.constant 0 : i32
        %dma_start3A_769 = tpu.memref_slice %arg3[%add3A_763, %dma_start3A_768] : memref<16384x200xi32, #tpu.memory_space<hbm>> -> memref<16x200xi32, #tpu.memory_space<hbm>>
        %dma_start3A_770 = arith.constant 0 : i32
        %dma_start3A_771 = arith.constant 0 : i32
        %dma_start3A_772 = tpu.memref_slice %arg6[%sub3A_760, %dma_start3A_770, %dma_start3A_771] : memref<2x16x200xi32, #tpu.memory_space<vmem>> -> memref<1x16x200xi32, #tpu.memory_space<vmem>>
        %dma_start3A_773 = tpu.memref_squeeze %dma_start3A_772 : memref<1x16x200xi32, #tpu.memory_space<vmem>> -> memref<16x200xi32, #tpu.memory_space<vmem>>
        %dma_start3A_774 = arith.constant 0 : i32
        %dma_start3A_775 = tpu.memref_slice %arg3[%add3A_763, %dma_start3A_774] : memref<16384x200xi32, #tpu.memory_space<hbm>> -> memref<16x200xi32, #tpu.memory_space<hbm>>
        tpu.enqueue_dma source(%dma_start3A_775 : memref<16x200xi32, #tpu.memory_space<hbm>>) target(%dma_start3A_773 : memref<16x200xi32, #tpu.memory_space<vmem>>) target_semaphore(%arg11 : memref<!tpu.dma_semaphore, #tpu.memory_space<semaphore_mem>>)
      } else {
      }
      %mul3A_573 = arith.constant 4 : i32
      %mul3A_574 = arith.muli %scan3A_356, %mul3A_573 : i32
      %add3A_575 = arith.constant 2 : i32
      %add3A_576 = arith.addi %mul3A_574, %add3A_575 : i32
      %mul3A_577 = arith.constant 2 : i32
      %mul3A_578 = arith.muli %mul3A_577, %scan3A_356 : i32
      %add3A_579 = arith.constant 1 : i32
      %add3A_580 = arith.addi %mul3A_578, %add3A_579 : i32
      %rem3A_581 = arith.constant 16 : i32
      %rem3A_582 = arith.remsi %add3A_580, %rem3A_581 : i32
      %dma_start3A_583 = arith.constant 2 : i32
      %dma_start3A_584 = arith.constant 2 : i32
      %dma_start3A_585 = arith.constant 0 : i32
      %dma_start3A_586 = arith.constant 0 : i32
      %dma_start3A_587 = tpu.memref_slice %arg9[%dma_start3A_583, %dma_start3A_585, %dma_start3A_586] : memref<4x104x128xf32, #tpu.memory_space<vmem>> -> memref<1x104x128xf32, #tpu.memory_space<vmem>>
      %dma_start3A_588 = tpu.memref_squeeze %dma_start3A_587 : memref<1x104x128xf32, #tpu.memory_space<vmem>> -> memref<104x128xf32, #tpu.memory_space<vmem>>
      %dma_start3A_589 = arith.constant 0 : i32
      %dma_start3A_590 = tpu.memref_slice %arg7[%rem3A_375, %rem3A_582, %dma_start3A_589] : memref<2x16x256xi32, #tpu.memory_space<vmem>> -> memref<1x1x104xi32, #tpu.memory_space<vmem>>
      %dma_start3A_591 = tpu.memref_squeeze %dma_start3A_590 : memref<1x1x104xi32, #tpu.memory_space<vmem>> -> memref<104xi32, #tpu.memory_space<vmem>>
      %dma_start3A_592 = arith.constant 0 : i32
      %dma_start3A_593 = arith.constant 0 : i32
      %dma_start3A_594 = tpu.memref_slice %arg2[%dma_start3A_592, %dma_start3A_593] : memref<1000000x128xf32, #tpu.memory_space<hbm>> -> memref<1000000x128xf32, #tpu.memory_space<hbm>>
      %dma_start3A_595 = tpu.memref_slice %arg12[%dma_start3A_584] : memref<4x!tpu.dma_semaphore, #tpu.memory_space<semaphore_mem>> -> memref<1x!tpu.dma_semaphore, #tpu.memory_space<semaphore_mem>>
      %dma_start3A_596 = tpu.memref_squeeze %dma_start3A_595 : memref<1x!tpu.dma_semaphore, #tpu.memory_space<semaphore_mem>> -> memref<!tpu.dma_semaphore, #tpu.memory_space<semaphore_mem>>
      tpu.enqueue_indirect_dma source(%dma_start3A_594 : memref<1000000x128xf32, #tpu.memory_space<hbm>>) target(%dma_start3A_588 : memref<104x128xf32, #tpu.memory_space<vmem>>) offsets(%dma_start3A_591 : memref<104xi32, #tpu.memory_space<vmem>>) semaphore(%dma_start3A_596 : memref<!tpu.dma_semaphore, #tpu.memory_space<semaphore_mem>>)
      %mul3A_597 = arith.constant 2 : i32
      %mul3A_598 = arith.muli %mul3A_597, %scan3A_356 : i32
      %add3A_599 = arith.constant 0 : i32
      %add3A_600 = arith.addi %mul3A_598, %add3A_599 : i32
      %dma_wait3A_601 = arith.constant 0 : i32
      %dma_wait3A_602 = arith.constant 0 : i32
      %dma_wait3A_603 = arith.constant 0 : i32
      %dma_wait3A_604 = arith.constant 0 : i32
      %dma_wait3A_605 = arith.constant 0 : i32
      %dma_wait3A_606 = arith.constant 0 : i32
      %dma_wait3A_607 = tpu.memref_slice %arg9[%dma_wait3A_603, %dma_wait3A_605, %dma_wait3A_606] : memref<4x104x128xf32, #tpu.memory_space<vmem>> -> memref<1x104x128xf32, #tpu.memory_space<vmem>>
      %dma_wait3A_608 = tpu.memref_squeeze %dma_wait3A_607 : memref<1x104x128xf32, #tpu.memory_space<vmem>> -> memref<104x128xf32, #tpu.memory_space<vmem>>
      %dma_wait3A_609 = arith.constant 0 : i32
      %dma_wait3A_610 = tpu.memref_slice %arg7[%dma_wait3A_601, %dma_wait3A_602, %dma_wait3A_609] : memref<2x16x256xi32, #tpu.memory_space<vmem>> -> memref<1x1x104xi32, #tpu.memory_space<vmem>>
      %dma_wait3A_611 = tpu.memref_squeeze %dma_wait3A_610 : memref<1x1x104xi32, #tpu.memory_space<vmem>> -> memref<104xi32, #tpu.memory_space<vmem>>
      %dma_wait3A_612 = arith.constant 0 : i32
      %dma_wait3A_613 = arith.constant 0 : i32
      %dma_wait3A_614 = tpu.memref_slice %arg2[%dma_wait3A_612, %dma_wait3A_613] : memref<1000000x128xf32, #tpu.memory_space<hbm>> -> memref<1000000x128xf32, #tpu.memory_space<hbm>>
      %dma_wait3A_615 = tpu.memref_slice %arg12[%dma_wait3A_604] : memref<4x!tpu.dma_semaphore, #tpu.memory_space<semaphore_mem>> -> memref<1x!tpu.dma_semaphore, #tpu.memory_space<semaphore_mem>>
      %dma_wait3A_616 = tpu.memref_squeeze %dma_wait3A_615 : memref<1x!tpu.dma_semaphore, #tpu.memory_space<semaphore_mem>> -> memref<!tpu.dma_semaphore, #tpu.memory_space<semaphore_mem>>
      tpu.wait_indirect_dma semaphore(%dma_wait3A_616 : memref<!tpu.dma_semaphore, #tpu.memory_space<semaphore_mem>>) src(%dma_wait3A_614 : memref<1000000x128xf32, #tpu.memory_space<hbm>>) dst(%dma_wait3A_608 : memref<104x128xf32, #tpu.memory_space<vmem>>)
      %dma_wait3A_617 = arith.constant 0 : i32
      %dma_wait3A_618 = arith.constant 0 : i32
      %dma_wait3A_619 = arith.constant 0 : i32
      %dma_wait3A_620 = arith.constant 0 : i32
      %dma_wait3A_621 = arith.constant 0 : i32
      %dma_wait3A_622 = tpu.memref_slice %arg10[%dma_wait3A_617, %dma_wait3A_620, %dma_wait3A_621] : memref<2x104x64xf32, #tpu.memory_space<vmem>> -> memref<1x104x64xf32, #tpu.memory_space<vmem>>
      %dma_wait3A_623 = tpu.memref_squeeze %dma_wait3A_622 : memref<1x104x64xf32, #tpu.memory_space<vmem>> -> memref<104x64xf32, #tpu.memory_space<vmem>>
      %dma_wait3A_624 = arith.constant 0 : i32
      %dma_wait3A_625 = arith.constant 0 : i32
      %dma_wait3A_626 = tpu.memref_slice %arg5[%dma_wait3A_618, %dma_wait3A_624, %dma_wait3A_625] : memref<16384x200x64xf32, #tpu.memory_space<hbm>> -> memref<1x104x64xf32, #tpu.memory_space<hbm>>
      %dma_wait3A_627 = tpu.memref_squeeze %dma_wait3A_626 : memref<1x104x64xf32, #tpu.memory_space<hbm>> -> memref<104x64xf32, #tpu.memory_space<hbm>>
      %dma_wait3A_628 = tpu.memref_slice %arg13[%dma_wait3A_619] : memref<2x!tpu.dma_semaphore, #tpu.memory_space<semaphore_mem>> -> memref<1x!tpu.dma_semaphore, #tpu.memory_space<semaphore_mem>>
      %dma_wait3A_629 = tpu.memref_squeeze %dma_wait3A_628 : memref<1x!tpu.dma_semaphore, #tpu.memory_space<semaphore_mem>> -> memref<!tpu.dma_semaphore, #tpu.memory_space<semaphore_mem>>
      %dma_wait3A_630 = arith.constant 0 : i32
      %dma_wait3A_631 = arith.constant 0 : i32
      %dma_wait3A_632 = tpu.memref_slice %arg5[%dma_wait3A_618, %dma_wait3A_630, %dma_wait3A_631] : memref<16384x200x64xf32, #tpu.memory_space<hbm>> -> memref<1x104x64xf32, #tpu.memory_space<hbm>>
      %dma_wait3A_633 = tpu.memref_squeeze %dma_wait3A_632 : memref<1x104x64xf32, #tpu.memory_space<hbm>> -> memref<104x64xf32, #tpu.memory_space<hbm>>
      %dma_wait3A_634 = arith.constant 0 : i32
      %dma_wait3A_635 = arith.constant 0 : i32
      %dma_wait3A_636 = tpu.memref_slice %arg10[%dma_wait3A_617, %dma_wait3A_634, %dma_wait3A_635] : memref<2x104x64xf32, #tpu.memory_space<vmem>> -> memref<1x104x64xf32, #tpu.memory_space<vmem>>
      %dma_wait3A_637 = tpu.memref_squeeze %dma_wait3A_636 : memref<1x104x64xf32, #tpu.memory_space<vmem>> -> memref<104x64xf32, #tpu.memory_space<vmem>>
      tpu.wait_dma2 semaphore(%dma_wait3A_629 : memref<!tpu.dma_semaphore, #tpu.memory_space<semaphore_mem>>) src(%dma_wait3A_637 : memref<104x64xf32, #tpu.memory_space<vmem>>) dst(%dma_wait3A_633 : memref<104x64xf32, #tpu.memory_space<hbm>>)
      %scan3A_638 = arith.constant 0 : i32
      %scan3A_639 = arith.constant 0 : i32
      %scan3A_640 = arith.constant 104 : i32
      %scan3A_641 = arith.addi %scan3A_639, %scan3A_640 : i32
      %scan3A_642 = arith.constant 1 : i32
      scf.for %scan3A_757 = %scan3A_639 to %scan3A_641 step %scan3A_642  : i32 {
        %get3A = arith.constant 0 : i32
        %get3A_758 = arith.index_cast %get3A : i32 to index
        %get3A_759 = arith.index_cast %scan3A_757 : i32 to index
        %get3A_760 = arith.constant 0 : index
        %get3A_761 = tpu.vector_load %arg9[%get3A_758, %get3A_759, %get3A_760] {strides = array<i32>} : memref<4x104x128xf32, #tpu.memory_space<vmem>>, vector<16xf32>,
        %add3A_762 = arith.constant 0 : i32
        %add3A_763 = arith.addi %add3A_762, %scan3A_757 : i32
        %get3A_764 = arith.index_cast %add3A_763 : i32 to index
        %get3A_765 = arith.constant 0 : index
        %get3A_766 = tpu.vector_load %arg8[%get3A_764, %get3A_765] {strides = array<i32>} : memref<200x64xf32, #tpu.memory_space<vmem>>, vector<16xf32>,
        %add3A_767 = arith.addf %get3A_761, %get3A_766 : vector<16xf32>
        %swap3A = arith.constant 0 : i32
        %swap3A_768 = arith.index_cast %swap3A : i32 to index
        %swap3A_769 = arith.index_cast %scan3A_757 : i32 to index
        %swap3A_770 = arith.constant 0 : index
        %swap3A_771 = tpu.vector_load %arg10[%swap3A_768, %swap3A_769, %swap3A_770] {strides = array<i32>} : memref<2x104x64xf32, #tpu.memory_space<vmem>>, vector<16xf32>,
        tpu.vector_store %arg10[%swap3A_768, %swap3A_769, %swap3A_770], %add3A_767 {strides = array<i32>} : memref<2x104x64xf32, #tpu.memory_space<vmem>>, vector<16xf32>,
        %get3A_772 = arith.constant 0 : i32
        %get3A_773 = arith.index_cast %get3A_772 : i32 to index
        %get3A_774 = arith.index_cast %scan3A_757 : i32 to index
        %get3A_775 = arith.constant 16 : index
        %get3A_776 = tpu.vector_load %arg9[%get3A_773, %get3A_774, %get3A_775] {strides = array<i32>} : memref<4x104x128xf32, #tpu.memory_space<vmem>>, vector<16xf32>,
        %add3A_777 = arith.constant 0 : i32
        %add3A_778 = arith.addi %add3A_777, %scan3A_757 : i32
        %get3A_779 = arith.index_cast %add3A_778 : i32 to index
        %get3A_780 = arith.constant 16 : index
        %get3A_781 = tpu.vector_load %arg8[%get3A_779, %get3A_780] {strides = array<i32>} : memref<200x64xf32, #tpu.memory_space<vmem>>, vector<16xf32>,
        %add3A_782 = arith.addf %get3A_776, %get3A_781 : vector<16xf32>
        %swap3A_783 = arith.constant 0 : i32
        %swap3A_784 = arith.index_cast %swap3A_783 : i32 to index
        %swap3A_785 = arith.index_cast %scan3A_757 : i32 to index
        %swap3A_786 = arith.constant 16 : index
        %swap3A_787 = tpu.vector_load %arg10[%swap3A_784, %swap3A_785, %swap3A_786] {strides = array<i32>} : memref<2x104x64xf32, #tpu.memory_space<vmem>>, vector<16xf32>,
        tpu.vector_store %arg10[%swap3A_784, %swap3A_785, %swap3A_786], %add3A_782 {strides = array<i32>} : memref<2x104x64xf32, #tpu.memory_space<vmem>>, vector<16xf32>,
        %get3A_788 = arith.constant 0 : i32
        %get3A_789 = arith.index_cast %get3A_788 : i32 to index
        %get3A_790 = arith.index_cast %scan3A_757 : i32 to index
        %get3A_791 = arith.constant 32 : index
        %get3A_792 = tpu.vector_load %arg9[%get3A_789, %get3A_790, %get3A_791] {strides = array<i32>} : memref<4x104x128xf32, #tpu.memory_space<vmem>>, vector<16xf32>,
        %add3A_793 = arith.constant 0 : i32
        %add3A_794 = arith.addi %add3A_793, %scan3A_757 : i32
        %get3A_795 = arith.index_cast %add3A_794 : i32 to index
        %get3A_796 = arith.constant 32 : index
        %get3A_797 = tpu.vector_load %arg8[%get3A_795, %get3A_796] {strides = array<i32>} : memref<200x64xf32, #tpu.memory_space<vmem>>, vector<16xf32>,
        %add3A_798 = arith.addf %get3A_792, %get3A_797 : vector<16xf32>
        %swap3A_799 = arith.constant 0 : i32
        %swap3A_800 = arith.index_cast %swap3A_799 : i32 to index
        %swap3A_801 = arith.index_cast %scan3A_757 : i32 to index
        %swap3A_802 = arith.constant 32 : index
        %swap3A_803 = tpu.vector_load %arg10[%swap3A_800, %swap3A_801, %swap3A_802] {strides = array<i32>} : memref<2x104x64xf32, #tpu.memory_space<vmem>>, vector<16xf32>,
        tpu.vector_store %arg10[%swap3A_800, %swap3A_801, %swap3A_802], %add3A_798 {strides = array<i32>} : memref<2x104x64xf32, #tpu.memory_space<vmem>>, vector<16xf32>,
        %get3A_804 = arith.constant 0 : i32
        %get3A_805 = arith.index_cast %get3A_804 : i32 to index
        %get3A_806 = arith.index_cast %scan3A_757 : i32 to index
        %get3A_807 = arith.constant 48 : index
        %get3A_808 = tpu.vector_load %arg9[%get3A_805, %get3A_806, %get3A_807] {strides = array<i32>} : memref<4x104x128xf32, #tpu.memory_space<vmem>>, vector<16xf32>,
        %add3A_809 = arith.constant 0 : i32
        %add3A_810 = arith.addi %add3A_809, %scan3A_757 : i32
        %get3A_811 = arith.index_cast %add3A_810 : i32 to index
        %get3A_812 = arith.constant 48 : index
        %get3A_813 = tpu.vector_load %arg8[%get3A_811, %get3A_812] {strides = array<i32>} : memref<200x64xf32, #tpu.memory_space<vmem>>, vector<16xf32>,
        %add3A_814 = arith.addf %get3A_808, %get3A_813 : vector<16xf32>
        %swap3A_815 = arith.constant 0 : i32
        %swap3A_816 = arith.index_cast %swap3A_815 : i32 to index
        %swap3A_817 = arith.index_cast %scan3A_757 : i32 to index
        %swap3A_818 = arith.constant 48 : index
        %swap3A_819 = tpu.vector_load %arg10[%swap3A_816, %swap3A_817, %swap3A_818] {strides = array<i32>} : memref<2x104x64xf32, #tpu.memory_space<vmem>>, vector<16xf32>,
        tpu.vector_store %arg10[%swap3A_816, %swap3A_817, %swap3A_818], %add3A_814 {strides = array<i32>} : memref<2x104x64xf32, #tpu.memory_space<vmem>>, vector<16xf32>,
      }
      %scan3A_643 = arith.constant 104 : i32
      %add3A_644 = arith.addi %mul3A_2, %add3A_600 : i32
      %dma_start3A_645 = arith.constant 0 : i32
      %dma_start3A_646 = arith.constant 0 : i32
      %dma_start3A_647 = arith.constant 0 : i32
      %dma_start3A_648 = arith.constant 0 : i32
      %dma_start3A_649 = tpu.memref_slice %arg10[%dma_start3A_645, %dma_start3A_647, %dma_start3A_648] : memref<2x104x64xf32, #tpu.memory_space<vmem>> -> memref<1x104x64xf32, #tpu.memory_space<vmem>>
      %dma_start3A_650 = tpu.memref_squeeze %dma_start3A_649 : memref<1x104x64xf32, #tpu.memory_space<vmem>> -> memref<104x64xf32, #tpu.memory_space<vmem>>
      %dma_start3A_651 = arith.constant 0 : i32
      %dma_start3A_652 = arith.constant 0 : i32
      %dma_start3A_653 = tpu.memref_slice %arg5[%add3A_644, %dma_start3A_651, %dma_start3A_652] : memref<16384x200x64xf32, #tpu.memory_space<hbm>> -> memref<1x104x64xf32, #tpu.memory_space<hbm>>
      %dma_start3A_654 = tpu.memref_squeeze %dma_start3A_653 : memref<1x104x64xf32, #tpu.memory_space<hbm>> -> memref<104x64xf32, #tpu.memory_space<hbm>>
      %dma_start3A_655 = tpu.memref_slice %arg13[%dma_start3A_646] : memref<2x!tpu.dma_semaphore, #tpu.memory_space<semaphore_mem>> -> memref<1x!tpu.dma_semaphore, #tpu.memory_space<semaphore_mem>>
      %dma_start3A_656 = tpu.memref_squeeze %dma_start3A_655 : memref<1x!tpu.dma_semaphore, #tpu.memory_space<semaphore_mem>> -> memref<!tpu.dma_semaphore, #tpu.memory_space<semaphore_mem>>
      %dma_start3A_657 = arith.constant 0 : i32
      %dma_start3A_658 = arith.constant 0 : i32
      %dma_start3A_659 = tpu.memref_slice %arg5[%add3A_644, %dma_start3A_657, %dma_start3A_658] : memref<16384x200x64xf32, #tpu.memory_space<hbm>> -> memref<1x104x64xf32, #tpu.memory_space<hbm>>
      %dma_start3A_660 = tpu.memref_squeeze %dma_start3A_659 : memref<1x104x64xf32, #tpu.memory_space<hbm>> -> memref<104x64xf32, #tpu.memory_space<hbm>>
      %dma_start3A_661 = arith.constant 0 : i32
      %dma_start3A_662 = arith.constant 0 : i32
      %dma_start3A_663 = tpu.memref_slice %arg10[%dma_start3A_645, %dma_start3A_661, %dma_start3A_662] : memref<2x104x64xf32, #tpu.memory_space<vmem>> -> memref<1x104x64xf32, #tpu.memory_space<vmem>>
      %dma_start3A_664 = tpu.memref_squeeze %dma_start3A_663 : memref<1x104x64xf32, #tpu.memory_space<vmem>> -> memref<104x64xf32, #tpu.memory_space<vmem>>
      tpu.enqueue_dma source(%dma_start3A_664 : memref<104x64xf32, #tpu.memory_space<vmem>>) target(%dma_start3A_660 : memref<104x64xf32, #tpu.memory_space<hbm>>) target_semaphore(%dma_start3A_656 : memref<!tpu.dma_semaphore, #tpu.memory_space<semaphore_mem>>)
      %mul3A_665 = arith.constant 4 : i32
      %mul3A_666 = arith.muli %scan3A_356, %mul3A_665 : i32
      %add3A_667 = arith.constant 3 : i32
      %add3A_668 = arith.addi %mul3A_666, %add3A_667 : i32
      %mul3A_669 = arith.constant 2 : i32
      %mul3A_670 = arith.muli %mul3A_669, %scan3A_356 : i32
      %add3A_671 = arith.constant 1 : i32
      %add3A_672 = arith.addi %mul3A_670, %add3A_671 : i32
      %rem3A_673 = arith.constant 16 : i32
      %rem3A_674 = arith.remsi %add3A_672, %rem3A_673 : i32
      %dma_start3A_675 = arith.constant 3 : i32
      %dma_start3A_676 = arith.constant 3 : i32
      %dma_start3A_677 = arith.constant 0 : i32
      %dma_start3A_678 = arith.constant 0 : i32
      %dma_start3A_679 = tpu.memref_slice %arg9[%dma_start3A_675, %dma_start3A_677, %dma_start3A_678] : memref<4x104x128xf32, #tpu.memory_space<vmem>> -> memref<1x96x128xf32, #tpu.memory_space<vmem>>
      %dma_start3A_680 = tpu.memref_squeeze %dma_start3A_679 : memref<1x96x128xf32, #tpu.memory_space<vmem>> -> memref<96x128xf32, #tpu.memory_space<vmem>>
      %dma_start3A_681 = arith.constant 128 : i32
      %dma_start3A_682 = tpu.memref_slice %arg7[%rem3A_375, %rem3A_674, %dma_start3A_681] : memref<2x16x256xi32, #tpu.memory_space<vmem>> -> memref<1x1x96xi32, #tpu.memory_space<vmem>>
      %dma_start3A_683 = tpu.memref_squeeze %dma_start3A_682 : memref<1x1x96xi32, #tpu.memory_space<vmem>> -> memref<96xi32, #tpu.memory_space<vmem>>
      %dma_start3A_684 = arith.constant 0 : i32
      %dma_start3A_685 = arith.constant 0 : i32
      %dma_start3A_686 = tpu.memref_slice %arg2[%dma_start3A_684, %dma_start3A_685] : memref<1000000x128xf32, #tpu.memory_space<hbm>> -> memref<1000000x128xf32, #tpu.memory_space<hbm>>
      %dma_start3A_687 = tpu.memref_slice %arg12[%dma_start3A_676] : memref<4x!tpu.dma_semaphore, #tpu.memory_space<semaphore_mem>> -> memref<1x!tpu.dma_semaphore, #tpu.memory_space<semaphore_mem>>
      %dma_start3A_688 = tpu.memref_squeeze %dma_start3A_687 : memref<1x!tpu.dma_semaphore, #tpu.memory_space<semaphore_mem>> -> memref<!tpu.dma_semaphore, #tpu.memory_space<semaphore_mem>>
      tpu.enqueue_indirect_dma source(%dma_start3A_686 : memref<1000000x128xf32, #tpu.memory_space<hbm>>) target(%dma_start3A_680 : memref<96x128xf32, #tpu.memory_space<vmem>>) offsets(%dma_start3A_683 : memref<96xi32, #tpu.memory_space<vmem>>) semaphore(%dma_start3A_688 : memref<!tpu.dma_semaphore, #tpu.memory_space<semaphore_mem>>)
      %mul3A_689 = arith.constant 2 : i32
      %mul3A_690 = arith.muli %mul3A_689, %scan3A_356 : i32
      %add3A_691 = arith.constant 0 : i32
      %add3A_692 = arith.addi %mul3A_690, %add3A_691 : i32
      %dma_wait3A_693 = arith.constant 0 : i32
      %dma_wait3A_694 = arith.constant 0 : i32
      %dma_wait3A_695 = arith.constant 1 : i32
      %dma_wait3A_696 = arith.constant 1 : i32
      %dma_wait3A_697 = arith.constant 0 : i32
      %dma_wait3A_698 = arith.constant 0 : i32
      %dma_wait3A_699 = tpu.memref_slice %arg9[%dma_wait3A_695, %dma_wait3A_697, %dma_wait3A_698] : memref<4x104x128xf32, #tpu.memory_space<vmem>> -> memref<1x96x128xf32, #tpu.memory_space<vmem>>
      %dma_wait3A_700 = tpu.memref_squeeze %dma_wait3A_699 : memref<1x96x128xf32, #tpu.memory_space<vmem>> -> memref<96x128xf32, #tpu.memory_space<vmem>>
      %dma_wait3A_701 = arith.constant 0 : i32
      %dma_wait3A_702 = tpu.memref_slice %arg7[%dma_wait3A_693, %dma_wait3A_694, %dma_wait3A_701] : memref<2x16x256xi32, #tpu.memory_space<vmem>> -> memref<1x1x96xi32, #tpu.memory_space<vmem>>
      %dma_wait3A_703 = tpu.memref_squeeze %dma_wait3A_702 : memref<1x1x96xi32, #tpu.memory_space<vmem>> -> memref<96xi32, #tpu.memory_space<vmem>>
      %dma_wait3A_704 = arith.constant 0 : i32
      %dma_wait3A_705 = arith.constant 0 : i32
      %dma_wait3A_706 = tpu.memref_slice %arg2[%dma_wait3A_704, %dma_wait3A_705] : memref<1000000x128xf32, #tpu.memory_space<hbm>> -> memref<1000000x128xf32, #tpu.memory_space<hbm>>
      %dma_wait3A_707 = tpu.memref_slice %arg12[%dma_wait3A_696] : memref<4x!tpu.dma_semaphore, #tpu.memory_space<semaphore_mem>> -> memref<1x!tpu.dma_semaphore, #tpu.memory_space<semaphore_mem>>
      %dma_wait3A_708 = tpu.memref_squeeze %dma_wait3A_707 : memref<1x!tpu.dma_semaphore, #tpu.memory_space<semaphore_mem>> -> memref<!tpu.dma_semaphore, #tpu.memory_space<semaphore_mem>>
      tpu.wait_indirect_dma semaphore(%dma_wait3A_708 : memref<!tpu.dma_semaphore, #tpu.memory_space<semaphore_mem>>) src(%dma_wait3A_706 : memref<1000000x128xf32, #tpu.memory_space<hbm>>) dst(%dma_wait3A_700 : memref<96x128xf32, #tpu.memory_space<vmem>>)
      %dma_wait3A_709 = arith.constant 1 : i32
      %dma_wait3A_710 = arith.constant 0 : i32
      %dma_wait3A_711 = arith.constant 1 : i32
      %dma_wait3A_712 = arith.constant 0 : i32
      %dma_wait3A_713 = arith.constant 0 : i32
      %dma_wait3A_714 = tpu.memref_slice %arg10[%dma_wait3A_709, %dma_wait3A_712, %dma_wait3A_713] : memref<2x104x64xf32, #tpu.memory_space<vmem>> -> memref<1x96x64xf32, #tpu.memory_space<vmem>>
      %dma_wait3A_715 = tpu.memref_squeeze %dma_wait3A_714 : memref<1x96x64xf32, #tpu.memory_space<vmem>> -> memref<96x64xf32, #tpu.memory_space<vmem>>
      %dma_wait3A_716 = arith.constant 104 : i32
      %dma_wait3A_717 = arith.constant 0 : i32
      %dma_wait3A_718 = tpu.memref_slice %arg5[%dma_wait3A_710, %dma_wait3A_716, %dma_wait3A_717] : memref<16384x200x64xf32, #tpu.memory_space<hbm>> -> memref<1x96x64xf32, #tpu.memory_space<hbm>>
      %dma_wait3A_719 = tpu.memref_squeeze %dma_wait3A_718 : memref<1x96x64xf32, #tpu.memory_space<hbm>> -> memref<96x64xf32, #tpu.memory_space<hbm>>
      %dma_wait3A_720 = tpu.memref_slice %arg13[%dma_wait3A_711] : memref<2x!tpu.dma_semaphore, #tpu.memory_space<semaphore_mem>> -> memref<1x!tpu.dma_semaphore, #tpu.memory_space<semaphore_mem>>
      %dma_wait3A_721 = tpu.memref_squeeze %dma_wait3A_720 : memref<1x!tpu.dma_semaphore, #tpu.memory_space<semaphore_mem>> -> memref<!tpu.dma_semaphore, #tpu.memory_space<semaphore_mem>>
      %dma_wait3A_722 = arith.constant 104 : i32
      %dma_wait3A_723 = arith.constant 0 : i32
      %dma_wait3A_724 = tpu.memref_slice %arg5[%dma_wait3A_710, %dma_wait3A_722, %dma_wait3A_723] : memref<16384x200x64xf32, #tpu.memory_space<hbm>> -> memref<1x96x64xf32, #tpu.memory_space<hbm>>
      %dma_wait3A_725 = tpu.memref_squeeze %dma_wait3A_724 : memref<1x96x64xf32, #tpu.memory_space<hbm>> -> memref<96x64xf32, #tpu.memory_space<hbm>>
      %dma_wait3A_726 = arith.constant 0 : i32
      %dma_wait3A_727 = arith.constant 0 : i32
      %dma_wait3A_728 = tpu.memref_slice %arg10[%dma_wait3A_709, %dma_wait3A_726, %dma_wait3A_727] : memref<2x104x64xf32, #tpu.memory_space<vmem>> -> memref<1x96x64xf32, #tpu.memory_space<vmem>>
      %dma_wait3A_729 = tpu.memref_squeeze %dma_wait3A_728 : memref<1x96x64xf32, #tpu.memory_space<vmem>> -> memref<96x64xf32, #tpu.memory_space<vmem>>
      tpu.wait_dma2 semaphore(%dma_wait3A_721 : memref<!tpu.dma_semaphore, #tpu.memory_space<semaphore_mem>>) src(%dma_wait3A_729 : memref<96x64xf32, #tpu.memory_space<vmem>>) dst(%dma_wait3A_725 : memref<96x64xf32, #tpu.memory_space<hbm>>)
      %scan3A_730 = arith.constant 0 : i32
      %scan3A_731 = arith.constant 0 : i32
      %scan3A_732 = arith.constant 96 : i32
      %scan3A_733 = arith.addi %scan3A_731, %scan3A_732 : i32
      %scan3A_734 = arith.constant 1 : i32
      scf.for %scan3A_757 = %scan3A_731 to %scan3A_733 step %scan3A_734  : i32 {
        %get3A = arith.constant 1 : i32
        %get3A_758 = arith.index_cast %get3A : i32 to index
        %get3A_759 = arith.index_cast %scan3A_757 : i32 to index
        %get3A_760 = arith.constant 0 : index
        %get3A_761 = tpu.vector_load %arg9[%get3A_758, %get3A_759, %get3A_760] {strides = array<i32>} : memref<4x104x128xf32, #tpu.memory_space<vmem>>, vector<16xf32>,
        %add3A_762 = arith.constant 104 : i32
        %add3A_763 = arith.addi %add3A_762, %scan3A_757 : i32
        %get3A_764 = arith.index_cast %add3A_763 : i32 to index
        %get3A_765 = arith.constant 0 : index
        %get3A_766 = tpu.vector_load %arg8[%get3A_764, %get3A_765] {strides = array<i32>} : memref<200x64xf32, #tpu.memory_space<vmem>>, vector<16xf32>,
        %add3A_767 = arith.addf %get3A_761, %get3A_766 : vector<16xf32>
        %swap3A = arith.constant 1 : i32
        %swap3A_768 = arith.index_cast %swap3A : i32 to index
        %swap3A_769 = arith.index_cast %scan3A_757 : i32 to index
        %swap3A_770 = arith.constant 0 : index
        %swap3A_771 = tpu.vector_load %arg10[%swap3A_768, %swap3A_769, %swap3A_770] {strides = array<i32>} : memref<2x104x64xf32, #tpu.memory_space<vmem>>, vector<16xf32>,
        tpu.vector_store %arg10[%swap3A_768, %swap3A_769, %swap3A_770], %add3A_767 {strides = array<i32>} : memref<2x104x64xf32, #tpu.memory_space<vmem>>, vector<16xf32>,
        %get3A_772 = arith.constant 1 : i32
        %get3A_773 = arith.index_cast %get3A_772 : i32 to index
        %get3A_774 = arith.index_cast %scan3A_757 : i32 to index
        %get3A_775 = arith.constant 16 : index
        %get3A_776 = tpu.vector_load %arg9[%get3A_773, %get3A_774, %get3A_775] {strides = array<i32>} : memref<4x104x128xf32, #tpu.memory_space<vmem>>, vector<16xf32>,
        %add3A_777 = arith.constant 104 : i32
        %add3A_778 = arith.addi %add3A_777, %scan3A_757 : i32
        %get3A_779 = arith.index_cast %add3A_778 : i32 to index
        %get3A_780 = arith.constant 16 : index
        %get3A_781 = tpu.vector_load %arg8[%get3A_779, %get3A_780] {strides = array<i32>} : memref<200x64xf32, #tpu.memory_space<vmem>>, vector<16xf32>,
        %add3A_782 = arith.addf %get3A_776, %get3A_781 : vector<16xf32>
        %swap3A_783 = arith.constant 1 : i32
        %swap3A_784 = arith.index_cast %swap3A_783 : i32 to index
        %swap3A_785 = arith.index_cast %scan3A_757 : i32 to index
        %swap3A_786 = arith.constant 16 : index
        %swap3A_787 = tpu.vector_load %arg10[%swap3A_784, %swap3A_785, %swap3A_786] {strides = array<i32>} : memref<2x104x64xf32, #tpu.memory_space<vmem>>, vector<16xf32>,
        tpu.vector_store %arg10[%swap3A_784, %swap3A_785, %swap3A_786], %add3A_782 {strides = array<i32>} : memref<2x104x64xf32, #tpu.memory_space<vmem>>, vector<16xf32>,
        %get3A_788 = arith.constant 1 : i32
        %get3A_789 = arith.index_cast %get3A_788 : i32 to index
        %get3A_790 = arith.index_cast %scan3A_757 : i32 to index
        %get3A_791 = arith.constant 32 : index
        %get3A_792 = tpu.vector_load %arg9[%get3A_789, %get3A_790, %get3A_791] {strides = array<i32>} : memref<4x104x128xf32, #tpu.memory_space<vmem>>, vector<16xf32>,
        %add3A_793 = arith.constant 104 : i32
        %add3A_794 = arith.addi %add3A_793, %scan3A_757 : i32
        %get3A_795 = arith.index_cast %add3A_794 : i32 to index
        %get3A_796 = arith.constant 32 : index
        %get3A_797 = tpu.vector_load %arg8[%get3A_795, %get3A_796] {strides = array<i32>} : memref<200x64xf32, #tpu.memory_space<vmem>>, vector<16xf32>,
        %add3A_798 = arith.addf %get3A_792, %get3A_797 : vector<16xf32>
        %swap3A_799 = arith.constant 1 : i32
        %swap3A_800 = arith.index_cast %swap3A_799 : i32 to index
        %swap3A_801 = arith.index_cast %scan3A_757 : i32 to index
        %swap3A_802 = arith.constant 32 : index
        %swap3A_803 = tpu.vector_load %arg10[%swap3A_800, %swap3A_801, %swap3A_802] {strides = array<i32>} : memref<2x104x64xf32, #tpu.memory_space<vmem>>, vector<16xf32>,
        tpu.vector_store %arg10[%swap3A_800, %swap3A_801, %swap3A_802], %add3A_798 {strides = array<i32>} : memref<2x104x64xf32, #tpu.memory_space<vmem>>, vector<16xf32>,
        %get3A_804 = arith.constant 1 : i32
        %get3A_805 = arith.index_cast %get3A_804 : i32 to index
        %get3A_806 = arith.index_cast %scan3A_757 : i32 to index
        %get3A_807 = arith.constant 48 : index
        %get3A_808 = tpu.vector_load %arg9[%get3A_805, %get3A_806, %get3A_807] {strides = array<i32>} : memref<4x104x128xf32, #tpu.memory_space<vmem>>, vector<16xf32>,
        %add3A_809 = arith.constant 104 : i32
        %add3A_810 = arith.addi %add3A_809, %scan3A_757 : i32
        %get3A_811 = arith.index_cast %add3A_810 : i32 to index
        %get3A_812 = arith.constant 48 : index
        %get3A_813 = tpu.vector_load %arg8[%get3A_811, %get3A_812] {strides = array<i32>} : memref<200x64xf32, #tpu.memory_space<vmem>>, vector<16xf32>,
        %add3A_814 = arith.addf %get3A_808, %get3A_813 : vector<16xf32>
        %swap3A_815 = arith.constant 1 : i32
        %swap3A_816 = arith.index_cast %swap3A_815 : i32 to index
        %swap3A_817 = arith.index_cast %scan3A_757 : i32 to index
        %swap3A_818 = arith.constant 48 : index
        %swap3A_819 = tpu.vector_load %arg10[%swap3A_816, %swap3A_817, %swap3A_818] {strides = array<i32>} : memref<2x104x64xf32, #tpu.memory_space<vmem>>, vector<16xf32>,
        tpu.vector_store %arg10[%swap3A_816, %swap3A_817, %swap3A_818], %add3A_814 {strides = array<i32>} : memref<2x104x64xf32, #tpu.memory_space<vmem>>, vector<16xf32>,
      }
      %scan3A_735 = arith.constant 96 : i32
      %add3A_736 = arith.addi %mul3A_2, %add3A_692 : i32
      %dma_start3A_737 = arith.constant 1 : i32
      %dma_start3A_738 = arith.constant 1 : i32
      %dma_start3A_739 = arith.constant 0 : i32
      %dma_start3A_740 = arith.constant 0 : i32
      %dma_start3A_741 = tpu.memref_slice %arg10[%dma_start3A_737, %dma_start3A_739, %dma_start3A_740] : memref<2x104x64xf32, #tpu.memory_space<vmem>> -> memref<1x96x64xf32, #tpu.memory_space<vmem>>
      %dma_start3A_742 = tpu.memref_squeeze %dma_start3A_741 : memref<1x96x64xf32, #tpu.memory_space<vmem>> -> memref<96x64xf32, #tpu.memory_space<vmem>>
      %dma_start3A_743 = arith.constant 104 : i32
      %dma_start3A_744 = arith.constant 0 : i32
      %dma_start3A_745 = tpu.memref_slice %arg5[%add3A_736, %dma_start3A_743, %dma_start3A_744] : memref<16384x200x64xf32, #tpu.memory_space<hbm>> -> memref<1x96x64xf32, #tpu.memory_space<hbm>>
      %dma_start3A_746 = tpu.memref_squeeze %dma_start3A_745 : memref<1x96x64xf32, #tpu.memory_space<hbm>> -> memref<96x64xf32, #tpu.memory_space<hbm>>
      %dma_start3A_747 = tpu.memref_slice %arg13[%dma_start3A_738] : memref<2x!tpu.dma_semaphore, #tpu.memory_space<semaphore_mem>> -> memref<1x!tpu.dma_semaphore, #tpu.memory_space<semaphore_mem>>
      %dma_start3A_748 = tpu.memref_squeeze %dma_start3A_747 : memref<1x!tpu.dma_semaphore, #tpu.memory_space<semaphore_mem>> -> memref<!tpu.dma_semaphore, #tpu.memory_space<semaphore_mem>>
      %dma_start3A_749 = arith.constant 104 : i32
      %dma_start3A_750 = arith.constant 0 : i32
      %dma_start3A_751 = tpu.memref_slice %arg5[%add3A_736, %dma_start3A_749, %dma_start3A_750] : memref<16384x200x64xf32, #tpu.memory_space<hbm>> -> memref<1x96x64xf32, #tpu.memory_space<hbm>>
      %dma_start3A_752 = tpu.memref_squeeze %dma_start3A_751 : memref<1x96x64xf32, #tpu.memory_space<hbm>> -> memref<96x64xf32, #tpu.memory_space<hbm>>
      %dma_start3A_753 = arith.constant 0 : i32
      %dma_start3A_754 = arith.constant 0 : i32
      %dma_start3A_755 = tpu.memref_slice %arg10[%dma_start3A_737, %dma_start3A_753, %dma_start3A_754] : memref<2x104x64xf32, #tpu.memory_space<vmem>> -> memref<1x96x64xf32, #tpu.memory_space<vmem>>
      %dma_start3A_756 = tpu.memref_squeeze %dma_start3A_755 : memref<1x96x64xf32, #tpu.memory_space<vmem>> -> memref<96x64xf32, #tpu.memory_space<vmem>>
      tpu.enqueue_dma source(%dma_start3A_756 : memref<96x64xf32, #tpu.memory_space<vmem>>) target(%dma_start3A_752 : memref<96x64xf32, #tpu.memory_space<hbm>>) target_semaphore(%dma_start3A_748 : memref<!tpu.dma_semaphore, #tpu.memory_space<semaphore_mem>>)
    }
    %scan3A_180 = arith.constant 255 : i32
    %dma_wait3A_181 = arith.constant 0 : i32
    %dma_wait3A_182 = arith.constant 0 : i32
    %dma_wait3A_183 = arith.constant 2 : i32
    %dma_wait3A_184 = arith.constant 2 : i32
    %dma_wait3A_185 = arith.constant 0 : i32
    %dma_wait3A_186 = arith.constant 0 : i32
    %dma_wait3A_187 = tpu.memref_slice %arg9[%dma_wait3A_183, %dma_wait3A_185, %dma_wait3A_186] : memref<4x104x128xf32, #tpu.memory_space<vmem>> -> memref<1x104x128xf32, #tpu.memory_space<vmem>>
    %dma_wait3A_188 = tpu.memref_squeeze %dma_wait3A_187 : memref<1x104x128xf32, #tpu.memory_space<vmem>> -> memref<104x128xf32, #tpu.memory_space<vmem>>
    %dma_wait3A_189 = arith.constant 0 : i32
    %dma_wait3A_190 = tpu.memref_slice %arg7[%dma_wait3A_181, %dma_wait3A_182, %dma_wait3A_189] : memref<2x16x256xi32, #tpu.memory_space<vmem>> -> memref<1x1x104xi32, #tpu.memory_space<vmem>>
    %dma_wait3A_191 = tpu.memref_squeeze %dma_wait3A_190 : memref<1x1x104xi32, #tpu.memory_space<vmem>> -> memref<104xi32, #tpu.memory_space<vmem>>
    %dma_wait3A_192 = arith.constant 0 : i32
    %dma_wait3A_193 = arith.constant 0 : i32
    %dma_wait3A_194 = tpu.memref_slice %arg2[%dma_wait3A_192, %dma_wait3A_193] : memref<1000000x128xf32, #tpu.memory_space<hbm>> -> memref<1000000x128xf32, #tpu.memory_space<hbm>>
    %dma_wait3A_195 = tpu.memref_slice %arg12[%dma_wait3A_184] : memref<4x!tpu.dma_semaphore, #tpu.memory_space<semaphore_mem>> -> memref<1x!tpu.dma_semaphore, #tpu.memory_space<semaphore_mem>>
    %dma_wait3A_196 = tpu.memref_squeeze %dma_wait3A_195 : memref<1x!tpu.dma_semaphore, #tpu.memory_space<semaphore_mem>> -> memref<!tpu.dma_semaphore, #tpu.memory_space<semaphore_mem>>
    tpu.wait_indirect_dma semaphore(%dma_wait3A_196 : memref<!tpu.dma_semaphore, #tpu.memory_space<semaphore_mem>>) src(%dma_wait3A_194 : memref<1000000x128xf32, #tpu.memory_space<hbm>>) dst(%dma_wait3A_188 : memref<104x128xf32, #tpu.memory_space<vmem>>)
    %dma_wait3A_197 = arith.constant 0 : i32
    %dma_wait3A_198 = arith.constant 0 : i32
    %dma_wait3A_199 = arith.constant 0 : i32
    %dma_wait3A_200 = arith.constant 0 : i32
    %dma_wait3A_201 = arith.constant 0 : i32
    %dma_wait3A_202 = tpu.memref_slice %arg10[%dma_wait3A_197, %dma_wait3A_200, %dma_wait3A_201] : memref<2x104x64xf32, #tpu.memory_space<vmem>> -> memref<1x104x64xf32, #tpu.memory_space<vmem>>
    %dma_wait3A_203 = tpu.memref_squeeze %dma_wait3A_202 : memref<1x104x64xf32, #tpu.memory_space<vmem>> -> memref<104x64xf32, #tpu.memory_space<vmem>>
    %dma_wait3A_204 = arith.constant 0 : i32
    %dma_wait3A_205 = arith.constant 0 : i32
    %dma_wait3A_206 = tpu.memref_slice %arg5[%dma_wait3A_198, %dma_wait3A_204, %dma_wait3A_205] : memref<16384x200x64xf32, #tpu.memory_space<hbm>> -> memref<1x104x64xf32, #tpu.memory_space<hbm>>
    %dma_wait3A_207 = tpu.memref_squeeze %dma_wait3A_206 : memref<1x104x64xf32, #tpu.memory_space<hbm>> -> memref<104x64xf32, #tpu.memory_space<hbm>>
    %dma_wait3A_208 = tpu.memref_slice %arg13[%dma_wait3A_199] : memref<2x!tpu.dma_semaphore, #tpu.memory_space<semaphore_mem>> -> memref<1x!tpu.dma_semaphore, #tpu.memory_space<semaphore_mem>>
    %dma_wait3A_209 = tpu.memref_squeeze %dma_wait3A_208 : memref<1x!tpu.dma_semaphore, #tpu.memory_space<semaphore_mem>> -> memref<!tpu.dma_semaphore, #tpu.memory_space<semaphore_mem>>
    %dma_wait3A_210 = arith.constant 0 : i32
    %dma_wait3A_211 = arith.constant 0 : i32
    %dma_wait3A_212 = tpu.memref_slice %arg5[%dma_wait3A_198, %dma_wait3A_210, %dma_wait3A_211] : memref<16384x200x64xf32, #tpu.memory_space<hbm>> -> memref<1x104x64xf32, #tpu.memory_space<hbm>>
    %dma_wait3A_213 = tpu.memref_squeeze %dma_wait3A_212 : memref<1x104x64xf32, #tpu.memory_space<hbm>> -> memref<104x64xf32, #tpu.memory_space<hbm>>
    %dma_wait3A_214 = arith.constant 0 : i32
    %dma_wait3A_215 = arith.constant 0 : i32
    %dma_wait3A_216 = tpu.memref_slice %arg10[%dma_wait3A_197, %dma_wait3A_214, %dma_wait3A_215] : memref<2x104x64xf32, #tpu.memory_space<vmem>> -> memref<1x104x64xf32, #tpu.memory_space<vmem>>
    %dma_wait3A_217 = tpu.memref_squeeze %dma_wait3A_216 : memref<1x104x64xf32, #tpu.memory_space<vmem>> -> memref<104x64xf32, #tpu.memory_space<vmem>>
    tpu.wait_dma2 semaphore(%dma_wait3A_209 : memref<!tpu.dma_semaphore, #tpu.memory_space<semaphore_mem>>) src(%dma_wait3A_217 : memref<104x64xf32, #tpu.memory_space<vmem>>) dst(%dma_wait3A_213 : memref<104x64xf32, #tpu.memory_space<hbm>>)
    %scan3A_218 = arith.constant 0 : i32
    %scan3A_219 = arith.constant 0 : i32
    %scan3A_220 = arith.constant 104 : i32
    %scan3A_221 = arith.addi %scan3A_219, %scan3A_220 : i32
    %scan3A_222 = arith.constant 1 : i32
    scf.for %scan3A_356 = %scan3A_219 to %scan3A_221 step %scan3A_222  : i32 {
      %get3A = arith.constant 2 : i32
      %get3A_357 = arith.index_cast %get3A : i32 to index
      %get3A_358 = arith.index_cast %scan3A_356 : i32 to index
      %get3A_359 = arith.constant 0 : index
      %get3A_360 = tpu.vector_load %arg9[%get3A_357, %get3A_358, %get3A_359] {strides = array<i32>} : memref<4x104x128xf32, #tpu.memory_space<vmem>>, vector<16xf32>,
      %add3A_361 = arith.constant 0 : i32
      %add3A_362 = arith.addi %add3A_361, %scan3A_356 : i32
      %get3A_363 = arith.index_cast %add3A_362 : i32 to index
      %get3A_364 = arith.constant 0 : index
      %get3A_365 = tpu.vector_load %arg8[%get3A_363, %get3A_364] {strides = array<i32>} : memref<200x64xf32, #tpu.memory_space<vmem>>, vector<16xf32>,
      %add3A_366 = arith.addf %get3A_360, %get3A_365 : vector<16xf32>
      %swap3A = arith.constant 0 : i32
      %swap3A_367 = arith.index_cast %swap3A : i32 to index
      %swap3A_368 = arith.index_cast %scan3A_356 : i32 to index
      %swap3A_369 = arith.constant 0 : index
      %swap3A_370 = tpu.vector_load %arg10[%swap3A_367, %swap3A_368, %swap3A_369] {strides = array<i32>} : memref<2x104x64xf32, #tpu.memory_space<vmem>>, vector<16xf32>,
      tpu.vector_store %arg10[%swap3A_367, %swap3A_368, %swap3A_369], %add3A_366 {strides = array<i32>} : memref<2x104x64xf32, #tpu.memory_space<vmem>>, vector<16xf32>,
      %get3A_371 = arith.constant 2 : i32
      %get3A_372 = arith.index_cast %get3A_371 : i32 to index
      %get3A_373 = arith.index_cast %scan3A_356 : i32 to index
      %get3A_374 = arith.constant 16 : index
      %get3A_375 = tpu.vector_load %arg9[%get3A_372, %get3A_373, %get3A_374] {strides = array<i32>} : memref<4x104x128xf32, #tpu.memory_space<vmem>>, vector<16xf32>,
      %add3A_376 = arith.constant 0 : i32
      %add3A_377 = arith.addi %add3A_376, %scan3A_356 : i32
      %get3A_378 = arith.index_cast %add3A_377 : i32 to index
      %get3A_379 = arith.constant 16 : index
      %get3A_380 = tpu.vector_load %arg8[%get3A_378, %get3A_379] {strides = array<i32>} : memref<200x64xf32, #tpu.memory_space<vmem>>, vector<16xf32>,
      %add3A_381 = arith.addf %get3A_375, %get3A_380 : vector<16xf32>
      %swap3A_382 = arith.constant 0 : i32
      %swap3A_383 = arith.index_cast %swap3A_382 : i32 to index
      %swap3A_384 = arith.index_cast %scan3A_356 : i32 to index
      %swap3A_385 = arith.constant 16 : index
      %swap3A_386 = tpu.vector_load %arg10[%swap3A_383, %swap3A_384, %swap3A_385] {strides = array<i32>} : memref<2x104x64xf32, #tpu.memory_space<vmem>>, vector<16xf32>,
      tpu.vector_store %arg10[%swap3A_383, %swap3A_384, %swap3A_385], %add3A_381 {strides = array<i32>} : memref<2x104x64xf32, #tpu.memory_space<vmem>>, vector<16xf32>,
      %get3A_387 = arith.constant 2 : i32
      %get3A_388 = arith.index_cast %get3A_387 : i32 to index
      %get3A_389 = arith.index_cast %scan3A_356 : i32 to index
      %get3A_390 = arith.constant 32 : index
      %get3A_391 = tpu.vector_load %arg9[%get3A_388, %get3A_389, %get3A_390] {strides = array<i32>} : memref<4x104x128xf32, #tpu.memory_space<vmem>>, vector<16xf32>,
      %add3A_392 = arith.constant 0 : i32
      %add3A_393 = arith.addi %add3A_392, %scan3A_356 : i32
      %get3A_394 = arith.index_cast %add3A_393 : i32 to index
      %get3A_395 = arith.constant 32 : index
      %get3A_396 = tpu.vector_load %arg8[%get3A_394, %get3A_395] {strides = array<i32>} : memref<200x64xf32, #tpu.memory_space<vmem>>, vector<16xf32>,
      %add3A_397 = arith.addf %get3A_391, %get3A_396 : vector<16xf32>
      %swap3A_398 = arith.constant 0 : i32
      %swap3A_399 = arith.index_cast %swap3A_398 : i32 to index
      %swap3A_400 = arith.index_cast %scan3A_356 : i32 to index
      %swap3A_401 = arith.constant 32 : index
      %swap3A_402 = tpu.vector_load %arg10[%swap3A_399, %swap3A_400, %swap3A_401] {strides = array<i32>} : memref<2x104x64xf32, #tpu.memory_space<vmem>>, vector<16xf32>,
      tpu.vector_store %arg10[%swap3A_399, %swap3A_400, %swap3A_401], %add3A_397 {strides = array<i32>} : memref<2x104x64xf32, #tpu.memory_space<vmem>>, vector<16xf32>,
      %get3A_403 = arith.constant 2 : i32
      %get3A_404 = arith.index_cast %get3A_403 : i32 to index
      %get3A_405 = arith.index_cast %scan3A_356 : i32 to index
      %get3A_406 = arith.constant 48 : index
      %get3A_407 = tpu.vector_load %arg9[%get3A_404, %get3A_405, %get3A_406] {strides = array<i32>} : memref<4x104x128xf32, #tpu.memory_space<vmem>>, vector<16xf32>,
      %add3A_408 = arith.constant 0 : i32
      %add3A_409 = arith.addi %add3A_408, %scan3A_356 : i32
      %get3A_410 = arith.index_cast %add3A_409 : i32 to index
      %get3A_411 = arith.constant 48 : index
      %get3A_412 = tpu.vector_load %arg8[%get3A_410, %get3A_411] {strides = array<i32>} : memref<200x64xf32, #tpu.memory_space<vmem>>, vector<16xf32>,
      %add3A_413 = arith.addf %get3A_407, %get3A_412 : vector<16xf32>
      %swap3A_414 = arith.constant 0 : i32
      %swap3A_415 = arith.index_cast %swap3A_414 : i32 to index
      %swap3A_416 = arith.index_cast %scan3A_356 : i32 to index
      %swap3A_417 = arith.constant 48 : index
      %swap3A_418 = tpu.vector_load %arg10[%swap3A_415, %swap3A_416, %swap3A_417] {strides = array<i32>} : memref<2x104x64xf32, #tpu.memory_space<vmem>>, vector<16xf32>,
      tpu.vector_store %arg10[%swap3A_415, %swap3A_416, %swap3A_417], %add3A_413 {strides = array<i32>} : memref<2x104x64xf32, #tpu.memory_space<vmem>>, vector<16xf32>,
    }
    %scan3A_223 = arith.constant 104 : i32
    %add3A_224 = arith.constant 512 : i32
    %add3A_225 = arith.addi %mul3A_2, %add3A_224 : i32
    %sub3A = arith.constant 1 : i32
    %sub3A_226 = arith.subi %add3A_225, %sub3A : i32
    %dma_start3A_227 = arith.constant 0 : i32
    %dma_start3A_228 = arith.constant 0 : i32
    %dma_start3A_229 = arith.constant 0 : i32
    %dma_start3A_230 = arith.constant 0 : i32
    %dma_start3A_231 = tpu.memref_slice %arg10[%dma_start3A_227, %dma_start3A_229, %dma_start3A_230] : memref<2x104x64xf32, #tpu.memory_space<vmem>> -> memref<1x104x64xf32, #tpu.memory_space<vmem>>
    %dma_start3A_232 = tpu.memref_squeeze %dma_start3A_231 : memref<1x104x64xf32, #tpu.memory_space<vmem>> -> memref<104x64xf32, #tpu.memory_space<vmem>>
    %dma_start3A_233 = arith.constant 0 : i32
    %dma_start3A_234 = arith.constant 0 : i32
    %dma_start3A_235 = tpu.memref_slice %arg5[%sub3A_226, %dma_start3A_233, %dma_start3A_234] : memref<16384x200x64xf32, #tpu.memory_space<hbm>> -> memref<1x104x64xf32, #tpu.memory_space<hbm>>
    %dma_start3A_236 = tpu.memref_squeeze %dma_start3A_235 : memref<1x104x64xf32, #tpu.memory_space<hbm>> -> memref<104x64xf32, #tpu.memory_space<hbm>>
    %dma_start3A_237 = tpu.memref_slice %arg13[%dma_start3A_228] : memref<2x!tpu.dma_semaphore, #tpu.memory_space<semaphore_mem>> -> memref<1x!tpu.dma_semaphore, #tpu.memory_space<semaphore_mem>>
    %dma_start3A_238 = tpu.memref_squeeze %dma_start3A_237 : memref<1x!tpu.dma_semaphore, #tpu.memory_space<semaphore_mem>> -> memref<!tpu.dma_semaphore, #tpu.memory_space<semaphore_mem>>
    %dma_start3A_239 = arith.constant 0 : i32
    %dma_start3A_240 = arith.constant 0 : i32
    %dma_start3A_241 = tpu.memref_slice %arg5[%sub3A_226, %dma_start3A_239, %dma_start3A_240] : memref<16384x200x64xf32, #tpu.memory_space<hbm>> -> memref<1x104x64xf32, #tpu.memory_space<hbm>>
    %dma_start3A_242 = tpu.memref_squeeze %dma_start3A_241 : memref<1x104x64xf32, #tpu.memory_space<hbm>> -> memref<104x64xf32, #tpu.memory_space<hbm>>
    %dma_start3A_243 = arith.constant 0 : i32
    %dma_start3A_244 = arith.constant 0 : i32
    %dma_start3A_245 = tpu.memref_slice %arg10[%dma_start3A_227, %dma_start3A_243, %dma_start3A_244] : memref<2x104x64xf32, #tpu.memory_space<vmem>> -> memref<1x104x64xf32, #tpu.memory_space<vmem>>
    %dma_start3A_246 = tpu.memref_squeeze %dma_start3A_245 : memref<1x104x64xf32, #tpu.memory_space<vmem>> -> memref<104x64xf32, #tpu.memory_space<vmem>>
    tpu.enqueue_dma source(%dma_start3A_246 : memref<104x64xf32, #tpu.memory_space<vmem>>) target(%dma_start3A_242 : memref<104x64xf32, #tpu.memory_space<hbm>>) target_semaphore(%dma_start3A_238 : memref<!tpu.dma_semaphore, #tpu.memory_space<semaphore_mem>>)
    %dma_wait3A_247 = arith.constant 0 : i32
    %dma_wait3A_248 = arith.constant 0 : i32
    %dma_wait3A_249 = arith.constant 3 : i32
    %dma_wait3A_250 = arith.constant 3 : i32
    %dma_wait3A_251 = arith.constant 0 : i32
    %dma_wait3A_252 = arith.constant 0 : i32
    %dma_wait3A_253 = tpu.memref_slice %arg9[%dma_wait3A_249, %dma_wait3A_251, %dma_wait3A_252] : memref<4x104x128xf32, #tpu.memory_space<vmem>> -> memref<1x96x128xf32, #tpu.memory_space<vmem>>
    %dma_wait3A_254 = tpu.memref_squeeze %dma_wait3A_253 : memref<1x96x128xf32, #tpu.memory_space<vmem>> -> memref<96x128xf32, #tpu.memory_space<vmem>>
    %dma_wait3A_255 = arith.constant 0 : i32
    %dma_wait3A_256 = tpu.memref_slice %arg7[%dma_wait3A_247, %dma_wait3A_248, %dma_wait3A_255] : memref<2x16x256xi32, #tpu.memory_space<vmem>> -> memref<1x1x96xi32, #tpu.memory_space<vmem>>
    %dma_wait3A_257 = tpu.memref_squeeze %dma_wait3A_256 : memref<1x1x96xi32, #tpu.memory_space<vmem>> -> memref<96xi32, #tpu.memory_space<vmem>>
    %dma_wait3A_258 = arith.constant 0 : i32
    %dma_wait3A_259 = arith.constant 0 : i32
    %dma_wait3A_260 = tpu.memref_slice %arg2[%dma_wait3A_258, %dma_wait3A_259] : memref<1000000x128xf32, #tpu.memory_space<hbm>> -> memref<1000000x128xf32, #tpu.memory_space<hbm>>
    %dma_wait3A_261 = tpu.memref_slice %arg12[%dma_wait3A_250] : memref<4x!tpu.dma_semaphore, #tpu.memory_space<semaphore_mem>> -> memref<1x!tpu.dma_semaphore, #tpu.memory_space<semaphore_mem>>
    %dma_wait3A_262 = tpu.memref_squeeze %dma_wait3A_261 : memref<1x!tpu.dma_semaphore, #tpu.memory_space<semaphore_mem>> -> memref<!tpu.dma_semaphore, #tpu.memory_space<semaphore_mem>>
    tpu.wait_indirect_dma semaphore(%dma_wait3A_262 : memref<!tpu.dma_semaphore, #tpu.memory_space<semaphore_mem>>) src(%dma_wait3A_260 : memref<1000000x128xf32, #tpu.memory_space<hbm>>) dst(%dma_wait3A_254 : memref<96x128xf32, #tpu.memory_space<vmem>>)
    %dma_wait3A_263 = arith.constant 1 : i32
    %dma_wait3A_264 = arith.constant 0 : i32
    %dma_wait3A_265 = arith.constant 1 : i32
    %dma_wait3A_266 = arith.constant 0 : i32
    %dma_wait3A_267 = arith.constant 0 : i32
    %dma_wait3A_268 = tpu.memref_slice %arg10[%dma_wait3A_263, %dma_wait3A_266, %dma_wait3A_267] : memref<2x104x64xf32, #tpu.memory_space<vmem>> -> memref<1x96x64xf32, #tpu.memory_space<vmem>>
    %dma_wait3A_269 = tpu.memref_squeeze %dma_wait3A_268 : memref<1x96x64xf32, #tpu.memory_space<vmem>> -> memref<96x64xf32, #tpu.memory_space<vmem>>
    %dma_wait3A_270 = arith.constant 104 : i32
    %dma_wait3A_271 = arith.constant 0 : i32
    %dma_wait3A_272 = tpu.memref_slice %arg5[%dma_wait3A_264, %dma_wait3A_270, %dma_wait3A_271] : memref<16384x200x64xf32, #tpu.memory_space<hbm>> -> memref<1x96x64xf32, #tpu.memory_space<hbm>>
    %dma_wait3A_273 = tpu.memref_squeeze %dma_wait3A_272 : memref<1x96x64xf32, #tpu.memory_space<hbm>> -> memref<96x64xf32, #tpu.memory_space<hbm>>
    %dma_wait3A_274 = tpu.memref_slice %arg13[%dma_wait3A_265] : memref<2x!tpu.dma_semaphore, #tpu.memory_space<semaphore_mem>> -> memref<1x!tpu.dma_semaphore, #tpu.memory_space<semaphore_mem>>
    %dma_wait3A_275 = tpu.memref_squeeze %dma_wait3A_274 : memref<1x!tpu.dma_semaphore, #tpu.memory_space<semaphore_mem>> -> memref<!tpu.dma_semaphore, #tpu.memory_space<semaphore_mem>>
    %dma_wait3A_276 = arith.constant 104 : i32
    %dma_wait3A_277 = arith.constant 0 : i32
    %dma_wait3A_278 = tpu.memref_slice %arg5[%dma_wait3A_264, %dma_wait3A_276, %dma_wait3A_277] : memref<16384x200x64xf32, #tpu.memory_space<hbm>> -> memref<1x96x64xf32, #tpu.memory_space<hbm>>
    %dma_wait3A_279 = tpu.memref_squeeze %dma_wait3A_278 : memref<1x96x64xf32, #tpu.memory_space<hbm>> -> memref<96x64xf32, #tpu.memory_space<hbm>>
    %dma_wait3A_280 = arith.constant 0 : i32
    %dma_wait3A_281 = arith.constant 0 : i32
    %dma_wait3A_282 = tpu.memref_slice %arg10[%dma_wait3A_263, %dma_wait3A_280, %dma_wait3A_281] : memref<2x104x64xf32, #tpu.memory_space<vmem>> -> memref<1x96x64xf32, #tpu.memory_space<vmem>>
    %dma_wait3A_283 = tpu.memref_squeeze %dma_wait3A_282 : memref<1x96x64xf32, #tpu.memory_space<vmem>> -> memref<96x64xf32, #tpu.memory_space<vmem>>
    tpu.wait_dma2 semaphore(%dma_wait3A_275 : memref<!tpu.dma_semaphore, #tpu.memory_space<semaphore_mem>>) src(%dma_wait3A_283 : memref<96x64xf32, #tpu.memory_space<vmem>>) dst(%dma_wait3A_279 : memref<96x64xf32, #tpu.memory_space<hbm>>)
    %scan3A_284 = arith.constant 0 : i32
    %scan3A_285 = arith.constant 0 : i32
    %scan3A_286 = arith.constant 96 : i32
    %scan3A_287 = arith.addi %scan3A_285, %scan3A_286 : i32
    %scan3A_288 = arith.constant 1 : i32
    scf.for %scan3A_356 = %scan3A_285 to %scan3A_287 step %scan3A_288  : i32 {
      %get3A = arith.constant 3 : i32
      %get3A_357 = arith.index_cast %get3A : i32 to index
      %get3A_358 = arith.index_cast %scan3A_356 : i32 to index
      %get3A_359 = arith.constant 0 : index
      %get3A_360 = tpu.vector_load %arg9[%get3A_357, %get3A_358, %get3A_359] {strides = array<i32>} : memref<4x104x128xf32, #tpu.memory_space<vmem>>, vector<16xf32>,
      %add3A_361 = arith.constant 104 : i32
      %add3A_362 = arith.addi %add3A_361, %scan3A_356 : i32
      %get3A_363 = arith.index_cast %add3A_362 : i32 to index
      %get3A_364 = arith.constant 0 : index
      %get3A_365 = tpu.vector_load %arg8[%get3A_363, %get3A_364] {strides = array<i32>} : memref<200x64xf32, #tpu.memory_space<vmem>>, vector<16xf32>,
      %add3A_366 = arith.addf %get3A_360, %get3A_365 : vector<16xf32>
      %swap3A = arith.constant 1 : i32
      %swap3A_367 = arith.index_cast %swap3A : i32 to index
      %swap3A_368 = arith.index_cast %scan3A_356 : i32 to index
      %swap3A_369 = arith.constant 0 : index
      %swap3A_370 = tpu.vector_load %arg10[%swap3A_367, %swap3A_368, %swap3A_369] {strides = array<i32>} : memref<2x104x64xf32, #tpu.memory_space<vmem>>, vector<16xf32>,
      tpu.vector_store %arg10[%swap3A_367, %swap3A_368, %swap3A_369], %add3A_366 {strides = array<i32>} : memref<2x104x64xf32, #tpu.memory_space<vmem>>, vector<16xf32>,
      %get3A_371 = arith.constant 3 : i32
      %get3A_372 = arith.index_cast %get3A_371 : i32 to index
      %get3A_373 = arith.index_cast %scan3A_356 : i32 to index
      %get3A_374 = arith.constant 16 : index
      %get3A_375 = tpu.vector_load %arg9[%get3A_372, %get3A_373, %get3A_374] {strides = array<i32>} : memref<4x104x128xf32, #tpu.memory_space<vmem>>, vector<16xf32>,
      %add3A_376 = arith.constant 104 : i32
      %add3A_377 = arith.addi %add3A_376, %scan3A_356 : i32
      %get3A_378 = arith.index_cast %add3A_377 : i32 to index
      %get3A_379 = arith.constant 16 : index
      %get3A_380 = tpu.vector_load %arg8[%get3A_378, %get3A_379] {strides = array<i32>} : memref<200x64xf32, #tpu.memory_space<vmem>>, vector<16xf32>,
      %add3A_381 = arith.addf %get3A_375, %get3A_380 : vector<16xf32>
      %swap3A_382 = arith.constant 1 : i32
      %swap3A_383 = arith.index_cast %swap3A_382 : i32 to index
      %swap3A_384 = arith.index_cast %scan3A_356 : i32 to index
      %swap3A_385 = arith.constant 16 : index
      %swap3A_386 = tpu.vector_load %arg10[%swap3A_383, %swap3A_384, %swap3A_385] {strides = array<i32>} : memref<2x104x64xf32, #tpu.memory_space<vmem>>, vector<16xf32>,
      tpu.vector_store %arg10[%swap3A_383, %swap3A_384, %swap3A_385], %add3A_381 {strides = array<i32>} : memref<2x104x64xf32, #tpu.memory_space<vmem>>, vector<16xf32>,
      %get3A_387 = arith.constant 3 : i32
      %get3A_388 = arith.index_cast %get3A_387 : i32 to index
      %get3A_389 = arith.index_cast %scan3A_356 : i32 to index
      %get3A_390 = arith.constant 32 : index
      %get3A_391 = tpu.vector_load %arg9[%get3A_388, %get3A_389, %get3A_390] {strides = array<i32>} : memref<4x104x128xf32, #tpu.memory_space<vmem>>, vector<16xf32>,
      %add3A_392 = arith.constant 104 : i32
      %add3A_393 = arith.addi %add3A_392, %scan3A_356 : i32
      %get3A_394 = arith.index_cast %add3A_393 : i32 to index
      %get3A_395 = arith.constant 32 : index
      %get3A_396 = tpu.vector_load %arg8[%get3A_394, %get3A_395] {strides = array<i32>} : memref<200x64xf32, #tpu.memory_space<vmem>>, vector<16xf32>,
      %add3A_397 = arith.addf %get3A_391, %get3A_396 : vector<16xf32>
      %swap3A_398 = arith.constant 1 : i32
      %swap3A_399 = arith.index_cast %swap3A_398 : i32 to index
      %swap3A_400 = arith.index_cast %scan3A_356 : i32 to index
      %swap3A_401 = arith.constant 32 : index
      %swap3A_402 = tpu.vector_load %arg10[%swap3A_399, %swap3A_400, %swap3A_401] {strides = array<i32>} : memref<2x104x64xf32, #tpu.memory_space<vmem>>, vector<16xf32>,
      tpu.vector_store %arg10[%swap3A_399, %swap3A_400, %swap3A_401], %add3A_397 {strides = array<i32>} : memref<2x104x64xf32, #tpu.memory_space<vmem>>, vector<16xf32>,
      %get3A_403 = arith.constant 3 : i32
      %get3A_404 = arith.index_cast %get3A_403 : i32 to index
      %get3A_405 = arith.index_cast %scan3A_356 : i32 to index
      %get3A_406 = arith.constant 48 : index
      %get3A_407 = tpu.vector_load %arg9[%get3A_404, %get3A_405, %get3A_406] {strides = array<i32>} : memref<4x104x128xf32, #tpu.memory_space<vmem>>, vector<16xf32>,
      %add3A_408 = arith.constant 104 : i32
      %add3A_409 = arith.addi %add3A_408, %scan3A_356 : i32
      %get3A_410 = arith.index_cast %add3A_409 : i32 to index
      %get3A_411 = arith.constant 48 : index
      %get3A_412 = tpu.vector_load %arg8[%get3A_410, %get3A_411] {strides = array<i32>} : memref<200x64xf32, #tpu.memory_space<vmem>>, vector<16xf32>,
      %add3A_413 = arith.addf %get3A_407, %get3A_412 : vector<16xf32>
      %swap3A_414 = arith.constant 1 : i32
      %swap3A_415 = arith.index_cast %swap3A_414 : i32 to index
      %swap3A_416 = arith.index_cast %scan3A_356 : i32 to index
      %swap3A_417 = arith.constant 48 : index
      %swap3A_418 = tpu.vector_load %arg10[%swap3A_415, %swap3A_416, %swap3A_417] {strides = array<i32>} : memref<2x104x64xf32, #tpu.memory_space<vmem>>, vector<16xf32>,
      tpu.vector_store %arg10[%swap3A_415, %swap3A_416, %swap3A_417], %add3A_413 {strides = array<i32>} : memref<2x104x64xf32, #tpu.memory_space<vmem>>, vector<16xf32>,
    }
    %scan3A_289 = arith.constant 96 : i32
    %add3A_290 = arith.constant 512 : i32
    %add3A_291 = arith.addi %mul3A_2, %add3A_290 : i32
    %sub3A_292 = arith.constant 1 : i32
    %sub3A_293 = arith.subi %add3A_291, %sub3A_292 : i32
    %dma_start3A_294 = arith.constant 1 : i32
    %dma_start3A_295 = arith.constant 1 : i32
    %dma_start3A_296 = arith.constant 0 : i32
    %dma_start3A_297 = arith.constant 0 : i32
    %dma_start3A_298 = tpu.memref_slice %arg10[%dma_start3A_294, %dma_start3A_296, %dma_start3A_297] : memref<2x104x64xf32, #tpu.memory_space<vmem>> -> memref<1x96x64xf32, #tpu.memory_space<vmem>>
    %dma_start3A_299 = tpu.memref_squeeze %dma_start3A_298 : memref<1x96x64xf32, #tpu.memory_space<vmem>> -> memref<96x64xf32, #tpu.memory_space<vmem>>
    %dma_start3A_300 = arith.constant 104 : i32
    %dma_start3A_301 = arith.constant 0 : i32
    %dma_start3A_302 = tpu.memref_slice %arg5[%sub3A_293, %dma_start3A_300, %dma_start3A_301] : memref<16384x200x64xf32, #tpu.memory_space<hbm>> -> memref<1x96x64xf32, #tpu.memory_space<hbm>>
    %dma_start3A_303 = tpu.memref_squeeze %dma_start3A_302 : memref<1x96x64xf32, #tpu.memory_space<hbm>> -> memref<96x64xf32, #tpu.memory_space<hbm>>
    %dma_start3A_304 = tpu.memref_slice %arg13[%dma_start3A_295] : memref<2x!tpu.dma_semaphore, #tpu.memory_space<semaphore_mem>> -> memref<1x!tpu.dma_semaphore, #tpu.memory_space<semaphore_mem>>
    %dma_start3A_305 = tpu.memref_squeeze %dma_start3A_304 : memref<1x!tpu.dma_semaphore, #tpu.memory_space<semaphore_mem>> -> memref<!tpu.dma_semaphore, #tpu.memory_space<semaphore_mem>>
    %dma_start3A_306 = arith.constant 104 : i32
    %dma_start3A_307 = arith.constant 0 : i32
    %dma_start3A_308 = tpu.memref_slice %arg5[%sub3A_293, %dma_start3A_306, %dma_start3A_307] : memref<16384x200x64xf32, #tpu.memory_space<hbm>> -> memref<1x96x64xf32, #tpu.memory_space<hbm>>
    %dma_start3A_309 = tpu.memref_squeeze %dma_start3A_308 : memref<1x96x64xf32, #tpu.memory_space<hbm>> -> memref<96x64xf32, #tpu.memory_space<hbm>>
    %dma_start3A_310 = arith.constant 0 : i32
    %dma_start3A_311 = arith.constant 0 : i32
    %dma_start3A_312 = tpu.memref_slice %arg10[%dma_start3A_294, %dma_start3A_310, %dma_start3A_311] : memref<2x104x64xf32, #tpu.memory_space<vmem>> -> memref<1x96x64xf32, #tpu.memory_space<vmem>>
    %dma_start3A_313 = tpu.memref_squeeze %dma_start3A_312 : memref<1x96x64xf32, #tpu.memory_space<vmem>> -> memref<96x64xf32, #tpu.memory_space<vmem>>
    tpu.enqueue_dma source(%dma_start3A_313 : memref<96x64xf32, #tpu.memory_space<vmem>>) target(%dma_start3A_309 : memref<96x64xf32, #tpu.memory_space<hbm>>) target_semaphore(%dma_start3A_305 : memref<!tpu.dma_semaphore, #tpu.memory_space<semaphore_mem>>)
    %dma_wait3A_314 = arith.constant 0 : i32
    %dma_wait3A_315 = arith.constant 0 : i32
    %dma_wait3A_316 = arith.constant 0 : i32
    %dma_wait3A_317 = arith.constant 0 : i32
    %dma_wait3A_318 = arith.constant 0 : i32
    %dma_wait3A_319 = tpu.memref_slice %arg10[%dma_wait3A_314, %dma_wait3A_317, %dma_wait3A_318] : memref<2x104x64xf32, #tpu.memory_space<vmem>> -> memref<1x104x64xf32, #tpu.memory_space<vmem>>
    %dma_wait3A_320 = tpu.memref_squeeze %dma_wait3A_319 : memref<1x104x64xf32, #tpu.memory_space<vmem>> -> memref<104x64xf32, #tpu.memory_space<vmem>>
    %dma_wait3A_321 = arith.constant 0 : i32
    %dma_wait3A_322 = arith.constant 0 : i32
    %dma_wait3A_323 = tpu.memref_slice %arg5[%dma_wait3A_315, %dma_wait3A_321, %dma_wait3A_322] : memref<16384x200x64xf32, #tpu.memory_space<hbm>> -> memref<1x104x64xf32, #tpu.memory_space<hbm>>
    %dma_wait3A_324 = tpu.memref_squeeze %dma_wait3A_323 : memref<1x104x64xf32, #tpu.memory_space<hbm>> -> memref<104x64xf32, #tpu.memory_space<hbm>>
    %dma_wait3A_325 = tpu.memref_slice %arg13[%dma_wait3A_316] : memref<2x!tpu.dma_semaphore, #tpu.memory_space<semaphore_mem>> -> memref<1x!tpu.dma_semaphore, #tpu.memory_space<semaphore_mem>>
    %dma_wait3A_326 = tpu.memref_squeeze %dma_wait3A_325 : memref<1x!tpu.dma_semaphore, #tpu.memory_space<semaphore_mem>> -> memref<!tpu.dma_semaphore, #tpu.memory_space<semaphore_mem>>
    %dma_wait3A_327 = arith.constant 0 : i32
    %dma_wait3A_328 = arith.constant 0 : i32
    %dma_wait3A_329 = tpu.memref_slice %arg5[%dma_wait3A_315, %dma_wait3A_327, %dma_wait3A_328] : memref<16384x200x64xf32, #tpu.memory_space<hbm>> -> memref<1x104x64xf32, #tpu.memory_space<hbm>>
    %dma_wait3A_330 = tpu.memref_squeeze %dma_wait3A_329 : memref<1x104x64xf32, #tpu.memory_space<hbm>> -> memref<104x64xf32, #tpu.memory_space<hbm>>
    %dma_wait3A_331 = arith.constant 0 : i32
    %dma_wait3A_332 = arith.constant 0 : i32
    %dma_wait3A_333 = tpu.memref_slice %arg10[%dma_wait3A_314, %dma_wait3A_331, %dma_wait3A_332] : memref<2x104x64xf32, #tpu.memory_space<vmem>> -> memref<1x104x64xf32, #tpu.memory_space<vmem>>
    %dma_wait3A_334 = tpu.memref_squeeze %dma_wait3A_333 : memref<1x104x64xf32, #tpu.memory_space<vmem>> -> memref<104x64xf32, #tpu.memory_space<vmem>>
    tpu.wait_dma2 semaphore(%dma_wait3A_326 : memref<!tpu.dma_semaphore, #tpu.memory_space<semaphore_mem>>) src(%dma_wait3A_334 : memref<104x64xf32, #tpu.memory_space<vmem>>) dst(%dma_wait3A_330 : memref<104x64xf32, #tpu.memory_space<hbm>>)
    %dma_wait3A_335 = arith.constant 1 : i32
    %dma_wait3A_336 = arith.constant 0 : i32
    %dma_wait3A_337 = arith.constant 1 : i32
    %dma_wait3A_338 = arith.constant 0 : i32
    %dma_wait3A_339 = arith.constant 0 : i32
    %dma_wait3A_340 = tpu.memref_slice %arg10[%dma_wait3A_335, %dma_wait3A_338, %dma_wait3A_339] : memref<2x104x64xf32, #tpu.memory_space<vmem>> -> memref<1x96x64xf32, #tpu.memory_space<vmem>>
    %dma_wait3A_341 = tpu.memref_squeeze %dma_wait3A_340 : memref<1x96x64xf32, #tpu.memory_space<vmem>> -> memref<96x64xf32, #tpu.memory_space<vmem>>
    %dma_wait3A_342 = arith.constant 104 : i32
    %dma_wait3A_343 = arith.constant 0 : i32
    %dma_wait3A_344 = tpu.memref_slice %arg5[%dma_wait3A_336, %dma_wait3A_342, %dma_wait3A_343] : memref<16384x200x64xf32, #tpu.memory_space<hbm>> -> memref<1x96x64xf32, #tpu.memory_space<hbm>>
    %dma_wait3A_345 = tpu.memref_squeeze %dma_wait3A_344 : memref<1x96x64xf32, #tpu.memory_space<hbm>> -> memref<96x64xf32, #tpu.memory_space<hbm>>
    %dma_wait3A_346 = tpu.memref_slice %arg13[%dma_wait3A_337] : memref<2x!tpu.dma_semaphore, #tpu.memory_space<semaphore_mem>> -> memref<1x!tpu.dma_semaphore, #tpu.memory_space<semaphore_mem>>
    %dma_wait3A_347 = tpu.memref_squeeze %dma_wait3A_346 : memref<1x!tpu.dma_semaphore, #tpu.memory_space<semaphore_mem>> -> memref<!tpu.dma_semaphore, #tpu.memory_space<semaphore_mem>>
    %dma_wait3A_348 = arith.constant 104 : i32
    %dma_wait3A_349 = arith.constant 0 : i32
    %dma_wait3A_350 = tpu.memref_slice %arg5[%dma_wait3A_336, %dma_wait3A_348, %dma_wait3A_349] : memref<16384x200x64xf32, #tpu.memory_space<hbm>> -> memref<1x96x64xf32, #tpu.memory_space<hbm>>
    %dma_wait3A_351 = tpu.memref_squeeze %dma_wait3A_350 : memref<1x96x64xf32, #tpu.memory_space<hbm>> -> memref<96x64xf32, #tpu.memory_space<hbm>>
    %dma_wait3A_352 = arith.constant 0 : i32
    %dma_wait3A_353 = arith.constant 0 : i32
    %dma_wait3A_354 = tpu.memref_slice %arg10[%dma_wait3A_335, %dma_wait3A_352, %dma_wait3A_353] : memref<2x104x64xf32, #tpu.memory_space<vmem>> -> memref<1x96x64xf32, #tpu.memory_space<vmem>>
    %dma_wait3A_355 = tpu.memref_squeeze %dma_wait3A_354 : memref<1x96x64xf32, #tpu.memory_space<vmem>> -> memref<96x64xf32, #tpu.memory_space<vmem>>
    tpu.wait_dma2 semaphore(%dma_wait3A_347 : memref<!tpu.dma_semaphore, #tpu.memory_space<semaphore_mem>>) src(%dma_wait3A_355 : memref<96x64xf32, #tpu.memory_space<vmem>>) dst(%dma_wait3A_351 : memref<96x64xf32, #tpu.memory_space<hbm>>)
    return
  }
}

</mosaic_0001>

<sc_bundles>
// kernel: kernel.3.cloned.1.call-start
scs
__scs_entry_jumppad:
0x0: {  	(pc) =	sbr.rel $0x88, $3  }
0x1: {  	(tag) =	ssettag $0x0;
	lr =	simm.s32 $0x1  }
0x2: {  	[smem:$0x3F9F] =	sst lr;
	_ =	strace $0xD0000000  }
0x3: {  	_ = 	snop  }
0x4: {  	_ = 	snop  }
0x5: {  	_ = 	snop  }
0x6: {  	_ = 	snop  }
0x7: {  	_ = 	snop  }
__scs_overlays_trampoline_lowered:
0x8: {  	[smem:$0x3FAE] =	sst s0  }
0x9: {  	[smem:$0x3FAF] =	sst s1  }
0xa: {  	[smem:$0x3FB0] =	sst s2  }
0xb: {  	[smem:$0x3FB1] =	sst s3  }
0xc: {  	[smem:$0x3FB2] =	sst s4  }
0xd: {  	[smem:$0x3FB3] =	sst s5  }
0xe: {  	[smem:$0x3FB4] =	sst s6  }
0xf: {  	[smem:$0x3FB5] =	sst s7  }
0x10: {  	[smem:$0x3FB6] =	sst s8  }
0x11: {  	[smem:$0x3FB7] =	sst s9;
	s0 =	simm.s32 @!p0 $0x0  }
0x12: {  	s1 =	sld [smem:$0x3F9D];
	s0 =	simm.s32 @p0 $0x1  }
0x13: {  	[smem:$0x3FB8] =	sst s0;
	s0 =	simm.s32 @!p1 $0x0  }
0x14: {  	s2 =	sld [smem:$0x3F9C];
	s0 =	simm.s32 @p1 $0x1  }
0x15: {  	[smem:$0x3FB9] =	sst s0;
	s0 =	simm.s32 @!p2 $0x0  }
0x16: {  	s3 =	sld [smem:$0x3FDB];
	s0 =	simm.s32 @p2 $0x1  }
0x17: {  	s4 =	simm.s32 $0x1BF5;
	[smem:$0x3FBB] =	sst s0  }
0x18: {  	s0 =	sld [smem:$0x3F9E];
	_ =	swait.ge [sflag:s4], $0x0  }
0x19: {  	s7 =	sld [smem:$0x3F9F]  }
0x1a: {  	s8 =	sadd.s32 $0xFFFFE003, lr  }
0x1b: {  	s9 =	sadd.s32 $0xFFFFFEF7, lr;
	s5 =	simm.s32 $0xFFFFFFFF;
	p2 =	slt.u32 s8, $0xFFFFF086  }
0x1c: {  	p1 =	slt.u32 s9, $0xF7A;
	s5 =	simm.s32 @!p2 $0x0  }
0x1d: {  	s5 =	simm.s32 @p1 $0x1;
	p0 =	seq.s32 s7, s2  }
0x1e: {  	s7 =	smul.u32 @!p0 $0xF7A, s2;
	p2 =	seq.s32 @!p0 s5, $0x0  }
0x1f: {  	s9 =	smul.u32 $0xF7A, s1;
	s8 =	simm.s32 @!p0 $0x1BF5;
	p2 =	por !p2, p0  }
0x20: {  	[sflag:s8] =	ssyncset.s32 @!p0 $0xFFFFF086;
	s6 =	sadd.s32 @!p0 s3, s7;
	s7 =	simm.s32 @!p0 $0x108  }
0x21: {  	s3 =	sadd.s32 s3, s9;
	s6 =	sadd.s32 @!p0 $0x88, s6;
	s7 =	simm.s32 @p2 $0x1082  }
0x22: {  	[simem:s7], [sflag:s8] =	dma.local @!p0 [hbm:s6], $0xF7A  }
0x23: {  	s9 =	sor.u32 $0xD0000000, s2;
	s6 =	simm.s32 $0x108;
	_ =	swait.ge @!p0 [sflag:s8], $0x0  }
0x24: {  	s3 =	sadd.s32 $0x88, s3;
	s6 =	simm.s32 @!p1 $0x1082;
	[sflag:s4] =	ssyncset.s32 $0xFFFFF086  }
0x25: {  	[simem:s6], [sflag:s4] =	dma.local [hbm:s3], $0xF7A  }
0x26: {  	[smem:$0x3F9F] =	sst s1;
	(tag) =	ssettag s2;
	_ =	strace s9  }
0x27: {  	s1 =	sld [smem:$0x3FAF]  }
0x28: {  	s2 =	sld [smem:$0x3FB0]  }
0x29: {  	s4 =	sld [smem:$0x3FB2]  }
0x2a: {  	p0 =	seq.s32 s5, $0x0;
	s5 =	sld [smem:$0x3FB3]  }
0x2b: {  	s6 =	sld [smem:$0x3FB4]  }
0x2c: {  	s7 =	sld [smem:$0x3FB5]  }
0x2d: {  	s3 =	simm.s32 $0x108;
	s8 =	sld [smem:$0x3FB6]  }
0x2e: {  	s3 =	simm.s32 @!p0 $0x1082;
	s9 =	sld [smem:$0x3FB7]  }
0x2f: {  	lr =	sadd.s32 s0, s3;
	s0 =	sld [smem:$0x3FAE]  }
0x30: {  	s3 =	sld [smem:$0x3FB1]  }
0x31: {  	[smem:$0x3FBA] =	sst s10  }
0x32: {  	s10 =	sld [smem:$0x3FB8];
	_ =	sdelay $0x3  }
0x33: {  	p0 =	seq.s32 s10, $0x1;
	s10 =	sld [smem:$0x3FBA];
	_ =	sdelay $0x3  }
0x34: {  	[smem:$0x3FBA] =	sst s10  }
0x35: {  	s10 =	sld [smem:$0x3FB9];
	_ =	sdelay $0x3  }
0x36: {  	p1 =	seq.s32 s10, $0x1;
	s10 =	sld [smem:$0x3FBA];
	_ =	sdelay $0x3  }
0x37: {  	[smem:$0x3FBA] =	sst s10  }
0x38: {  	s10 =	sld [smem:$0x3FBB]  }
0x39: {  	_ = 	snop;
	(pc) =	sbr.ind lr, $3  }
0x3a: {  	_ = 	snop  }
0x3b: {  	_ = 	snop  }
0x3c: {  	p2 =	seq.s32 s10, $0x1;
	s10 =	sld [smem:$0x3FBA]  }
0x3d: {  	_ =	shalt  }
0x3e: {  	_ =	shalt  }
0x3f: {  	_ =	shalt  }
0x40: {  	_ =	shalt  }
0x41: {  	_ =	shalt  }
0x42: {  	_ =	shalt  }
0x43: {  	_ =	shalt  }
0x44: {  	_ =	shalt  }
0x45: {  	_ =	shalt  }
0x46: {  	_ =	shalt  }
0x47: {  	_ =	shalt  }
0x48: {  	_ =	shalt  }
0x49: {  	_ =	shalt  }
0x4a: {  	_ =	shalt  }
0x4b: {  	_ =	shalt  }
0x4c: {  	_ =	shalt  }
0x4d: {  	_ =	shalt  }
0x4e: {  	_ =	shalt  }
0x4f: {  	_ =	shalt  }
0x50: {  	_ =	shalt  }
0x51: {  	_ =	shalt  }
0x52: {  	_ =	shalt  }
0x53: {  	_ =	shalt  }
0x54: {  	_ =	shalt  }
0x55: {  	_ =	shalt  }
0x56: {  	_ =	shalt  }
0x57: {  	_ =	shalt  }
0x58: {  	_ =	shalt  }
0x59: {  	_ =	shalt  }
0x5a: {  	_ =	shalt  }
0x5b: {  	_ =	shalt  }
0x5c: {  	_ =	shalt  }
0x5d: {  	_ =	shalt  }
0x5e: {  	_ =	shalt  }
0x5f: {  	_ =	shalt  }
0x60: {  	_ =	shalt  }
0x61: {  	_ =	shalt  }
0x62: {  	_ =	shalt  }
0x63: {  	_ =	shalt  }
0x64: {  	_ =	shalt  }
0x65: {  	_ =	shalt  }
0x66: {  	_ =	shalt  }
0x67: {  	_ =	shalt  }
0x68: {  	_ =	shalt  }
0x69: {  	_ =	shalt  }
0x6a: {  	_ =	shalt  }
0x6b: {  	_ =	shalt  }
0x6c: {  	_ =	shalt  }
0x6d: {  	_ =	shalt  }
0x6e: {  	_ =	shalt  }
0x6f: {  	_ =	shalt  }
0x70: {  	_ =	shalt  }
0x71: {  	_ =	shalt  }
0x72: {  	_ =	shalt  }
0x73: {  	_ =	shalt  }
0x74: {  	_ =	shalt  }
0x75: {  	_ =	shalt  }
0x76: {  	_ =	shalt  }
0x77: {  	_ =	shalt  }
0x78: {  	_ =	shalt  }
0x79: {  	_ =	shalt  }
0x7a: {  	_ =	shalt  }
0x7b: {  	_ =	shalt  }
0x7c: {  	_ =	shalt  }
0x7d: {  	_ =	shalt  }
0x7e: {  	_ =	shalt  }
0x7f: {  	_ =	shalt  }
0x80: {  	_ =	shalt  }
0x81: {  	_ =	shalt  }
0x82: {  	_ =	shalt  }
0x83: {  	_ =	shalt  }
0x84: {  	_ =	shalt  }
0x85: {  	_ =	shalt  }
0x86: {  	_ =	shalt  }
0x87: {  	_ =	shalt  }
.Lfunc_end0:
.L_simem_size_0:
called_computation_lowered:
.L_overlay_start_0:
0x88: {  	s2 =	sld [smem:$0x3FD9]  }
0x89: {  	s3 =	sld [smem:$0x3FFE];
	_ =	sdelay $0x1  }
0x8a: {  	s1 =	srdreg.scid  }
0x8b: {  	s0 =	sand.u32 $0x1, s1  }
0x8c: {  	s17 =	sshll.u32 s0, $0xA;
	s2 =	sadd.s32 s3, s2  }
0x8d: {  	s2 =	sadd.s32 s2, s17  }
0x8e: {  	[smem:$0x3FC6] =	sst s2  }
0x8f: {  	_ = 	snop  }
0x90: {  	s2 =	sld [smem:$0x3FD0];
	(tm) =	ssettm $0x1  }
0x91: {  	s18 =	sld [smem:$0x3FFB];
	_ =	sdelay $0x3  }
0x92: {  	_ =	strace s18  }
0x93: {  	s3 =	sld [smem:$0x3FFC];
	_ =	sdelay $0x3  }
0x94: {  	_ =	strace s3  }
0x95: {  	s3 =	sld [smem:$0x3FFD];
	_ =	sdelay $0x3  }
0x96: {  	_ =	strace s3  }
0x97: {  	_ =	strace $0x8FFFFFFF  }
0x98: {  	s19 =	sld [smem:$0x3FDB];
	_ =	sdelay $0x1  }
0x99: {  	s4 =	simm.s32 $_scs_section_size  }
0x9a: {  	s5 =	simm.s32 $_size__tile_overlayer_lowered;
	s6 =	simm.s32 $_tile_overlayer_lowered  }
0x9b: {  	s22 =	simm.s32 $0x1BFF;
	s21 =	sshll.u32 s6, $0x1;
	s3 =	sadd.s32 s4, s19  }
0x9c: {  	s7 =	simm.s32 $0x0;
	s20 =	sshll.u32 s5, $0x1;
	s5 =	sadd.s32 s21, s3  }
0x9d: {  	[timem:s7], [sflag:s22] =	dma.local [hbm:s5], s20  }
0x9e: {  	_ =	swait.ge [sflag:s22], s20  }
0x9f: {  	s4 =	ssub.s32 $0x0, s20;
	[sflag:s22] =	ssyncset.done $0x0  }
0xa0: {  	[sflag:s22] =	ssyncadd.s32 s4;
	_ =	sdelay $0x1  }
0xa1: {  	s23 =	simm.s32 $0x1B8B  }
0xa2: {  	_ =	swait.ge [sflag:s23], $0x1  }
0xa3: {  	[sflag:s23] =	ssyncset.done $0x0  }
0xa4: {  	s25 =	simm.s32 $0x1B8E;
	s24 =	sld [smem:$0x3FFE];
	[sflag:s23] =	ssyncadd.s32 $0xFFFFFFFF  }
0xa5: {  	s26 =	simm.s32 $execute0_lowered;
	[smem:$0x3FD2] =	sst s25  }
0xa6: {  	s5 =	sshll.u32 s26, $0x1;
	_ =	strace $0x80000046;
	[dreg:$0x1] =	wrdreg $0xFFFFFFFF  }
0xa7: {  	s28 =	simm.s32 $_size_execute0_lowered;
	s3 =	sadd.s32 s3, s5;
	[dreg:$0x0] =	wrdreg $0x0  }
0xa8: {  	s5 =	sshll.u32 s28, $0x1;
	[dreg:$0x2] =	wrdreg s3  }
0xa9: {  	[dreg:$0x3] =	wrdreg s5  }
0xaa: {  	[dreg:$0x4] =	wrdreg $0xC0  }
0xab: {  	_ =	task [dreg:s7], $0x5FFFF  }
0xac: {  	[dreg:$0x1] =	wrdreg $0xFFFFFFFF  }
0xad: {  	[dreg:$0x0] =	wrdreg $0x60  }
0xae: {  	[dreg:$0x2] =	wrdreg s24  }
0xaf: {  	[dreg:$0x3] =	wrdreg s2  }
0xb0: {  	[dreg:$0x4] =	wrdreg $0x9  }
0xb1: {  	_ =	task.clear_ibuf [dreg:s7], $0x5FFFF;
	_ =	strace $0x90000046  }
0xb2: {  	s29 =	simm.s32 $0x9;
	_ =	strace $0x80000048  }
0xb3: {  	_ =	swait.ge [sflag:s29], $0x1  }
0xb4: {  	[sflag:s29] =	ssyncadd.s32 $0xFFFFFFFF  }
0xb5: {  	_ =	strace $0x90000048  }
0xb6: {  	_ =	sfence  }
0xb7: {  	s30 =	sld [smem:$0x0];
	_ =	sdelay $0x2  }
0xb8: {  	s31 =	sshll.u32 s1, $0xD;
	s1 =	sshrl.u32 s1, $0x2  }
0xb9: {  	s3 =	sand.u32 $0x4000, s31;
	s1 =	sadd.s32 s1, s30  }
0xba: {  	s0 =	sor.u32 s3, s0;
	s1 =	sshll.u32 s1, $0x11  }
0xbb: {  	s0 =	sor.u32 s1, s0  }
0xbc: {  	s0 =	sadd.s32 $0x8F2B, s0  }
0xbd: {  	[sflag:s0] =	ssyncadd.remote.s32 $0x1  }
0xbe: {  	_ =	sfence.sel $0xFFFF  }
0xbf: {  	[dreg:$0x0] =	wrdreg $0xFFFFFFFF;
	(pc) =	sbr.abs _section_cstart, $3  }
0xc0: {  	[dreg:$0x1] =	wrdreg $0xFFFFFFFF  }
0xc1: {  	_ =	task.clear_ibuf [dreg:s7], $0x2FFFF;
	_ =	strace $0x9FFFFFFF  }
0xc2: {  	(tm) =	ssettm $0x7FFFFFFF  }
0xc3: {  	_ =	shalt  }
tec
execute0_lowered:
.L_overlay_start_1:
0x0: {  	(tag) =	ssettag $0x1  }
0x1: {  	s0 =	rddreg [dreg:$0x0]  }
0x2: {  	s1 =	srdreg.scid;
	s2 =	stileid.u32;
	s3 =	simm.s32 $0x0  }
0x3: {  	s18 =	simm.s32 $0x68;
	s20 =	simm.s32 $0xA400;
	s21 =	simm.s32 $0x60  }
0x4: {  	s23 =	simm.s32 $0xD800;
	s28 =	simm.s32 $0x17400;
	s30 =	simm.s32 $0x14000  }
0x5: {  	s31 =	simm.s32 $0x3;
	s15 =	simm.s32 $0x6;
	s17 =	simm.s32 $0x5  }
0x6: {  	s19 =	simm.s32 $0x7;
	s1 =	sand.u32 $0x1, s1;
	s2 =	sshll.u32 s2, $0xA  }
0x7: {  	[smem:$0x7FF] =	sst s3;
	s5 =	sadd.s32 $0x80600, s0;
	s4 =	sshll.u32 s1, $0x9  }
0x8: {  	s6 =	sadd.s32 $0xFC2A00, s0;
	s1 =	ssub.s32 $0x2, s1;
	s4 =	sor.u32 s4, s2  }
0x9: {  	_ =	strace $0x80000047;
	s8 =	sshrl.u32 s1, $0x1;
	s2 =	smul.u32 $0x6400, s4  }
0xa: {  	s7 =	sshll.u32 s4, $0x5;
	s1 =	ssub.s32 s1, s8;
	s11 =	sadd.s32 $0xFFFFFFFF, s4  }
0xb: {  	s8 =	simm.s32 $0x0;
	s0 =	sadd.s32 s7, s0;
	s29 =	smax.u32 s1, $0x1  }
0xc: {  	s2 =	sshrl.u32 s2, $0x3;
	s7 =	sadd.s32 $0x600, s0;
	[dreg:$0x8] =	wrdreg s29  }
0xd: {  	s1 =	simm.s32 $0x1;
	s2 =	sadd.s32 s6, s2;
	[dreg:$0x4] =	wrdreg s7  }
0xe: {  	s9 =	sadd.s32 $0x800, s0;
	s24 =	sadd.s32 $0x680, s2;
	[dreg:$0x3] =	wrdreg s2  }
0xf: {  	s0 =	simm.s32 $0x1A800;
	s25 =	sadd.s32 $0x18F380, s2;
	[dreg:$0x5] =	wrdreg s24  }
0x10: {  	s26 =	sadd.s32 $0x18FA00, s2;
	s2 =	simm.s32 $0x4;
	[dreg:$0x6] =	wrdreg s25  }
0x11: {  	[dreg:$0x7] =	wrdreg s26;
	s25 =	simm.s32 $0x10C00;
	s26 =	simm.s32 $0x2  }
.LBB2_1:
0x12: {  	[dreg:$0x9] =	wrdreg s8  }
0x13: {  	s7 =	rddreg [dreg:$0x1];
	s14 =	simm.s32 $0x4000;
	s10 =	simm.s32 $0x8  }
0x14: {  	[tilespmem:s14], [sflag:$0x8] =	stream.linear.gather [hbm4b:s7+s3], $0x6400, $0x38;
	[tilespmem:$0x1DC00] =	vst v63  }
0x15: {  	_ =	swait.ge [sflag:s10], $0x6400  }
0x16: {  	[sflag:s10] =	ssyncset.done $0x0  }
0x17: {  	s16 =	rddreg [dreg:$0x4];
	[sflag:s10] =	ssyncadd.s32 $0xFFFF9C00  }
0x18: {  	[tilespmem:s3], [sflag:$0x8] =	stream.linear.gather [hbm4b:s16+s3], $0x1000, $0x38;
	[tilespmem:$0x1DC00] =	vst v63  }
0x19: {  	_ =	swait.ge [sflag:s10], $0x1000  }
0x1a: {  	s22 =	sand.u32 $0x800, s3;
	s24 =	sand.u32 $0x380, s3;
	[sflag:s10] =	ssyncset.done $0x0  }
0x1b: {  	s7 =	sor.u32 s24, s22;
	[sflag:s10] =	ssyncadd.s32 $0xFFFFF000  }
0x1c: {  	v0 =	vld [tilespmem:s7+$0x50]  }
0x1d: {  	v2 =	vld [tilespmem:s7+$0x68]  }
0x1e: {  	v4 =	vld [tilespmem:s7+$0x430]  }
0x1f: {  	v1 =	vld [tilespmem:s7+$0x58]  }
0x20: {  	v5 =	vld [tilespmem:s7+$0x0]  }
0x21: {  	v3 =	vld [tilespmem:s7+$0x70];
	[tilespmem:s7+$0x2050] =	vst v0  }
0x22: {  	v0 =	vld [tilespmem:s7+$0x438];
	[tilespmem:s7+$0x2400] =	vst v2  }
0x23: {  	v2 =	vld [tilespmem:s7+$0x20];
	[tilespmem:s7+$0x2448] =	vst v4  }
0x24: {  	[tilespmem:s7+$0x2058] =	vst v1;
	v1 =	vld [tilespmem:s7+$0x10]  }
0x25: {  	v6 =	vld [tilespmem:s7+$0x30];
	[tilespmem:s7+$0x2000] =	vst v5  }
0x26: {  	v7 =	vld [tilespmem:s7+$0x40];
	[tilespmem:s7+$0x2408] =	vst v3  }
0x27: {  	s29 =	simm.s32 $0x100;
	s8 =	simm.s32 $0x80;
	v5 =	vld [tilespmem:s7+$0x400];
	[tilespmem:s7+$0x2450] =	vst v0  }
0x28: {  	s12 =	sand.u32 $0x380, s8;
	s10 =	sand.u32 $0x800, s29;
	v8 =	vld [tilespmem:s7+$0x410];
	[tilespmem:s7+$0x2020] =	vst v2  }
0x29: {  	s10 =	sor.u32 s12, s10;
	v4 =	vld [tilespmem:s7+$0x420];
	[tilespmem:s7+$0x2010] =	vst v1  }
0x2a: {  	v3 =	vld [tilespmem:s10+$0x50];
	[tilespmem:s7+$0x2030] =	vst v6  }
0x2b: {  	v0 =	vld [tilespmem:s10+$0x58];
	[tilespmem:s7+$0x2040] =	vst v7  }
0x2c: {  	v1 =	vld [tilespmem:s10+$0x68];
	[tilespmem:s7+$0x2418] =	vst v5  }
0x2d: {  	s12 =	simm.s32 $0x200;
	v2 =	vld [tilespmem:s10+$0x70];
	[tilespmem:s7+$0x2428] =	vst v8  }
.LBB2_2:
0x2e: {  	p0 =	sne.s32 s12, $0xF00;
	v5 =	vld [tilespmem:s10+$0x430];
	[tilespmem:s7+$0x2438] =	vst v4;
	s7 =	smov.u32 s10  }
0x2f: {  	[tilespmem:s7+$0x2050] =	vst v3;
	v3 =	vld [tilespmem:s7+$0x438]  }
0x30: {  	v4 =	vld [tilespmem:s7+$0x0];
	[tilespmem:s7+$0x2058] =	vst v0  }
0x31: {  	v0 =	vld [tilespmem:s7+$0x10];
	[tilespmem:s7+$0x2400] =	vst v1  }
0x32: {  	v1 =	vld [tilespmem:s7+$0x20];
	[tilespmem:s7+$0x2408] =	vst v2  }
0x33: {  	v2 =	vld [tilespmem:s7+$0x30];
	[tilespmem:s7+$0x2448] =	vst v5  }
0x34: {  	v5 =	vld [tilespmem:s7+$0x40];
	[tilespmem:s7+$0x2450] =	vst v3  }
0x35: {  	s8 =	sadd.s32 $0x80, s8;
	[tilespmem:s7+$0x2000] =	vst v4;
	v6 =	vld [tilespmem:s7+$0x400]  }
0x36: {  	s10 =	sand.u32 $0x800, s12;
	s13 =	sand.u32 $0x380, s8;
	[tilespmem:s7+$0x2010] =	vst v0;
	v7 =	vld [tilespmem:s7+$0x410]  }
.Ltmp0:
0x37: {  	s10 =	sor.u32 s13, s10;
	[tilespmem:s7+$0x2020] =	vst v1;
	v4 =	vld [tilespmem:s7+$0x420];
	(pc) =	sbr.rel @p0 .LBB2_2-.Ltmp0, $4  }
0x38: {  	v3 =	vld [tilespmem:s10+$0x50];
	[tilespmem:s7+$0x2030] =	vst v2  }
0x39: {  	v0 =	vld [tilespmem:s10+$0x58];
	[tilespmem:s7+$0x2040] =	vst v5  }
0x3a: {  	v1 =	vld [tilespmem:s10+$0x68];
	[tilespmem:s7+$0x2418] =	vst v6  }
0x3b: {  	s12 =	sadd.s32 $0x100, s12;
	v2 =	vld [tilespmem:s10+$0x70];
	[tilespmem:s7+$0x2428] =	vst v7  }
0x3c: {  	v5 =	vld [tilespmem:s10+$0x430];
	[tilespmem:s7+$0x2438] =	vst v4  }
0x3d: {  	[tilespmem:s10+$0x2050] =	vst v3;
	v3 =	vld [tilespmem:s10+$0x438]  }
0x3e: {  	v4 =	vld [tilespmem:s10+$0x0];
	[tilespmem:s10+$0x2058] =	vst v0  }
0x3f: {  	v0 =	vld [tilespmem:s10+$0x10];
	[tilespmem:s10+$0x2400] =	vst v1  }
0x40: {  	v1 =	vld [tilespmem:s10+$0x20];
	[tilespmem:s10+$0x2408] =	vst v2  }
0x41: {  	v2 =	vld [tilespmem:s10+$0x30];
	[tilespmem:s10+$0x2448] =	vst v5  }
0x42: {  	v5 =	vld [tilespmem:s10+$0x40];
	[tilespmem:s10+$0x2450] =	vst v3  }
0x43: {  	[tilespmem:s10+$0x2000] =	vst v4;
	v3 =	vld [tilespmem:s10+$0x400]  }
0x44: {  	[tilespmem:s10+$0x2010] =	vst v0;
	v0 =	vld [tilespmem:s10+$0x410]  }
0x45: {  	[tilespmem:s10+$0x2020] =	vst v1;
	v1 =	vld [tilespmem:s10+$0x420]  }
0x46: {  	[tilespmem:s10+$0x2030] =	vst v2  }
0x47: {  	[tilespmem:s10+$0x2040] =	vst v5  }
0x48: {  	[tilespmem:s10+$0x2418] =	vst v3  }
0x49: {  	[tilespmem:s10+$0x2428] =	vst v0  }
0x4a: {  	s16 =	simm.s32 $0x0;
	s8 =	simm.s32 $0x1000;
	[tilespmem:s10+$0x2438] =	vst v1  }
0x4b: {  	[tilespmem:s8], [sflag:$0x1] =	stream.linear.gather [hbm4b:s9+s16], $0x1000, $0x38;
	[tilespmem:$0x1DC00] =	vst v63  }
0x4c: {  	s22 =	simm.s32 $0x2000  }
0x4d: {  	[tilespmem:s20], [sflag:$0x2] =	stream.indirect.gather [hbm4b:s5+s18], $0x80, s22, s18, $0xb8;
	[tilespmem:$0x1DC00] =	vst v63  }
0x4e: {  	s24 =	simm.s32 $0x2400  }
0x4f: {  	[tilespmem:s23], [sflag:$0x3] =	stream.indirect.gather [hbm4b:s5+s21], $0x80, s24, s21, $0xb8;
	[tilespmem:$0x1DC00] =	vst v63  }
0x50: {  	s29 =	simm.s32 $0x2080  }
0x51: {  	[tilespmem:s25], [sflag:$0x4] =	stream.indirect.gather [hbm4b:s5+s18], $0x80, s29, s18, $0xb8;
	[tilespmem:$0x1DC00] =	vst v63  }
0x52: {  	_ =	swait.ge [sflag:s26], $0x3400  }
0x53: {  	[sflag:s26] =	ssyncset.done $0x0  }
0x54: {  	s7 =	simm.s32 $0x0;
	[sflag:s26] =	ssyncadd.s32 $0xFFFFCC00  }
0x55: {  	v2 =	vld [tilespmem:s7+$0xA430]  }
0x56: {  	v4 =	vld [tilespmem:s7+$0x4030]  }
0x57: {  	v5 =	vld [tilespmem:s7+$0xA400]  }
0x58: {  	v6 =	vld [tilespmem:s7+$0x4000]  }
0x59: {  	v1 =	vld [tilespmem:s7+$0xA410]  }
0x5a: {  	v3 =	vld [tilespmem:s7+$0x4010]  }
0x5b: {  	v0 =	vld [tilespmem:s7+$0xA420];
	v7 =	vadd.f32 v4, v2  }
0x5c: {  	s8 =	simm.s32 $0x80;
	v4 =	vld [tilespmem:s7+$0x4020]  }
0x5d: {  	s10 =	simm.s32 $0x400;
	v2 =	vld [tilespmem:s8+$0xA430];
	v5 =	vadd.f32 v6, v5;
	[tilespmem:s7+$0x17430] =	vst v7  }
.LBB2_4:
0x5e: {  	p0 =	sne.s32 s10, $0xCE00;
	v6 =	vld [tilespmem:s8+$0x4030]  }
0x5f: {  	v7 =	vld [tilespmem:s8+$0xA400];
	[tilespmem:s7+$0x17400] =	vst v5;
	v3 =	vadd.f32 v3, v1  }
0x60: {  	v5 =	vld [tilespmem:s8+$0x4000]  }
.Ltmp1:
0x61: {  	v1 =	vld [tilespmem:s8+$0xA410];
	[tilespmem:s7+$0x17410] =	vst v3;
	v4 =	vadd.f32 v4, v0;
	(pc) =	sbr.rel @p0 .LBB2_4-.Ltmp1, $4  }
0x62: {  	v3 =	vld [tilespmem:s8+$0x4010]  }
0x63: {  	v0 =	vld [tilespmem:s8+$0xA420];
	v6 =	vadd.f32 v6, v2;
	[tilespmem:s7+$0x17420] =	vst v4;
	s7 =	smov.u32 s8  }
0x64: {  	s8 =	sshra.s32 s10, $0x2;
	v4 =	vld [tilespmem:s7+$0x4020]  }
0x65: {  	s10 =	sadd.s32 $0x200, s10;
	v2 =	vld [tilespmem:s8+$0xA430];
	v5 =	vadd.f32 v5, v7;
	[tilespmem:s7+$0x17430] =	vst v6  }
0x66: {  	v6 =	vld [tilespmem:s8+$0x4030]  }
0x67: {  	v7 =	vld [tilespmem:s8+$0xA400];
	[tilespmem:s7+$0x17400] =	vst v5;
	v1 =	vadd.f32 v3, v1  }
0x68: {  	v3 =	vld [tilespmem:s8+$0x4000]  }
0x69: {  	v5 =	vld [tilespmem:s8+$0xA410];
	[tilespmem:s7+$0x17410] =	vst v1;
	v0 =	vadd.f32 v4, v0  }
0x6a: {  	v1 =	vld [tilespmem:s8+$0x4010]  }
0x6b: {  	v4 =	vld [tilespmem:s8+$0xA420];
	[tilespmem:s7+$0x17420] =	vst v0  }
0x6c: {  	v0 =	vld [tilespmem:s8+$0x4020];
	_ =	sdelay $0x1  }
0x6d: {  	v2 =	vadd.f32 v6, v2  }
0x6e: {  	v3 =	vadd.f32 v3, v7  }
0x6f: {  	[tilespmem:s8+$0x17430] =	vst v2;
	v1 =	vadd.f32 v1, v5  }
0x70: {  	[tilespmem:s8+$0x17400] =	vst v3;
	v0 =	vadd.f32 v0, v4  }
0x71: {  	[tilespmem:s8+$0x17410] =	vst v1  }
0x72: {  	s22 =	simm.s32 $0x0;
	s24 =	rddreg [dreg:$0x3];
	[tilespmem:s8+$0x17420] =	vst v0  }
0x73: {  	[hbm4b:s24+s22] =	stream.linear.scatter [tilespmem:s28], [sflag:$0x6], $0x3400, $0x38;
	[tilespmem:$0x1DC00] =	vst v63  }
0x74: {  	s29 =	simm.s32 $0x2480  }
0x75: {  	[tilespmem:s30], [sflag:$0x5] =	stream.indirect.gather [hbm4b:s5+s21], $0x80, s29, s21, $0xb8;
	[tilespmem:$0x1DC00] =	vst v63  }
0x76: {  	_ =	swait.ge [sflag:s31], $0x3000  }
0x77: {  	[sflag:s31] =	ssyncset.done $0x0  }
0x78: {  	s7 =	simm.s32 $0x0;
	[sflag:s31] =	ssyncadd.s32 $0xFFFFD000  }
0x79: {  	v2 =	vld [tilespmem:s7+$0xD830]  }
0x7a: {  	v4 =	vld [tilespmem:s7+$0x7430]  }
0x7b: {  	v5 =	vld [tilespmem:s7+$0xD800]  }
0x7c: {  	v6 =	vld [tilespmem:s7+$0x7400]  }
0x7d: {  	v1 =	vld [tilespmem:s7+$0xD810]  }
0x7e: {  	v3 =	vld [tilespmem:s7+$0x7410]  }
0x7f: {  	v0 =	vld [tilespmem:s7+$0xD820];
	v7 =	vadd.f32 v4, v2  }
0x80: {  	s8 =	simm.s32 $0x80;
	v4 =	vld [tilespmem:s7+$0x7420]  }
0x81: {  	s10 =	simm.s32 $0x400;
	v2 =	vld [tilespmem:s8+$0xD830];
	v5 =	vadd.f32 v6, v5;
	[tilespmem:s7+$0x1A830] =	vst v7  }
.LBB2_6:
0x82: {  	p0 =	sne.s32 s10, $0xBE00;
	v6 =	vld [tilespmem:s8+$0x7430]  }
0x83: {  	v7 =	vld [tilespmem:s8+$0xD800];
	[tilespmem:s7+$0x1A800] =	vst v5;
	v3 =	vadd.f32 v3, v1  }
0x84: {  	v5 =	vld [tilespmem:s8+$0x7400]  }
.Ltmp2:
0x85: {  	v1 =	vld [tilespmem:s8+$0xD810];
	[tilespmem:s7+$0x1A810] =	vst v3;
	v4 =	vadd.f32 v4, v0;
	(pc) =	sbr.rel @p0 .LBB2_6-.Ltmp2, $4  }
0x86: {  	v3 =	vld [tilespmem:s8+$0x7410]  }
0x87: {  	v0 =	vld [tilespmem:s8+$0xD820];
	v6 =	vadd.f32 v6, v2;
	[tilespmem:s7+$0x1A820] =	vst v4;
	s7 =	smov.u32 s8  }
0x88: {  	s8 =	sshra.s32 s10, $0x2;
	v4 =	vld [tilespmem:s7+$0x7420]  }
0x89: {  	s10 =	sadd.s32 $0x200, s10;
	v2 =	vld [tilespmem:s8+$0xD830];
	v5 =	vadd.f32 v5, v7;
	[tilespmem:s7+$0x1A830] =	vst v6  }
0x8a: {  	v6 =	vld [tilespmem:s8+$0x7430]  }
0x8b: {  	v7 =	vld [tilespmem:s8+$0xD800];
	[tilespmem:s7+$0x1A800] =	vst v5;
	v1 =	vadd.f32 v3, v1  }
0x8c: {  	v62 =	vld [tilespmem:s8+$0x7400]  }
0x8d: {  	v5 =	vld [tilespmem:s8+$0xD810];
	[tilespmem:s7+$0x1A810] =	vst v1;
	v0 =	vadd.f32 v4, v0  }
0x8e: {  	v1 =	vld [tilespmem:s8+$0x7410]  }
0x8f: {  	v63 =	vld [tilespmem:s8+$0xD820];
	[tilespmem:s7+$0x1A820] =	vst v0  }
0x90: {  	v0 =	vld [tilespmem:s8+$0x7420];
	_ =	sdelay $0x1  }
0x91: {  	v2 =	vadd.f32 v6, v2  }
0x92: {  	v3 =	vadd.f32 v62, v7  }
0x93: {  	[tilespmem:s8+$0x1A830] =	vst v2;
	v1 =	vadd.f32 v1, v5  }
0x94: {  	[tilespmem:s8+$0x1A800] =	vst v3;
	v0 =	vadd.f32 v0, v63  }
0x95: {  	[tilespmem:s8+$0x1A810] =	vst v1  }
0x96: {  	s29 =	rddreg [dreg:$0x5];
	s24 =	simm.s32 $0x1;
	[tilespmem:s8+$0x1A820] =	vst v0  }
0x97: {  	[hbm4b:s29+s3] =	stream.linear.scatter [tilespmem:s0], [sflag:$0x7], $0x3000, $0x38;
	[tilespmem:$0x1DC00] =	vst v63  }
.LBB2_8:
0x98: {  	s8 =	sand.u32 $0x7, s24  }
0x99: {  	p0 =	seq.s32 s8, $0x0  }
.Ltmp3:
0x9a: {  	_ = 	snop;
	(pc) =	sbr.rel @!p0 .LBB2_12-.Ltmp3, $4  }
0x9b: {  	_ = 	snop  }
0x9c: {  	s29 =	sshrl.u32 s24, $0x3  }
0x9d: {  	s7 =	sand.u32 $0x1, s29  }
0x9e: {  	s10 =	sshll.u32 s7, $0xC  }
0x9f: {  	s10 =	simm.s32 $0x0  }
0xa0: {  	_ =	swait.ge [sflag:s1], $0x1000;
	s12 =	sand.u32 $0x800, s10;
	s13 =	sand.u32 $0x380, s10  }
0xa1: {  	[sflag:s1] =	ssyncset.done $0x0;
	s10 =	sshll.u32 s7, $0xC;
	s12 =	sor.u32 s13, s12  }
0xa2: {  	[sflag:s1] =	ssyncadd.s32 $0xFFFFF000;
	s12 =	sor.u32 s10, s12  }
0xa3: {  	v0 =	vld [tilespmem:s12+$0x0];
	_ =	sdelay $0x4  }
0xa4: {  	s7 =	sor.u32 $0x10, s12;
	[tilespmem:s12+$0x2000] =	vst v0  }
0xa5: {  	v0 =	vld [tilespmem:s7+$0x0];
	_ =	sdelay $0x3  }
0xa6: {  	s13 =	sor.u32 $0x2010, s12  }
0xa7: {  	s14 =	sor.u32 $0x20, s12;
	[tilespmem:s13+$0x0] =	vst v0  }
0xa8: {  	v0 =	vld [tilespmem:s14+$0x0];
	_ =	sdelay $0x3  }
0xa9: {  	s16 =	sor.u32 $0x2020, s12  }
0xaa: {  	s22 =	sor.u32 $0x30, s12;
	[tilespmem:s16+$0x0] =	vst v0  }
0xab: {  	v0 =	vld [tilespmem:s22+$0x0];
	_ =	sdelay $0x3  }
0xac: {  	s13 =	sor.u32 $0x2030, s12  }
0xad: {  	s14 =	sor.u32 $0x40, s12;
	[tilespmem:s13+$0x0] =	vst v0  }
0xae: {  	v0 =	vld [tilespmem:s14+$0x0];
	_ =	sdelay $0x3  }
0xaf: {  	s16 =	sor.u32 $0x2040, s12  }
0xb0: {  	s22 =	sor.u32 $0x50, s12;
	[tilespmem:s16+$0x0] =	vst v0  }
0xb1: {  	v0 =	vld [tilespmem:s22+$0x0];
	_ =	sdelay $0x3  }
0xb2: {  	s14 =	sor.u32 $0x2050, s12  }
0xb3: {  	s16 =	sor.u32 $0x58, s12;
	[tilespmem:s14+$0x0] =	vst v0  }
0xb4: {  	v0 =	vld [tilespmem:s16+$0x0];
	_ =	sdelay $0x3  }
0xb5: {  	s22 =	sor.u32 $0x2058, s12  }
0xb6: {  	[tilespmem:s22+$0x0] =	vst v0  }
0xb7: {  	v0 =	vld [tilespmem:s12+$0x68];
	_ =	sdelay $0x3  }
0xb8: {  	s13 =	sor.u32 $0x2400, s12  }
0xb9: {  	[tilespmem:s13+$0x0] =	vst v0  }
0xba: {  	v0 =	vld [tilespmem:s12+$0x70];
	_ =	sdelay $0x4  }
0xbb: {  	s14 =	sor.u32 $0x400, s12;
	v1 =	vld [tilespmem:s12+$0x410];
	[tilespmem:s12+$0x2408] =	vst v0  }
0xbc: {  	v0 =	vld [tilespmem:s14+$0x0]  }
0xbd: {  	v2 =	vld [tilespmem:s12+$0x420];
	_ =	sdelay $0x2  }
0xbe: {  	[tilespmem:s12+$0x2428] =	vst v1  }
0xbf: {  	s16 =	sor.u32 $0x2438, s12;
	[tilespmem:s12+$0x2418] =	vst v0  }
0xc0: {  	[tilespmem:s16+$0x0] =	vst v2  }
0xc1: {  	v1 =	vld [tilespmem:s12+$0x430]  }
0xc2: {  	s22 =	simm.s32 $0x100;
	s13 =	simm.s32 $0x80  }
0xc3: {  	s7 =	sand.u32 $0x800, s22;
	s14 =	sand.u32 $0x380, s13  }
0xc4: {  	s7 =	sor.u32 s14, s7  }
0xc5: {  	s16 =	sor.u32 s10, s7  }
0xc6: {  	s7 =	sor.u32 $0x438, s12;
	v0 =	vld [tilespmem:s16+$0x0];
	[tilespmem:s12+$0x2448] =	vst v1  }
0xc7: {  	s14 =	simm.s32 $0x200;
	s22 =	sor.u32 $0x10, s16;
	v1 =	vld [tilespmem:s7+$0x0]  }
.LBB2_10:
0xc8: {  	_ =	sdelay $0x2  }
0xc9: {  	p0 =	sne.s32 s14, $0xF00;
	s7 =	smov.u32 s14;
	s14 =	sadd.s32 $0x100, s14;
	[tilespmem:s16+$0x2000] =	vst v0  }
0xca: {  	[tilespmem:s12+$0x2450] =	vst v1;
	s12 =	smov.u32 s16  }
0xcb: {  	v0 =	vld [tilespmem:s22+$0x0];
	_ =	sdelay $0x2  }
0xcc: {  	s16 =	sor.u32 $0x2010, s12  }
0xcd: {  	s22 =	sor.u32 $0x20, s12  }
0xce: {  	[tilespmem:s16+$0x0] =	vst v0  }
0xcf: {  	v0 =	vld [tilespmem:s22+$0x0];
	_ =	sdelay $0x2  }
0xd0: {  	s16 =	sor.u32 $0x2020, s12  }
0xd1: {  	s22 =	sor.u32 $0x30, s12  }
0xd2: {  	[tilespmem:s16+$0x0] =	vst v0  }
0xd3: {  	v0 =	vld [tilespmem:s22+$0x0];
	_ =	sdelay $0x2  }
0xd4: {  	s16 =	sor.u32 $0x2030, s12  }
0xd5: {  	s22 =	sor.u32 $0x40, s12  }
0xd6: {  	[tilespmem:s16+$0x0] =	vst v0  }
0xd7: {  	v0 =	vld [tilespmem:s22+$0x0];
	_ =	sdelay $0x2  }
0xd8: {  	s16 =	sor.u32 $0x2040, s12  }
0xd9: {  	s22 =	sor.u32 $0x50, s12  }
0xda: {  	[tilespmem:s16+$0x0] =	vst v0  }
0xdb: {  	v0 =	vld [tilespmem:s22+$0x0];
	_ =	sdelay $0x2  }
0xdc: {  	s16 =	sor.u32 $0x2050, s12  }
0xdd: {  	s22 =	sor.u32 $0x58, s12  }
0xde: {  	[tilespmem:s16+$0x0] =	vst v0  }
0xdf: {  	v0 =	vld [tilespmem:s22+$0x0];
	_ =	sdelay $0x2  }
0xe0: {  	s16 =	sor.u32 $0x2058, s12;
	_ =	sdelay $0x1  }
0xe1: {  	[tilespmem:s16+$0x0] =	vst v0  }
0xe2: {  	v0 =	vld [tilespmem:s12+$0x68];
	_ =	sdelay $0x2  }
0xe3: {  	s16 =	sor.u32 $0x2400, s12;
	_ =	sdelay $0x1  }
0xe4: {  	[tilespmem:s16+$0x0] =	vst v0  }
0xe5: {  	v0 =	vld [tilespmem:s12+$0x70]  }
0xe6: {  	v1 =	vld [tilespmem:s12+$0x410]  }
0xe7: {  	v2 =	vld [tilespmem:s12+$0x420];
	_ =	sdelay $0x1  }
0xe8: {  	s16 =	sor.u32 $0x400, s12  }
0xe9: {  	[tilespmem:s12+$0x2408] =	vst v0  }
0xea: {  	v0 =	vld [tilespmem:s16+$0x0]  }
0xeb: {  	[tilespmem:s12+$0x2428] =	vst v1;
	_ =	sdelay $0x2  }
0xec: {  	s16 =	sor.u32 $0x2438, s12  }
0xed: {  	[tilespmem:s12+$0x2418] =	vst v0  }
0xee: {  	[tilespmem:s16+$0x0] =	vst v2  }
0xef: {  	v1 =	vld [tilespmem:s12+$0x430]  }
0xf0: {  	s13 =	sadd.s32 $0x80, s13  }
.Ltmp4:
0xf1: {  	s7 =	sand.u32 $0x800, s7;
	s16 =	sand.u32 $0x380, s13;
	(pc) =	sbr.rel @p0 .LBB2_10-.Ltmp4, $4  }
0xf2: {  	s7 =	sor.u32 s16, s7  }
0xf3: {  	s16 =	sor.u32 s10, s7;
	s7 =	sor.u32 $0x438, s12  }
0xf4: {  	s22 =	sor.u32 $0x10, s16;
	v0 =	vld [tilespmem:s16+$0x0];
	[tilespmem:s12+$0x2448] =	vst v1  }
0xf5: {  	v1 =	vld [tilespmem:s7+$0x0]  }
0xf6: {  	_ =	sdelay $0x2  }
0xf7: {  	[tilespmem:s16+$0x2000] =	vst v0  }
0xf8: {  	[tilespmem:s12+$0x2450] =	vst v1  }
0xf9: {  	v0 =	vld [tilespmem:s22+$0x0];
	_ =	sdelay $0x3  }
0xfa: {  	s7 =	sor.u32 $0x2010, s16  }
0xfb: {  	s13 =	sor.u32 $0x20, s16;
	[tilespmem:s7+$0x0] =	vst v0  }
0xfc: {  	v0 =	vld [tilespmem:s13+$0x0];
	_ =	sdelay $0x3  }
0xfd: {  	s14 =	sor.u32 $0x2020, s16  }
0xfe: {  	s22 =	sor.u32 $0x30, s16;
	[tilespmem:s14+$0x0] =	vst v0  }
0xff: {  	v0 =	vld [tilespmem:s22+$0x0];
	_ =	sdelay $0x3  }
0x100: {  	s12 =	sor.u32 $0x2030, s16  }
0x101: {  	s13 =	sor.u32 $0x40, s16;
	[tilespmem:s12+$0x0] =	vst v0  }
0x102: {  	v0 =	vld [tilespmem:s13+$0x0];
	_ =	sdelay $0x3  }
0x103: {  	s14 =	sor.u32 $0x2040, s16  }
0x104: {  	s22 =	sor.u32 $0x50, s16;
	[tilespmem:s14+$0x0] =	vst v0  }
0x105: {  	v0 =	vld [tilespmem:s22+$0x0];
	_ =	sdelay $0x3  }
0x106: {  	s13 =	sor.u32 $0x2050, s16  }
0x107: {  	s14 =	sor.u32 $0x58, s16;
	[tilespmem:s13+$0x0] =	vst v0  }
0x108: {  	v0 =	vld [tilespmem:s14+$0x0];
	_ =	sdelay $0x3  }
0x109: {  	s22 =	sor.u32 $0x2058, s16  }
0x10a: {  	[tilespmem:s22+$0x0] =	vst v0  }
0x10b: {  	v0 =	vld [tilespmem:s16+$0x68];
	_ =	sdelay $0x3  }
0x10c: {  	s12 =	sor.u32 $0x2400, s16  }
0x10d: {  	[tilespmem:s12+$0x0] =	vst v0  }
0x10e: {  	v0 =	vld [tilespmem:s16+$0x70];
	_ =	sdelay $0x4  }
0x10f: {  	s13 =	sor.u32 $0x400, s16;
	v1 =	vld [tilespmem:s16+$0x410];
	[tilespmem:s16+$0x2408] =	vst v0  }
0x110: {  	v0 =	vld [tilespmem:s13+$0x0]  }
0x111: {  	v2 =	vld [tilespmem:s16+$0x420];
	_ =	sdelay $0x2  }
0x112: {  	[tilespmem:s16+$0x2428] =	vst v1  }
0x113: {  	s14 =	sor.u32 $0x2438, s16;
	[tilespmem:s16+$0x2418] =	vst v0  }
0x114: {  	[tilespmem:s14+$0x0] =	vst v2  }
0x115: {  	v63 =	vld [tilespmem:s16+$0x430];
	_ =	sdelay $0x4  }
0x116: {  	s22 =	sor.u32 $0x438, s16;
	[tilespmem:s16+$0x2448] =	vst v63  }
0x117: {  	v0 =	vld [tilespmem:s22+$0x0];
	_ =	sdelay $0x4  }
0x118: {  	[tilespmem:s16+$0x2450] =	vst v0  }
.LBB2_12:
0x119: {  	s7 =	sshll.u32 s24, $0x9  }
0x11a: {  	s12 =	sshll.u32 s24, $0x8;
	s7 =	sand.u32 $0x800, s7  }
0x11b: {  	s12 =	sand.u32 $0x300, s12;
	s7 =	sadd.s32 s7, s10  }
0x11c: {  	s7 =	sadd.s32 s12, s7  }
0x11d: {  	s12 =	sadd.s32 $0x2000, s7  }
0x11e: {  	[tilespmem:s20], [sflag:$0x2] =	stream.indirect.gather [hbm4b:s5+s18], $0x80, s12, s18, $0xb8;
	[tilespmem:$0x1DC00] =	vst v63  }
0x11f: {  	_ =	swait.ge [sflag:s2], $0x3400  }
0x120: {  	[sflag:s2] =	ssyncset.done $0x0  }
0x121: {  	[sflag:s2] =	ssyncadd.s32 $0xFFFFCC00  }
0x122: {  	_ =	swait.ge [sflag:s15], $0x3400  }
0x123: {  	[sflag:s15] =	ssyncset.done $0x0  }
0x124: {  	s13 =	simm.s32 $0x0;
	[sflag:s15] =	ssyncadd.s32 $0xFFFFCC00  }
0x125: {  	v2 =	vld [tilespmem:s13+$0x10C30]  }
0x126: {  	v4 =	vld [tilespmem:s13+$0x4030]  }
0x127: {  	v5 =	vld [tilespmem:s13+$0x10C00]  }
0x128: {  	v6 =	vld [tilespmem:s13+$0x4000]  }
0x129: {  	v1 =	vld [tilespmem:s13+$0x10C10]  }
0x12a: {  	v3 =	vld [tilespmem:s13+$0x4010]  }
0x12b: {  	v0 =	vld [tilespmem:s13+$0x10C20];
	v7 =	vadd.f32 v4, v2  }
0x12c: {  	s7 =	simm.s32 $0x80;
	v4 =	vld [tilespmem:s13+$0x4020]  }
0x12d: {  	s14 =	simm.s32 $0x400;
	v2 =	vld [tilespmem:s7+$0x10C30];
	v5 =	vadd.f32 v6, v5;
	[tilespmem:s13+$0x17430] =	vst v7  }
.LBB2_13:
0x12e: {  	p0 =	sne.s32 s14, $0xCE00;
	v6 =	vld [tilespmem:s7+$0x4030]  }
0x12f: {  	v7 =	vld [tilespmem:s7+$0x10C00];
	[tilespmem:s13+$0x17400] =	vst v5;
	v3 =	vadd.f32 v3, v1  }
0x130: {  	v5 =	vld [tilespmem:s7+$0x4000]  }
.Ltmp5:
0x131: {  	v1 =	vld [tilespmem:s7+$0x10C10];
	[tilespmem:s13+$0x17410] =	vst v3;
	v4 =	vadd.f32 v4, v0;
	(pc) =	sbr.rel @p0 .LBB2_13-.Ltmp5, $4  }
0x132: {  	v3 =	vld [tilespmem:s7+$0x4010]  }
0x133: {  	v0 =	vld [tilespmem:s7+$0x10C20];
	v6 =	vadd.f32 v6, v2;
	[tilespmem:s13+$0x17420] =	vst v4;
	s13 =	smov.u32 s7  }
0x134: {  	s7 =	sshra.s32 s14, $0x2;
	v4 =	vld [tilespmem:s13+$0x4020]  }
0x135: {  	s14 =	sadd.s32 $0x200, s14;
	v2 =	vld [tilespmem:s7+$0x10C30];
	v5 =	vadd.f32 v5, v7;
	[tilespmem:s13+$0x17430] =	vst v6  }
0x136: {  	v6 =	vld [tilespmem:s7+$0x4030]  }
0x137: {  	v7 =	vld [tilespmem:s7+$0x10C00];
	[tilespmem:s13+$0x17400] =	vst v5;
	v1 =	vadd.f32 v3, v1  }
0x138: {  	v3 =	vld [tilespmem:s7+$0x4000]  }
0x139: {  	v5 =	vld [tilespmem:s7+$0x10C10];
	[tilespmem:s13+$0x17410] =	vst v1;
	v0 =	vadd.f32 v4, v0  }
0x13a: {  	v1 =	vld [tilespmem:s7+$0x4010]  }
0x13b: {  	v4 =	vld [tilespmem:s7+$0x10C20];
	[tilespmem:s13+$0x17420] =	vst v0  }
0x13c: {  	v0 =	vld [tilespmem:s7+$0x4020];
	_ =	sdelay $0x1  }
0x13d: {  	v2 =	vadd.f32 v6, v2;
	s13 =	sshll.u32 s24, $0x1  }
0x13e: {  	s14 =	sadd.s32 s13, s11;
	v3 =	vadd.f32 v3, v7  }
0x13f: {  	[tilespmem:s7+$0x17430] =	vst v2;
	s14 =	smul.u32 $0x6400, s14;
	v1 =	vadd.f32 v1, v5  }
0x140: {  	[tilespmem:s7+$0x17400] =	vst v3;
	v0 =	vadd.f32 v0, v4  }
0x141: {  	s14 =	sshrl.u32 s14, $0x3;
	[tilespmem:s7+$0x17410] =	vst v1  }
0x142: {  	s16 =	simm.s32 $0x0;
	[tilespmem:s7+$0x17420] =	vst v0;
	s7 =	sadd.s32 s6, s14  }
0x143: {  	[hbm4b:s7+s16] =	stream.linear.scatter [tilespmem:s28], [sflag:$0x6], $0x3400, $0x38;
	[tilespmem:$0x1DC00] =	vst v63  }
0x144: {  	s22 =	sadd.s32 $0x400, s12  }
0x145: {  	[tilespmem:s23], [sflag:$0x3] =	stream.indirect.gather [hbm4b:s5+s21], $0x80, s22, s21, $0xb8;
	[tilespmem:$0x1DC00] =	vst v63  }
0x146: {  	_ =	swait.ge [sflag:s17], $0x3000  }
0x147: {  	[sflag:s17] =	ssyncset.done $0x0  }
0x148: {  	[sflag:s17] =	ssyncadd.s32 $0xFFFFD000  }
0x149: {  	_ =	swait.ge [sflag:s19], $0x3000  }
0x14a: {  	[sflag:s19] =	ssyncset.done $0x0  }
0x14b: {  	s14 =	simm.s32 $0x0;
	[sflag:s19] =	ssyncadd.s32 $0xFFFFD000  }
0x14c: {  	v2 =	vld [tilespmem:s14+$0x14030]  }
0x14d: {  	v4 =	vld [tilespmem:s14+$0x7430]  }
0x14e: {  	v5 =	vld [tilespmem:s14+$0x14000]  }
0x14f: {  	v6 =	vld [tilespmem:s14+$0x7400]  }
0x150: {  	v1 =	vld [tilespmem:s14+$0x14010]  }
0x151: {  	v3 =	vld [tilespmem:s14+$0x7410]  }
0x152: {  	v0 =	vld [tilespmem:s14+$0x14020];
	v7 =	vadd.f32 v4, v2  }
0x153: {  	s16 =	simm.s32 $0x80;
	v4 =	vld [tilespmem:s14+$0x7420]  }
0x154: {  	s22 =	simm.s32 $0x400;
	v2 =	vld [tilespmem:s16+$0x14030];
	v5 =	vadd.f32 v6, v5;
	[tilespmem:s14+$0x1A830] =	vst v7  }
.LBB2_15:
0x155: {  	p0 =	sne.s32 s22, $0xBE00;
	v6 =	vld [tilespmem:s16+$0x7430]  }
0x156: {  	v7 =	vld [tilespmem:s16+$0x14000];
	[tilespmem:s14+$0x1A800] =	vst v5;
	v3 =	vadd.f32 v3, v1  }
0x157: {  	v5 =	vld [tilespmem:s16+$0x7400]  }
.Ltmp6:
0x158: {  	v1 =	vld [tilespmem:s16+$0x14010];
	[tilespmem:s14+$0x1A810] =	vst v3;
	v4 =	vadd.f32 v4, v0;
	(pc) =	sbr.rel @p0 .LBB2_15-.Ltmp6, $4  }
0x159: {  	v3 =	vld [tilespmem:s16+$0x7410]  }
0x15a: {  	v0 =	vld [tilespmem:s16+$0x14020];
	v6 =	vadd.f32 v6, v2;
	[tilespmem:s14+$0x1A820] =	vst v4;
	s14 =	smov.u32 s16  }
0x15b: {  	s16 =	sshra.s32 s22, $0x2;
	v4 =	vld [tilespmem:s14+$0x7420]  }
0x15c: {  	s22 =	sadd.s32 $0x200, s22;
	v2 =	vld [tilespmem:s16+$0x14030];
	v5 =	vadd.f32 v5, v7;
	[tilespmem:s14+$0x1A830] =	vst v6  }
0x15d: {  	v6 =	vld [tilespmem:s16+$0x7430]  }
0x15e: {  	v7 =	vld [tilespmem:s16+$0x14000];
	[tilespmem:s14+$0x1A800] =	vst v5;
	v1 =	vadd.f32 v3, v1  }
0x15f: {  	v3 =	vld [tilespmem:s16+$0x7400]  }
0x160: {  	v5 =	vld [tilespmem:s16+$0x14010];
	[tilespmem:s14+$0x1A810] =	vst v1;
	v0 =	vadd.f32 v4, v0  }
0x161: {  	v1 =	vld [tilespmem:s16+$0x7410]  }
0x162: {  	v4 =	vld [tilespmem:s16+$0x14020];
	[tilespmem:s14+$0x1A820] =	vst v0  }
0x163: {  	v0 =	vld [tilespmem:s16+$0x7420];
	_ =	sdelay $0x1  }
0x164: {  	v2 =	vadd.f32 v6, v2  }
0x165: {  	v3 =	vadd.f32 v3, v7  }
0x166: {  	[tilespmem:s16+$0x1A830] =	vst v2;
	v1 =	vadd.f32 v1, v5  }
0x167: {  	p0 =	sgt.u32 s24, $0xF7;
	[tilespmem:s16+$0x1A800] =	vst v3;
	v0 =	vadd.f32 v0, v4  }
0x168: {  	p1 =	sne.s32 @!p0 s8, $0x0;
	[tilespmem:s16+$0x1A810] =	vst v1  }
0x169: {  	s7 =	sadd.s32 $0x680, s7;
	p0 =	por p1, p0;
	[tilespmem:s16+$0x1A820] =	vst v0  }
0x16a: {  	[hbm4b:s7+s3] =	stream.linear.scatter [tilespmem:s0], [sflag:$0x7], $0x3000, $0x38;
	[tilespmem:$0x1DC00] =	vst v63  }
0x16b: {  	s7 =	sshll.u32 @!p0 s29, $0x9  }
0x16c: {  	s8 =	ssub.s32 @!p0 $0x1000, s10;
	s10 =	simm.s32 @!p0 $0x0;
	s7 =	sadd.s32 @!p0 s9, s7  }
0x16d: {  	[tilespmem:s8], [sflag:$0x1] =	stream.linear.gather @!p0 [hbm4b:s7+s10], $0x1000, $0x38;
	[tilespmem:$0x1DC00] =	vst v63  }
0x16e: {  	s29 =	sadd.s32 $0x80, s12  }
0x16f: {  	[tilespmem:s25], [sflag:$0x4] =	stream.indirect.gather [hbm4b:s5+s18], $0x80, s29, s18, $0xb8;
	[tilespmem:$0x1DC00] =	vst v63  }
0x170: {  	_ =	swait.ge [sflag:s26], $0x3400  }
0x171: {  	[sflag:s26] =	ssyncset.done $0x0  }
0x172: {  	[sflag:s26] =	ssyncadd.s32 $0xFFFFCC00  }
0x173: {  	_ =	swait.ge [sflag:s15], $0x3400  }
0x174: {  	[sflag:s15] =	ssyncset.done $0x0  }
0x175: {  	s8 =	simm.s32 $0x0;
	[sflag:s15] =	ssyncadd.s32 $0xFFFFCC00  }
0x176: {  	v2 =	vld [tilespmem:s8+$0xA430]  }
0x177: {  	v4 =	vld [tilespmem:s8+$0x4030]  }
0x178: {  	v5 =	vld [tilespmem:s8+$0xA400]  }
0x179: {  	v6 =	vld [tilespmem:s8+$0x4000]  }
0x17a: {  	v1 =	vld [tilespmem:s8+$0xA410]  }
0x17b: {  	v3 =	vld [tilespmem:s8+$0x4010]  }
0x17c: {  	v0 =	vld [tilespmem:s8+$0xA420];
	v7 =	vadd.f32 v4, v2  }
0x17d: {  	s7 =	simm.s32 $0x80;
	v4 =	vld [tilespmem:s8+$0x4020]  }
0x17e: {  	s10 =	simm.s32 $0x400;
	v2 =	vld [tilespmem:s7+$0xA430];
	v5 =	vadd.f32 v6, v5;
	[tilespmem:s8+$0x17430] =	vst v7  }
.LBB2_17:
0x17f: {  	p0 =	sne.s32 s10, $0xCE00;
	v6 =	vld [tilespmem:s7+$0x4030]  }
0x180: {  	v7 =	vld [tilespmem:s7+$0xA400];
	[tilespmem:s8+$0x17400] =	vst v5;
	v3 =	vadd.f32 v3, v1  }
0x181: {  	v5 =	vld [tilespmem:s7+$0x4000]  }
.Ltmp7:
0x182: {  	v1 =	vld [tilespmem:s7+$0xA410];
	[tilespmem:s8+$0x17410] =	vst v3;
	v4 =	vadd.f32 v4, v0;
	(pc) =	sbr.rel @p0 .LBB2_17-.Ltmp7, $4  }
0x183: {  	v3 =	vld [tilespmem:s7+$0x4010]  }
0x184: {  	v0 =	vld [tilespmem:s7+$0xA420];
	v6 =	vadd.f32 v6, v2;
	[tilespmem:s8+$0x17420] =	vst v4;
	s8 =	smov.u32 s7  }
0x185: {  	s7 =	sshra.s32 s10, $0x2;
	v4 =	vld [tilespmem:s8+$0x4020]  }
0x186: {  	s10 =	sadd.s32 $0x200, s10;
	v2 =	vld [tilespmem:s7+$0xA430];
	v5 =	vadd.f32 v5, v7;
	[tilespmem:s8+$0x17430] =	vst v6  }
0x187: {  	v6 =	vld [tilespmem:s7+$0x4030]  }
0x188: {  	v7 =	vld [tilespmem:s7+$0xA400];
	[tilespmem:s8+$0x17400] =	vst v5;
	v1 =	vadd.f32 v3, v1  }
0x189: {  	v3 =	vld [tilespmem:s7+$0x4000]  }
0x18a: {  	v5 =	vld [tilespmem:s7+$0xA410];
	[tilespmem:s8+$0x17410] =	vst v1;
	v0 =	vadd.f32 v4, v0  }
0x18b: {  	v1 =	vld [tilespmem:s7+$0x4010]  }
0x18c: {  	v4 =	vld [tilespmem:s7+$0xA420];
	[tilespmem:s8+$0x17420] =	vst v0  }
0x18d: {  	v0 =	vld [tilespmem:s7+$0x4020];
	_ =	sdelay $0x1  }
0x18e: {  	v2 =	vadd.f32 v6, v2  }
0x18f: {  	s16 =	sor.u32 s4, s13;
	v3 =	vadd.f32 v3, v7  }
0x190: {  	s8 =	smul.u32 $0x6400, s16;
	[tilespmem:s7+$0x17430] =	vst v2;
	v1 =	vadd.f32 v1, v5  }
0x191: {  	[tilespmem:s7+$0x17400] =	vst v3;
	v0 =	vadd.f32 v0, v4  }
0x192: {  	s8 =	sshrl.u32 s8, $0x3;
	[tilespmem:s7+$0x17410] =	vst v1  }
0x193: {  	s22 =	simm.s32 $0x0;
	[tilespmem:s7+$0x17420] =	vst v0;
	s7 =	sadd.s32 s6, s8  }
0x194: {  	[hbm4b:s7+s22] =	stream.linear.scatter [tilespmem:s28], [sflag:$0x6], $0x3400, $0x38;
	[tilespmem:$0x1DC00] =	vst v63  }
0x195: {  	s29 =	sadd.s32 $0x480, s12  }
0x196: {  	[tilespmem:s30], [sflag:$0x5] =	stream.indirect.gather [hbm4b:s5+s21], $0x80, s29, s21, $0xb8;
	[tilespmem:$0x1DC00] =	vst v63  }
0x197: {  	_ =	swait.ge [sflag:s31], $0x3000  }
0x198: {  	[sflag:s31] =	ssyncset.done $0x0  }
0x199: {  	[sflag:s31] =	ssyncadd.s32 $0xFFFFD000  }
0x19a: {  	_ =	swait.ge [sflag:s19], $0x3000  }
0x19b: {  	[sflag:s19] =	ssyncset.done $0x0  }
0x19c: {  	s8 =	simm.s32 $0x0;
	[sflag:s19] =	ssyncadd.s32 $0xFFFFD000  }
0x19d: {  	v2 =	vld [tilespmem:s8+$0xD830]  }
0x19e: {  	v4 =	vld [tilespmem:s8+$0x7430]  }
0x19f: {  	v5 =	vld [tilespmem:s8+$0xD800]  }
0x1a0: {  	v6 =	vld [tilespmem:s8+$0x7400]  }
0x1a1: {  	v1 =	vld [tilespmem:s8+$0xD810]  }
0x1a2: {  	v3 =	vld [tilespmem:s8+$0x7410]  }
0x1a3: {  	v0 =	vld [tilespmem:s8+$0xD820];
	v7 =	vadd.f32 v4, v2  }
0x1a4: {  	s10 =	simm.s32 $0x80;
	v4 =	vld [tilespmem:s8+$0x7420]  }
0x1a5: {  	s12 =	simm.s32 $0x400;
	v2 =	vld [tilespmem:s10+$0xD830];
	v5 =	vadd.f32 v6, v5;
	[tilespmem:s8+$0x1A830] =	vst v7  }
.LBB2_19:
0x1a6: {  	p0 =	sne.s32 s12, $0xBE00;
	v6 =	vld [tilespmem:s10+$0x7430]  }
0x1a7: {  	v7 =	vld [tilespmem:s10+$0xD800];
	[tilespmem:s8+$0x1A800] =	vst v5;
	v3 =	vadd.f32 v3, v1  }
0x1a8: {  	v5 =	vld [tilespmem:s10+$0x7400]  }
.Ltmp8:
0x1a9: {  	v1 =	vld [tilespmem:s10+$0xD810];
	[tilespmem:s8+$0x1A810] =	vst v3;
	v4 =	vadd.f32 v4, v0;
	(pc) =	sbr.rel @p0 .LBB2_19-.Ltmp8, $4  }
0x1aa: {  	v3 =	vld [tilespmem:s10+$0x7410]  }
0x1ab: {  	v0 =	vld [tilespmem:s10+$0xD820];
	v6 =	vadd.f32 v6, v2;
	[tilespmem:s8+$0x1A820] =	vst v4;
	s8 =	smov.u32 s10  }
0x1ac: {  	s10 =	sshra.s32 s12, $0x2;
	v4 =	vld [tilespmem:s8+$0x7420]  }
0x1ad: {  	s12 =	sadd.s32 $0x200, s12;
	v2 =	vld [tilespmem:s10+$0xD830];
	v5 =	vadd.f32 v5, v7;
	[tilespmem:s8+$0x1A830] =	vst v6  }
0x1ae: {  	v6 =	vld [tilespmem:s10+$0x7430]  }
0x1af: {  	v7 =	vld [tilespmem:s10+$0xD800];
	[tilespmem:s8+$0x1A800] =	vst v5;
	v1 =	vadd.f32 v3, v1  }
0x1b0: {  	v62 =	vld [tilespmem:s10+$0x7400]  }
0x1b1: {  	v5 =	vld [tilespmem:s10+$0xD810];
	[tilespmem:s8+$0x1A810] =	vst v1;
	v0 =	vadd.f32 v4, v0  }
0x1b2: {  	v1 =	vld [tilespmem:s10+$0x7410]  }
0x1b3: {  	v63 =	vld [tilespmem:s10+$0xD820];
	[tilespmem:s8+$0x1A820] =	vst v0  }
0x1b4: {  	v0 =	vld [tilespmem:s10+$0x7420];
	_ =	sdelay $0x1  }
0x1b5: {  	s24 =	sadd.s32 $0x1, s24;
	v2 =	vadd.f32 v6, v2  }
0x1b6: {  	p0 =	sne.s32 s24, $0x100;
	v3 =	vadd.f32 v62, v7  }
.Ltmp9:
0x1b7: {  	[tilespmem:s10+$0x1A830] =	vst v2;
	v1 =	vadd.f32 v1, v5;
	(pc) =	sbr.rel @p0 .LBB2_8-.Ltmp9, $4  }
0x1b8: {  	[tilespmem:s10+$0x1A800] =	vst v3;
	v0 =	vadd.f32 v0, v63  }
0x1b9: {  	[tilespmem:s10+$0x1A810] =	vst v1  }
0x1ba: {  	s7 =	sadd.s32 $0x680, s7;
	[tilespmem:s10+$0x1A820] =	vst v0  }
0x1bb: {  	[hbm4b:s7+s3] =	stream.linear.scatter [tilespmem:s0], [sflag:$0x7], $0x3000, $0x38;
	[tilespmem:$0x1DC00] =	vst v63  }
0x1bc: {  	_ =	swait.ge [sflag:s2], $0x3400  }
0x1bd: {  	[sflag:s2] =	ssyncset.done $0x0  }
0x1be: {  	[sflag:s2] =	ssyncadd.s32 $0xFFFFCC00  }
0x1bf: {  	_ =	swait.ge [sflag:s15], $0x3400  }
0x1c0: {  	[sflag:s15] =	ssyncset.done $0x0  }
0x1c1: {  	s7 =	simm.s32 $0x0;
	[sflag:s15] =	ssyncadd.s32 $0xFFFFCC00  }
0x1c2: {  	v2 =	vld [tilespmem:s7+$0x10C30]  }
0x1c3: {  	v4 =	vld [tilespmem:s7+$0x4030]  }
0x1c4: {  	v5 =	vld [tilespmem:s7+$0x10C00]  }
0x1c5: {  	v6 =	vld [tilespmem:s7+$0x4000]  }
0x1c6: {  	v1 =	vld [tilespmem:s7+$0x10C10]  }
0x1c7: {  	v3 =	vld [tilespmem:s7+$0x4010]  }
0x1c8: {  	v0 =	vld [tilespmem:s7+$0x10C20];
	v7 =	vadd.f32 v4, v2  }
0x1c9: {  	s8 =	simm.s32 $0x80;
	v4 =	vld [tilespmem:s7+$0x4020]  }
0x1ca: {  	s10 =	simm.s32 $0x400;
	v2 =	vld [tilespmem:s8+$0x10C30];
	v5 =	vadd.f32 v6, v5;
	[tilespmem:s7+$0x17430] =	vst v7  }
.LBB2_22:
0x1cb: {  	p0 =	sne.s32 s10, $0xCE00;
	v6 =	vld [tilespmem:s8+$0x4030]  }
0x1cc: {  	v7 =	vld [tilespmem:s8+$0x10C00];
	[tilespmem:s7+$0x17400] =	vst v5;
	v3 =	vadd.f32 v3, v1  }
0x1cd: {  	v5 =	vld [tilespmem:s8+$0x4000]  }
.Ltmp10:
0x1ce: {  	v1 =	vld [tilespmem:s8+$0x10C10];
	[tilespmem:s7+$0x17410] =	vst v3;
	v4 =	vadd.f32 v4, v0;
	(pc) =	sbr.rel @p0 .LBB2_22-.Ltmp10, $4  }
0x1cf: {  	v3 =	vld [tilespmem:s8+$0x4010]  }
0x1d0: {  	v0 =	vld [tilespmem:s8+$0x10C20];
	v6 =	vadd.f32 v6, v2;
	[tilespmem:s7+$0x17420] =	vst v4;
	s7 =	smov.u32 s8  }
0x1d1: {  	s8 =	sshra.s32 s10, $0x2;
	v4 =	vld [tilespmem:s7+$0x4020]  }
0x1d2: {  	s10 =	sadd.s32 $0x200, s10;
	v2 =	vld [tilespmem:s8+$0x10C30];
	v5 =	vadd.f32 v5, v7;
	[tilespmem:s7+$0x17430] =	vst v6  }
0x1d3: {  	v6 =	vld [tilespmem:s8+$0x4030]  }
0x1d4: {  	v7 =	vld [tilespmem:s8+$0x10C00];
	[tilespmem:s7+$0x17400] =	vst v5;
	v1 =	vadd.f32 v3, v1  }
0x1d5: {  	v3 =	vld [tilespmem:s8+$0x4000]  }
0x1d6: {  	v5 =	vld [tilespmem:s8+$0x10C10];
	[tilespmem:s7+$0x17410] =	vst v1;
	v0 =	vadd.f32 v4, v0  }
0x1d7: {  	v1 =	vld [tilespmem:s8+$0x4010]  }
0x1d8: {  	v4 =	vld [tilespmem:s8+$0x10C20];
	[tilespmem:s7+$0x17420] =	vst v0  }
0x1d9: {  	v0 =	vld [tilespmem:s8+$0x4020];
	_ =	sdelay $0x1  }
0x1da: {  	v2 =	vadd.f32 v6, v2  }
0x1db: {  	v3 =	vadd.f32 v3, v7  }
0x1dc: {  	[tilespmem:s8+$0x17430] =	vst v2;
	v1 =	vadd.f32 v1, v5  }
0x1dd: {  	[tilespmem:s8+$0x17400] =	vst v3;
	v0 =	vadd.f32 v0, v4  }
0x1de: {  	[tilespmem:s8+$0x17410] =	vst v1  }
0x1df: {  	s24 =	simm.s32 $0x0;
	s29 =	rddreg [dreg:$0x6];
	[tilespmem:s8+$0x17420] =	vst v0  }
0x1e0: {  	[hbm4b:s29+s24] =	stream.linear.scatter [tilespmem:s28], [sflag:$0x6], $0x3400, $0x38;
	[tilespmem:$0x1DC00] =	vst v63  }
0x1e1: {  	_ =	swait.ge [sflag:s17], $0x3000  }
0x1e2: {  	[sflag:s17] =	ssyncset.done $0x0  }
0x1e3: {  	[sflag:s17] =	ssyncadd.s32 $0xFFFFD000  }
0x1e4: {  	_ =	swait.ge [sflag:s19], $0x3000  }
0x1e5: {  	[sflag:s19] =	ssyncset.done $0x0  }
0x1e6: {  	s7 =	simm.s32 $0x0;
	[sflag:s19] =	ssyncadd.s32 $0xFFFFD000  }
0x1e7: {  	v2 =	vld [tilespmem:s7+$0x14030]  }
0x1e8: {  	v4 =	vld [tilespmem:s7+$0x7430]  }
0x1e9: {  	v5 =	vld [tilespmem:s7+$0x14000]  }
0x1ea: {  	v6 =	vld [tilespmem:s7+$0x7400]  }
0x1eb: {  	v1 =	vld [tilespmem:s7+$0x14010]  }
0x1ec: {  	v3 =	vld [tilespmem:s7+$0x7410]  }
0x1ed: {  	v0 =	vld [tilespmem:s7+$0x14020];
	v7 =	vadd.f32 v4, v2  }
0x1ee: {  	s8 =	simm.s32 $0x80;
	v4 =	vld [tilespmem:s7+$0x7420]  }
0x1ef: {  	s10 =	simm.s32 $0x400;
	v2 =	vld [tilespmem:s8+$0x14030];
	v5 =	vadd.f32 v6, v5;
	[tilespmem:s7+$0x1A830] =	vst v7  }
.LBB2_24:
0x1f0: {  	p0 =	sne.s32 s10, $0xBE00;
	v6 =	vld [tilespmem:s8+$0x7430]  }
0x1f1: {  	v7 =	vld [tilespmem:s8+$0x14000];
	[tilespmem:s7+$0x1A800] =	vst v5;
	v3 =	vadd.f32 v3, v1  }
0x1f2: {  	v5 =	vld [tilespmem:s8+$0x7400]  }
.Ltmp11:
0x1f3: {  	v1 =	vld [tilespmem:s8+$0x14010];
	[tilespmem:s7+$0x1A810] =	vst v3;
	v4 =	vadd.f32 v4, v0;
	(pc) =	sbr.rel @p0 .LBB2_24-.Ltmp11, $4  }
0x1f4: {  	v3 =	vld [tilespmem:s8+$0x7410]  }
0x1f5: {  	v0 =	vld [tilespmem:s8+$0x14020];
	v6 =	vadd.f32 v6, v2;
	[tilespmem:s7+$0x1A820] =	vst v4;
	s7 =	smov.u32 s8  }
0x1f6: {  	s8 =	sshra.s32 s10, $0x2;
	v4 =	vld [tilespmem:s7+$0x7420]  }
0x1f7: {  	s10 =	sadd.s32 $0x200, s10;
	v2 =	vld [tilespmem:s8+$0x14030];
	v5 =	vadd.f32 v5, v7;
	[tilespmem:s7+$0x1A830] =	vst v6  }
0x1f8: {  	v6 =	vld [tilespmem:s8+$0x7430]  }
0x1f9: {  	v7 =	vld [tilespmem:s8+$0x14000];
	[tilespmem:s7+$0x1A800] =	vst v5;
	v1 =	vadd.f32 v3, v1  }
0x1fa: {  	v62 =	vld [tilespmem:s8+$0x7400]  }
0x1fb: {  	v5 =	vld [tilespmem:s8+$0x14010];
	[tilespmem:s7+$0x1A810] =	vst v1;
	v0 =	vadd.f32 v4, v0  }
0x1fc: {  	v1 =	vld [tilespmem:s8+$0x7410]  }
0x1fd: {  	v63 =	vld [tilespmem:s8+$0x14020];
	[tilespmem:s7+$0x1A820] =	vst v0  }
0x1fe: {  	v0 =	vld [tilespmem:s8+$0x7420];
	_ =	sdelay $0x1  }
0x1ff: {  	v2 =	vadd.f32 v6, v2  }
0x200: {  	v3 =	vadd.f32 v62, v7  }
0x201: {  	[tilespmem:s8+$0x1A830] =	vst v2;
	v1 =	vadd.f32 v1, v5  }
0x202: {  	[tilespmem:s8+$0x1A800] =	vst v3;
	v0 =	vadd.f32 v0, v63  }
0x203: {  	[tilespmem:s8+$0x1A810] =	vst v1  }
0x204: {  	s22 =	rddreg [dreg:$0x7];
	[tilespmem:s8+$0x1A820] =	vst v0  }
0x205: {  	[hbm4b:s22+s3] =	stream.linear.scatter [tilespmem:s0], [sflag:$0x7], $0x3000, $0x38;
	[tilespmem:$0x1DC00] =	vst v63  }
0x206: {  	_ =	swait.ge [sflag:s15], $0x3400  }
0x207: {  	[sflag:s15] =	ssyncset.done $0x0  }
0x208: {  	[sflag:s15] =	ssyncadd.s32 $0xFFFFCC00  }
0x209: {  	_ =	swait.ge [sflag:s19], $0x3000  }
0x20a: {  	s24 =	rddreg [dreg:$0x9]  }
0x20b: {  	s29 =	rddreg [dreg:$0x8];
	s8 =	sadd.s32 $0x1, s24  }
0x20c: {  	p0 =	sne.s32 s8, s29  }
.Ltmp12:
0x20d: {  	_ = 	snop;
	(pc) =	sbr.rel @p0 .LBB2_1-.Ltmp12, $3  }
0x20e: {  	_ =	sdelay $0x1  }
0x20f: {  	[sflag:s19] =	ssyncset.done $0x0  }
0x210: {  	[sflag:s19] =	ssyncadd.s32 $0xFFFFD000  }
0x211: {  	_ =	sfence.sel $0x180000  }
0x212: {  	[bflag:$0x0] =	sbarrier.arrive $0xFFFF  }
0x213: {  	_ =	strace $0x90000047  }
0x214: {  	s0 =	stileid.u32;
	[bflag:$0x2] =	sbarrier.arrive $0xFFFF  }
0x215: {  	p0 =	sne.s32 s0, $0x0;
	s0 =	rddreg [dreg:$0x2]  }
0x216: {  	s0 =	sadd.s32 @!p0 $0x100000, s0  }
0x217: {  	[sflag:s0] =	ssyncadd.tile.s32 @!p0 $0x1;
	_ =	shalt  }
.Lfunc_end2:
_tile_overlayer_lowered:
.L_overlay_start_2:
0x218: {  	(tag) =	ssettag $0x2  }
0x219: {  	s0 =	rddreg [dreg:$0x0];
	s2 =	stileid.u32  }
0x21a: {  	s1 =	rddreg [dreg:$0x1];
	p0 =	sne.s32 s2, $0x0  }
0x21b: {  	s3 =	rddreg [dreg:$0x2];
	[bflag:$0x3] =	sbarrier.arrive $0xFFFF;
	s2 =	simm.s32 @!p0 $0x1C08  }
0x21c: {  	[timem:s3], [sflag:s2] =	dma.local @!p0 [hbm:s0], s1  }
0x21d: {  	s0 =	simm.s32 @!p0 $0x8  }
0x21e: {  	_ =	swait.ge @!p0 [sflag:s0], s1  }
0x21f: {  	s1 =	ssub.s32 @!p0 $0x0, s1;
	[sflag:s0] =	ssyncset.done @!p0 $0x0  }
0x220: {  	[sflag:s0] =	ssyncadd.s32 @!p0 s1  }
0x221: {  	[bflag:$0x3] =	sbarrier.arrive $0xFFFF  }
0x222: {  	_ =	shalt  }

</sc_bundles>
